<compile_context>
chip_gen: v7x
topology: tpu7x:2x2x1
jax: 0.10.2.dev20260603
libtpu: 0.0.44.dev20260713+nightly
codegen_flags: <defaults>
</compile_context>

<pallas_src>
import functools

import jax
import jax.numpy as jnp
from jax import lax
from jax.experimental import pallas as pl
from jax.experimental.pallas import tpu as pltpu
from jax.experimental.pallas import tpu_sc as plsc

N = 10000
E = 160000
IN_C = 128
OUT_H = 4
T = 16
GW = 128
CW = 16
NC = 2
NS = 16
NW = NC * NS
EPW = E // NW
CH = 50
NCHUNK = EPW // CH
NACC = 10240
RPT = NACC // NS
ZR = 40
BN = 2000


def _tc_prep_body(x_ref, gn_ref, bn_ref, gr_ref, br_ref, rn_ref, rr_ref,
                  bias_ref, gcat_ref, c16_ref, base_ref):
    x = x_ref[...]
    out_parts = []
    base_parts = []
    for g_ref, b_ref, rhs_ref in ((gn_ref, bn_ref, rn_ref),
                                  (gr_ref, br_ref, rr_ref)):
        mu = jnp.mean(x, axis=-1, keepdims=True)
        var = jnp.mean((x - mu) ** 2, axis=-1, keepdims=True)
        h = (x - mu) / jnp.sqrt(var + 1e-5) * g_ref[...] + b_ref[...]
        h = jax.nn.relu(h)
        p = jnp.dot(h, rhs_ref[...], precision="highest",
                    preferred_element_type=jnp.float32)
        out_parts.append(p)
    pn, pr = out_parts
    zeros = jnp.zeros((x.shape[0], 8), jnp.float32)
    gcat_ref[...] = jnp.concatenate([pn[:, :64], pr[:, :64]], axis=-1)
    c16_ref[...] = jnp.concatenate(
        [pn[:, 64:68], pr[:, 64:68], zeros], axis=-1)
    base_ref[...] = jnp.concatenate(
        [pn[:, 68:72], pr[:, 68:72]], axis=-1) + bias_ref[...]


def _sc_edge_body(gcat_hbm, c16_hbm, ea_hbm, src_hbm, dst_hbm,
                  outg_hbm, outc_hbm,
                  qshg, qshc, srcall, dstall, av, arv, rows, crows,
                  zbuf, zbufc, sem0, sem1):
    cid = lax.axis_index("c")
    sid = lax.axis_index("s")
    wid = sid * NC + cid
    sems = (sem0, sem1)

    z16 = jnp.zeros((16,), jnp.float32)

    def zfill(i, _):
        for c in range(GW // 16):
            zbuf[i, pl.ds(16 * c, 16)] = z16
        zbufc[i, :] = z16
        return 0

    lax.fori_loop(0, ZR, zfill, 0)
    for j in range(RPT // ZR):
        pltpu.sync_copy(zbuf, qshg.at[pl.ds(sid * RPT + j * ZR, ZR)])
        pltpu.sync_copy(zbufc, qshc.at[pl.ds(sid * RPT + j * ZR, ZR)])
    plsc.subcore_barrier()

    pltpu.sync_copy(src_hbm.at[wid], srcall)
    pltpu.sync_copy(dst_hbm.at[wid], dstall)

    def issue(k, b):
        base = wid * EPW + k * CH
        pltpu.async_copy(ea_hbm.at[pl.ds(base, CH)], av.at[b], sems[b])
        pltpu.async_copy(ea_hbm.at[pl.ds(E - base - CH, CH)], arv.at[b],
                         sems[b])
        pltpu.async_copy(gcat_hbm.at[srcall.at[k]], rows.at[b], sems[b])
        pltpu.async_copy(c16_hbm.at[srcall.at[k]], crows.at[b], sems[b])

    def drain(b):
        pltpu.make_async_copy(ea_hbm.at[pl.ds(0, CH)], av.at[b],
                              sems[b]).wait()
        pltpu.make_async_copy(ea_hbm.at[pl.ds(0, CH)], arv.at[b],
                              sems[b]).wait()
        pltpu.make_async_copy(gcat_hbm.at[pl.ds(0, CH)], rows.at[b],
                              sems[b]).wait()
        pltpu.make_async_copy(c16_hbm.at[pl.ds(0, CH)], crows.at[b],
                              sems[b]).wait()

    issue(0, 0)

    def outer(g, _):
        for b in range(2):
            k = 2 * g + b
            nb = 1 - b

            @pl.when(k + 1 < NCHUNK)
            def _():
                issue(k + 1, nb)

            drain(b)
            rb = rows.at[b]
            avb = av.at[b]
            arvb = arv.at[b]

            def edge(i, _):
                an = avb[i, :]
                ar = arvb[CH - 1 - i, :]
                for c in range(4):
                    rb[i, pl.ds(16 * c, 16)] = rb[i, pl.ds(16 * c, 16)] * an
                for c in range(4, 8):
                    rb[i, pl.ds(16 * c, 16)] = rb[i, pl.ds(16 * c, 16)] * ar
                return 0

            lax.fori_loop(0, CH, edge, 0)
            pltpu.sync_copy(rb, qshg.at[dstall.at[k]], add=True)
            pltpu.sync_copy(crows.at[b], qshc.at[dstall.at[k]], add=True)
        return 0

    lax.fori_loop(0, NCHUNK // 2, outer, 0)
    plsc.subcore_barrier()
    pltpu.sync_copy(qshg.at[pl.ds(sid * RPT, RPT)],
                    outg_hbm.at[cid, pl.ds(sid * RPT, RPT)])
    pltpu.sync_copy(qshc.at[pl.ds(sid * RPT, RPT)],
                    outc_hbm.at[cid, pl.ds(sid * RPT, RPT)])


def _tc_finish_body(pg_ref, pc_ref, base_ref, out_ref):
    k = lax.broadcasted_iota(jnp.int32, (GW, 8), 0)
    c = lax.broadcasted_iota(jnp.int32, (GW, 8), 1)
    s = jnp.where(k // 16 == c, 1.0, 0.0).astype(jnp.float32)
    pg = pg_ref[0] + pg_ref[1]
    pc = pc_ref[0] + pc_ref[1]
    out_ref[...] = base_ref[...] + pc[:, :8] + jnp.dot(
        pg, s, precision="highest", preferred_element_type=jnp.float32)


def kernel(x, edge_index, edge_attr, ln_g_n, ln_b_n, ew_n, eb_n, root_n, b_n,
           ln_g_r, ln_b_r, ew_r, eb_r, root_r, b_r):
    def rhs(ew, eb, root):
        w = ew.reshape(IN_C, OUT_H, T).reshape(IN_C, OUT_H * T)
        return jnp.concatenate([w, eb.reshape(IN_C, OUT_H), root], axis=1)

    rhs_n = rhs(ew_n, eb_n, root_n)
    rhs_r = rhs(ew_r, eb_r, root_r)
    bias = jnp.concatenate([b_n, b_r]).reshape(1, 8)

    grid = N // BN
    full = lambda s: pl.BlockSpec(s, lambda j: (0,) * len(s))
    gcat, c16, base = pl.pallas_call(
        _tc_prep_body,
        grid=(grid,),
        in_specs=[
            pl.BlockSpec((BN, IN_C), lambda j: (j, 0)),
            full((1, IN_C)), full((1, IN_C)),
            full((1, IN_C)), full((1, IN_C)),
            full((IN_C, 72)), full((IN_C, 72)),
            full((1, 8)),
        ],
        out_specs=[
            pl.BlockSpec((BN, GW), lambda j: (j, 0)),
            pl.BlockSpec((BN, CW), lambda j: (j, 0)),
            pl.BlockSpec((BN, 8), lambda j: (j, 0)),
        ],
        out_shape=[
            jax.ShapeDtypeStruct((N, GW), jnp.float32),
            jax.ShapeDtypeStruct((N, CW), jnp.float32),
            jax.ShapeDtypeStruct((N, 8), jnp.float32),
        ],
    )(x, ln_g_n.reshape(1, IN_C), ln_b_n.reshape(1, IN_C),
      ln_g_r.reshape(1, IN_C), ln_b_r.reshape(1, IN_C),
      rhs_n, rhs_r, bias)

    mesh = plsc.VectorSubcoreMesh(core_axis_name="c", subcore_axis_name="s",
                                  num_cores=NC, num_subcores=NS)
    partg, partc = pl.kernel(
        _sc_edge_body,
        out_type=[
            jax.ShapeDtypeStruct((NC, NACC, GW), jnp.float32),
            jax.ShapeDtypeStruct((NC, NACC, CW), jnp.float32),
        ],
        mesh=mesh,
        compiler_params=pltpu.CompilerParams(use_tc_tiling_on_sc=False),
        scratch_types=[
            pltpu.VMEM_SHARED((NACC, GW), jnp.float32),
            pltpu.VMEM_SHARED((NACC, CW), jnp.float32),
            pltpu.VMEM((NCHUNK, CH), jnp.int32),
            pltpu.VMEM((NCHUNK, CH), jnp.int32),
            pltpu.VMEM((2, CH, T), jnp.float32),
            pltpu.VMEM((2, CH, T), jnp.float32),
            pltpu.VMEM((2, CH, GW), jnp.float32),
            pltpu.VMEM((2, CH, CW), jnp.float32),
            pltpu.VMEM((ZR, GW), jnp.float32),
            pltpu.VMEM((ZR, CW), jnp.float32),
            pltpu.SemaphoreType.DMA,
            pltpu.SemaphoreType.DMA,
        ],
    )(gcat, c16, edge_attr,
      edge_index[0].reshape(NW, NCHUNK, CH),
      edge_index[1].reshape(NW, NCHUNK, CH))

    out = pl.pallas_call(
        _tc_finish_body,
        grid=(grid,),
        in_specs=[
            pl.BlockSpec((NC, BN, GW), lambda j: (0, j, 0)),
            pl.BlockSpec((NC, BN, CW), lambda j: (0, j, 0)),
            pl.BlockSpec((BN, 8), lambda j: (j, 0)),
        ],
        out_specs=pl.BlockSpec((BN, 8), lambda j: (j, 0)),
        out_shape=jax.ShapeDtypeStruct((N, 8), jnp.float32),
    )(partg, partc, base)
    return out

# --- scband reference (transcript-rebuilt; emitter-appended) ---
"""Pipeline reference for scband-bi-graph-33930241638505 (READ-ONLY COPY).

The authoritative reference and input builder live on the scoring server;
editing this copy changes nothing except your own understanding.
"""

import jax, jax.numpy as jnp
import numpy as np

N = 10000
E = 160000
IN_C = 128
OUT_C = 8
OUT_H = OUT_C // 2
T = 16


def _layernorm(x, g, b):
    mu = jnp.mean(x, axis=-1, keepdims=True)
    var = jnp.mean((x - mu) ** 2, axis=-1, keepdims=True)
    return (x - mu) / jnp.sqrt(var + 1e-5) * g + b


def _edgeconv(x, edge_index, edge_attr, ln_g, ln_b, ew, eb, root, bias):
    # pre: LayerNorm -> ReLU -> Dropout(eval: identity)
    h = jax.nn.relu(_layernorm(x, ln_g, ln_b))
    # NNConv (ECConv): per-edge weight matrix from edge_nn
    w = (edge_attr @ ew.T + eb).reshape(-1, IN_C, OUT_H)
    src = edge_index[0]
    dst = edge_index[1]
    msg = jnp.einsum('ei,eio->eo', h[src], w)
    aggr = jnp.zeros((N, OUT_H), dtype=jnp.float32).at[dst].add(msg)
    return aggr + h @ root + bias


def setup_inputs(seed: int = 0):
    key = jax.random.key(seed)
    ks = jax.random.split(key, 16)
    inp = {}
    inp['x'] = jax.random.normal(ks[0], (N, IN_C), dtype=jnp.float32)
    inp['edge_index'] = jax.random.randint(ks[1], (2, E), 0, N, dtype=jnp.int32)
    inp['edge_attr'] = jax.random.normal(ks[2], (E, T), dtype=jnp.float32)
    # branch 'n' params
    inp['ln_g_n'] = jnp.ones((IN_C,), dtype=jnp.float32)
    inp['ln_b_n'] = jnp.zeros((IN_C,), dtype=jnp.float32)
    inp['ew_n'] = jax.random.normal(ks[3], (IN_C * OUT_H, T), dtype=jnp.float32) * 0.05
    inp['eb_n'] = jnp.zeros((IN_C * OUT_H,), dtype=jnp.float32)
    inp['root_n'] = jax.random.normal(ks[4], (IN_C, OUT_H), dtype=jnp.float32) * 0.05
    inp['b_n'] = jnp.zeros((OUT_H,), dtype=jnp.float32)
    # branch 'r' params
    inp['ln_g_r'] = jnp.ones((IN_C,), dtype=jnp.float32)
    inp['ln_b_r'] = jnp.zeros((IN_C,), dtype=jnp.float32)
    inp['ew_r'] = jax.random.normal(ks[5], (IN_C * OUT_H, T), dtype=jnp.float32) * 0.05
    inp['eb_r'] = jnp.zeros((IN_C * OUT_H,), dtype=jnp.float32)
    inp['root_r'] = jax.random.normal(ks[6], (IN_C, OUT_H), dtype=jnp.float32) * 0.05
    inp['b_r'] = jnp.zeros((OUT_H,), dtype=jnp.float32)
    return inp


def reference(x, edge_index, edge_attr, ln_g_n, ln_b_n, ew_n, eb_n, root_n, b_n, ln_g_r, ln_b_r, ew_r, eb_r, root_r, b_r):
    out_n = _edgeconv(x, edge_index, edge_attr, ln_g_n, ln_b_n, ew_n, eb_n, root_n, b_n)
    # torch.flip(edge_index, dims=[-1]) reverses edge ORDER (last dim), faithfully reproduced
    edge_r = jnp.flip(edge_index, axis=-1)
    out_r = _edgeconv(x, edge_r, edge_attr, ln_g_r, ln_b_r, ew_r, eb_r, root_r, b_r)
    return jnp.concatenate([out_n, out_r], axis=-1)

if __name__ == "__main__":
    import jax
    _d = setup_inputs()
    print(jax.jit(kernel)(*tuple(_d.values())))

</pallas_src>

<mosaic_0001>
#map = affine_map<(d0, d1) -> (0, 0)>
#map1 = affine_map<(d0, d1) -> (0, 0, 0)>
module attributes {stable_mosaic.version = 14 : i64} {
  func.func @_sc_edge_body(%arg0: i32, %arg1: i32, %arg2: memref<10000x128xf32, #tpu.memory_space<hbm>>, %arg3: memref<10000x16xf32, #tpu.memory_space<hbm>>, %arg4: memref<160000x16xf32, #tpu.memory_space<hbm>>, %arg5: memref<32x100x50xi32, #tpu.memory_space<hbm>>, %arg6: memref<32x100x50xi32, #tpu.memory_space<hbm>>, %arg7: memref<2x10240x128xf32, #tpu.memory_space<hbm>>, %arg8: memref<2x10240x16xf32, #tpu.memory_space<hbm>>, %arg9: memref<10240x128xf32, #tpu.memory_space<vmem_shared>>, %arg10: memref<10240x16xf32, #tpu.memory_space<vmem_shared>>, %arg11: memref<100x50xi32, #tpu.memory_space<vmem>>, %arg12: memref<100x50xi32, #tpu.memory_space<vmem>>, %arg13: memref<2x50x16xf32, #tpu.memory_space<vmem>>, %arg14: memref<2x50x16xf32, #tpu.memory_space<vmem>>, %arg15: memref<2x50x128xf32, #tpu.memory_space<vmem>>, %arg16: memref<2x50x16xf32, #tpu.memory_space<vmem>>, %arg17: memref<40x128xf32, #tpu.memory_space<vmem>>, %arg18: memref<40x16xf32, #tpu.memory_space<vmem>>, %arg19: memref<!tpu.dma_semaphore, #tpu.memory_space<semaphore_mem>>, %arg20: memref<!tpu.dma_semaphore, #tpu.memory_space<semaphore_mem>>) attributes {dimension_semantics = [#tpu.dimension_semantics<core_parallel>, #tpu.dimension_semantics<subcore_parallel>], iteration_bounds = array<i64: 2, 16>, scalar_prefetch = 0 : i64, scratch_operands = 12 : i64, tpu.core_type = #tpu.core_type<sc_vector_subcore>, window_params = [{transform_indices = #map}, {transform_indices = #map}, {transform_indices = #map}, {transform_indices = #map1}, {transform_indices = #map1}, {transform_indices = #map1}, {transform_indices = #map1}]} {
    %mul3A = arith.constant 2 : i32
    %mul3A_0 = arith.muli %arg1, %mul3A : i32
    %add3A = arith.addi %mul3A_0, %arg0 : i32
    %broadcast_in_dim3A = arith.constant 0.000000e+00 : f32
    %broadcast_in_dim3A_1 = vector.broadcast %broadcast_in_dim3A : f32 to vector<16xf32>
    %scan3A = arith.constant 0 : i32
    %scan3A_2 = arith.constant 0 : i32
    %scan3A_3 = arith.constant 40 : i32
    %scan3A_4 = arith.addi %scan3A_2, %scan3A_3 : i32
    %scan3A_5 = arith.constant 1 : i32
    %scan3A_6 = scf.for %scan3A_208 = %scan3A_2 to %scan3A_4 step %scan3A_5 iter_args(%scan3A_209 = %scan3A) -> (i32)  : i32 {
      %swap3A = arith.index_cast %scan3A_208 : i32 to index
      %swap3A_210 = arith.constant 0 : index
      %swap3A_211 = tpu.vector_load %arg17[%swap3A, %swap3A_210] {strides = array<i32>} : memref<40x128xf32, #tpu.memory_space<vmem>>, vector<1x16xf32>,
      %swap3A_212 = vector.shape_cast %swap3A_211 : vector<1x16xf32> to vector<16xf32>
      %swap3A_213 = vector.shape_cast %broadcast_in_dim3A_1 : vector<16xf32> to vector<1x16xf32>
      tpu.vector_store %arg17[%swap3A, %swap3A_210], %swap3A_213 {strides = array<i32>} : memref<40x128xf32, #tpu.memory_space<vmem>>, vector<1x16xf32>,
      %swap3A_214 = arith.index_cast %scan3A_208 : i32 to index
      %swap3A_215 = arith.constant 16 : index
      %swap3A_216 = tpu.vector_load %arg17[%swap3A_214, %swap3A_215] {strides = array<i32>} : memref<40x128xf32, #tpu.memory_space<vmem>>, vector<1x16xf32>,
      %swap3A_217 = vector.shape_cast %swap3A_216 : vector<1x16xf32> to vector<16xf32>
      %swap3A_218 = vector.shape_cast %broadcast_in_dim3A_1 : vector<16xf32> to vector<1x16xf32>
      tpu.vector_store %arg17[%swap3A_214, %swap3A_215], %swap3A_218 {strides = array<i32>} : memref<40x128xf32, #tpu.memory_space<vmem>>, vector<1x16xf32>,
      %swap3A_219 = arith.index_cast %scan3A_208 : i32 to index
      %swap3A_220 = arith.constant 32 : index
      %swap3A_221 = tpu.vector_load %arg17[%swap3A_219, %swap3A_220] {strides = array<i32>} : memref<40x128xf32, #tpu.memory_space<vmem>>, vector<1x16xf32>,
      %swap3A_222 = vector.shape_cast %swap3A_221 : vector<1x16xf32> to vector<16xf32>
      %swap3A_223 = vector.shape_cast %broadcast_in_dim3A_1 : vector<16xf32> to vector<1x16xf32>
      tpu.vector_store %arg17[%swap3A_219, %swap3A_220], %swap3A_223 {strides = array<i32>} : memref<40x128xf32, #tpu.memory_space<vmem>>, vector<1x16xf32>,
      %swap3A_224 = arith.index_cast %scan3A_208 : i32 to index
      %swap3A_225 = arith.constant 48 : index
      %swap3A_226 = tpu.vector_load %arg17[%swap3A_224, %swap3A_225] {strides = array<i32>} : memref<40x128xf32, #tpu.memory_space<vmem>>, vector<1x16xf32>,
      %swap3A_227 = vector.shape_cast %swap3A_226 : vector<1x16xf32> to vector<16xf32>
      %swap3A_228 = vector.shape_cast %broadcast_in_dim3A_1 : vector<16xf32> to vector<1x16xf32>
      tpu.vector_store %arg17[%swap3A_224, %swap3A_225], %swap3A_228 {strides = array<i32>} : memref<40x128xf32, #tpu.memory_space<vmem>>, vector<1x16xf32>,
      %swap3A_229 = arith.index_cast %scan3A_208 : i32 to index
      %swap3A_230 = arith.constant 64 : index
      %swap3A_231 = tpu.vector_load %arg17[%swap3A_229, %swap3A_230] {strides = array<i32>} : memref<40x128xf32, #tpu.memory_space<vmem>>, vector<1x16xf32>,
      %swap3A_232 = vector.shape_cast %swap3A_231 : vector<1x16xf32> to vector<16xf32>
      %swap3A_233 = vector.shape_cast %broadcast_in_dim3A_1 : vector<16xf32> to vector<1x16xf32>
      tpu.vector_store %arg17[%swap3A_229, %swap3A_230], %swap3A_233 {strides = array<i32>} : memref<40x128xf32, #tpu.memory_space<vmem>>, vector<1x16xf32>,
      %swap3A_234 = arith.index_cast %scan3A_208 : i32 to index
      %swap3A_235 = arith.constant 80 : index
      %swap3A_236 = tpu.vector_load %arg17[%swap3A_234, %swap3A_235] {strides = array<i32>} : memref<40x128xf32, #tpu.memory_space<vmem>>, vector<1x16xf32>,
      %swap3A_237 = vector.shape_cast %swap3A_236 : vector<1x16xf32> to vector<16xf32>
      %swap3A_238 = vector.shape_cast %broadcast_in_dim3A_1 : vector<16xf32> to vector<1x16xf32>
      tpu.vector_store %arg17[%swap3A_234, %swap3A_235], %swap3A_238 {strides = array<i32>} : memref<40x128xf32, #tpu.memory_space<vmem>>, vector<1x16xf32>,
      %swap3A_239 = arith.index_cast %scan3A_208 : i32 to index
      %swap3A_240 = arith.constant 96 : index
      %swap3A_241 = tpu.vector_load %arg17[%swap3A_239, %swap3A_240] {strides = array<i32>} : memref<40x128xf32, #tpu.memory_space<vmem>>, vector<1x16xf32>,
      %swap3A_242 = vector.shape_cast %swap3A_241 : vector<1x16xf32> to vector<16xf32>
      %swap3A_243 = vector.shape_cast %broadcast_in_dim3A_1 : vector<16xf32> to vector<1x16xf32>
      tpu.vector_store %arg17[%swap3A_239, %swap3A_240], %swap3A_243 {strides = array<i32>} : memref<40x128xf32, #tpu.memory_space<vmem>>, vector<1x16xf32>,
      %swap3A_244 = arith.index_cast %scan3A_208 : i32 to index
      %swap3A_245 = arith.constant 112 : index
      %swap3A_246 = tpu.vector_load %arg17[%swap3A_244, %swap3A_245] {strides = array<i32>} : memref<40x128xf32, #tpu.memory_space<vmem>>, vector<1x16xf32>,
      %swap3A_247 = vector.shape_cast %swap3A_246 : vector<1x16xf32> to vector<16xf32>
      %swap3A_248 = vector.shape_cast %broadcast_in_dim3A_1 : vector<16xf32> to vector<1x16xf32>
      tpu.vector_store %arg17[%swap3A_244, %swap3A_245], %swap3A_248 {strides = array<i32>} : memref<40x128xf32, #tpu.memory_space<vmem>>, vector<1x16xf32>,
      %swap3A_249 = arith.index_cast %scan3A_208 : i32 to index
      %swap3A_250 = arith.constant 0 : index
      %swap3A_251 = tpu.vector_load %arg18[%swap3A_249, %swap3A_250] {strides = array<i32>} : memref<40x16xf32, #tpu.memory_space<vmem>>, vector<1x16xf32>,
      %swap3A_252 = vector.shape_cast %swap3A_251 : vector<1x16xf32> to vector<16xf32>
      %swap3A_253 = vector.shape_cast %broadcast_in_dim3A_1 : vector<16xf32> to vector<1x16xf32>
      tpu.vector_store %arg18[%swap3A_249, %swap3A_250], %swap3A_253 {strides = array<i32>} : memref<40x16xf32, #tpu.memory_space<vmem>>, vector<1x16xf32>,
      %scan3A_254 = arith.constant 0 : i32
      scf.yield %scan3A_254 : i32
    }
    %scan3A_7 = arith.constant 40 : i32
    %mul3A_8 = arith.constant 640 : i32
    %mul3A_9 = arith.muli %arg1, %mul3A_8 : i32
    %add3A_10 = arith.constant 0 : i32
    %add3A_11 = arith.addi %mul3A_9, %add3A_10 : i32
    "tpu.region"() ({
      %run_scoped3A = tpu.sem_alloc : memref<!tpu.dma_semaphore, #tpu.memory_space<semaphore_mem>>
      %dma_start3A_208 = arith.constant 0 : i32
      %dma_start3A_209 = tpu.memref_slice %arg9[%add3A_11, %dma_start3A_208] : memref<10240x128xf32, #tpu.memory_space<vmem_shared>> -> memref<40x128xf32, #tpu.memory_space<vmem_shared>>
      %dma_start3A_210 = arith.constant 0 : i32
      %dma_start3A_211 = tpu.memref_slice %arg9[%add3A_11, %dma_start3A_210] : memref<10240x128xf32, #tpu.memory_space<vmem_shared>> -> memref<40x128xf32, #tpu.memory_space<vmem_shared>>
      tpu.enqueue_dma source(%arg17 : memref<40x128xf32, #tpu.memory_space<vmem>>) target(%dma_start3A_211 : memref<40x128xf32, #tpu.memory_space<vmem_shared>>) target_semaphore(%run_scoped3A : memref<!tpu.dma_semaphore, #tpu.memory_space<semaphore_mem>>)
      %dma_wait3A = arith.constant 0 : i32
      %dma_wait3A_212 = tpu.memref_slice %arg9[%add3A_11, %dma_wait3A] : memref<10240x128xf32, #tpu.memory_space<vmem_shared>> -> memref<40x128xf32, #tpu.memory_space<vmem_shared>>
      %dma_wait3A_213 = arith.constant 0 : i32
      %dma_wait3A_214 = tpu.memref_slice %arg9[%add3A_11, %dma_wait3A_213] : memref<10240x128xf32, #tpu.memory_space<vmem_shared>> -> memref<40x128xf32, #tpu.memory_space<vmem_shared>>
      tpu.wait_dma2 semaphore(%run_scoped3A : memref<!tpu.dma_semaphore, #tpu.memory_space<semaphore_mem>>) src(%arg17 : memref<40x128xf32, #tpu.memory_space<vmem>>) dst(%dma_wait3A_214 : memref<40x128xf32, #tpu.memory_space<vmem_shared>>)
      tpu.yield
    }) : () -> ()
    %mul3A_12 = arith.constant 640 : i32
    %mul3A_13 = arith.muli %arg1, %mul3A_12 : i32
    %add3A_14 = arith.constant 0 : i32
    %add3A_15 = arith.addi %mul3A_13, %add3A_14 : i32
    "tpu.region"() ({
      %run_scoped3A = tpu.sem_alloc : memref<!tpu.dma_semaphore, #tpu.memory_space<semaphore_mem>>
      %dma_start3A_208 = arith.constant 0 : i32
      %dma_start3A_209 = tpu.memref_slice %arg10[%add3A_15, %dma_start3A_208] : memref<10240x16xf32, #tpu.memory_space<vmem_shared>> -> memref<40x16xf32, #tpu.memory_space<vmem_shared>>
      %dma_start3A_210 = arith.constant 0 : i32
      %dma_start3A_211 = tpu.memref_slice %arg10[%add3A_15, %dma_start3A_210] : memref<10240x16xf32, #tpu.memory_space<vmem_shared>> -> memref<40x16xf32, #tpu.memory_space<vmem_shared>>
      tpu.enqueue_dma source(%arg18 : memref<40x16xf32, #tpu.memory_space<vmem>>) target(%dma_start3A_211 : memref<40x16xf32, #tpu.memory_space<vmem_shared>>) target_semaphore(%run_scoped3A : memref<!tpu.dma_semaphore, #tpu.memory_space<semaphore_mem>>)
      %dma_wait3A = arith.constant 0 : i32
      %dma_wait3A_212 = tpu.memref_slice %arg10[%add3A_15, %dma_wait3A] : memref<10240x16xf32, #tpu.memory_space<vmem_shared>> -> memref<40x16xf32, #tpu.memory_space<vmem_shared>>
      %dma_wait3A_213 = arith.constant 0 : i32
      %dma_wait3A_214 = tpu.memref_slice %arg10[%add3A_15, %dma_wait3A_213] : memref<10240x16xf32, #tpu.memory_space<vmem_shared>> -> memref<40x16xf32, #tpu.memory_space<vmem_shared>>
      tpu.wait_dma2 semaphore(%run_scoped3A : memref<!tpu.dma_semaphore, #tpu.memory_space<semaphore_mem>>) src(%arg18 : memref<40x16xf32, #tpu.memory_space<vmem>>) dst(%dma_wait3A_214 : memref<40x16xf32, #tpu.memory_space<vmem_shared>>)
      tpu.yield
    }) : () -> ()
    %mul3A_16 = arith.constant 640 : i32
    %mul3A_17 = arith.muli %arg1, %mul3A_16 : i32
    %add3A_18 = arith.constant 40 : i32
    %add3A_19 = arith.addi %mul3A_17, %add3A_18 : i32
    "tpu.region"() ({
      %run_scoped3A = tpu.sem_alloc : memref<!tpu.dma_semaphore, #tpu.memory_space<semaphore_mem>>
      %dma_start3A_208 = arith.constant 0 : i32
      %dma_start3A_209 = tpu.memref_slice %arg9[%add3A_19, %dma_start3A_208] : memref<10240x128xf32, #tpu.memory_space<vmem_shared>> -> memref<40x128xf32, #tpu.memory_space<vmem_shared>>
      %dma_start3A_210 = arith.constant 0 : i32
      %dma_start3A_211 = tpu.memref_slice %arg9[%add3A_19, %dma_start3A_210] : memref<10240x128xf32, #tpu.memory_space<vmem_shared>> -> memref<40x128xf32, #tpu.memory_space<vmem_shared>>
      tpu.enqueue_dma source(%arg17 : memref<40x128xf32, #tpu.memory_space<vmem>>) target(%dma_start3A_211 : memref<40x128xf32, #tpu.memory_space<vmem_shared>>) target_semaphore(%run_scoped3A : memref<!tpu.dma_semaphore, #tpu.memory_space<semaphore_mem>>)
      %dma_wait3A = arith.constant 0 : i32
      %dma_wait3A_212 = tpu.memref_slice %arg9[%add3A_19, %dma_wait3A] : memref<10240x128xf32, #tpu.memory_space<vmem_shared>> -> memref<40x128xf32, #tpu.memory_space<vmem_shared>>
      %dma_wait3A_213 = arith.constant 0 : i32
      %dma_wait3A_214 = tpu.memref_slice %arg9[%add3A_19, %dma_wait3A_213] : memref<10240x128xf32, #tpu.memory_space<vmem_shared>> -> memref<40x128xf32, #tpu.memory_space<vmem_shared>>
      tpu.wait_dma2 semaphore(%run_scoped3A : memref<!tpu.dma_semaphore, #tpu.memory_space<semaphore_mem>>) src(%arg17 : memref<40x128xf32, #tpu.memory_space<vmem>>) dst(%dma_wait3A_214 : memref<40x128xf32, #tpu.memory_space<vmem_shared>>)
      tpu.yield
    }) : () -> ()
    %mul3A_20 = arith.constant 640 : i32
    %mul3A_21 = arith.muli %arg1, %mul3A_20 : i32
    %add3A_22 = arith.constant 40 : i32
    %add3A_23 = arith.addi %mul3A_21, %add3A_22 : i32
    "tpu.region"() ({
      %run_scoped3A = tpu.sem_alloc : memref<!tpu.dma_semaphore, #tpu.memory_space<semaphore_mem>>
      %dma_start3A_208 = arith.constant 0 : i32
      %dma_start3A_209 = tpu.memref_slice %arg10[%add3A_23, %dma_start3A_208] : memref<10240x16xf32, #tpu.memory_space<vmem_shared>> -> memref<40x16xf32, #tpu.memory_space<vmem_shared>>
      %dma_start3A_210 = arith.constant 0 : i32
      %dma_start3A_211 = tpu.memref_slice %arg10[%add3A_23, %dma_start3A_210] : memref<10240x16xf32, #tpu.memory_space<vmem_shared>> -> memref<40x16xf32, #tpu.memory_space<vmem_shared>>
      tpu.enqueue_dma source(%arg18 : memref<40x16xf32, #tpu.memory_space<vmem>>) target(%dma_start3A_211 : memref<40x16xf32, #tpu.memory_space<vmem_shared>>) target_semaphore(%run_scoped3A : memref<!tpu.dma_semaphore, #tpu.memory_space<semaphore_mem>>)
      %dma_wait3A = arith.constant 0 : i32
      %dma_wait3A_212 = tpu.memref_slice %arg10[%add3A_23, %dma_wait3A] : memref<10240x16xf32, #tpu.memory_space<vmem_shared>> -> memref<40x16xf32, #tpu.memory_space<vmem_shared>>
      %dma_wait3A_213 = arith.constant 0 : i32
      %dma_wait3A_214 = tpu.memref_slice %arg10[%add3A_23, %dma_wait3A_213] : memref<10240x16xf32, #tpu.memory_space<vmem_shared>> -> memref<40x16xf32, #tpu.memory_space<vmem_shared>>
      tpu.wait_dma2 semaphore(%run_scoped3A : memref<!tpu.dma_semaphore, #tpu.memory_space<semaphore_mem>>) src(%arg18 : memref<40x16xf32, #tpu.memory_space<vmem>>) dst(%dma_wait3A_214 : memref<40x16xf32, #tpu.memory_space<vmem_shared>>)
      tpu.yield
    }) : () -> ()
    %mul3A_24 = arith.constant 640 : i32
    %mul3A_25 = arith.muli %arg1, %mul3A_24 : i32
    %add3A_26 = arith.constant 80 : i32
    %add3A_27 = arith.addi %mul3A_25, %add3A_26 : i32
    "tpu.region"() ({
      %run_scoped3A = tpu.sem_alloc : memref<!tpu.dma_semaphore, #tpu.memory_space<semaphore_mem>>
      %dma_start3A_208 = arith.constant 0 : i32
      %dma_start3A_209 = tpu.memref_slice %arg9[%add3A_27, %dma_start3A_208] : memref<10240x128xf32, #tpu.memory_space<vmem_shared>> -> memref<40x128xf32, #tpu.memory_space<vmem_shared>>
      %dma_start3A_210 = arith.constant 0 : i32
      %dma_start3A_211 = tpu.memref_slice %arg9[%add3A_27, %dma_start3A_210] : memref<10240x128xf32, #tpu.memory_space<vmem_shared>> -> memref<40x128xf32, #tpu.memory_space<vmem_shared>>
      tpu.enqueue_dma source(%arg17 : memref<40x128xf32, #tpu.memory_space<vmem>>) target(%dma_start3A_211 : memref<40x128xf32, #tpu.memory_space<vmem_shared>>) target_semaphore(%run_scoped3A : memref<!tpu.dma_semaphore, #tpu.memory_space<semaphore_mem>>)
      %dma_wait3A = arith.constant 0 : i32
      %dma_wait3A_212 = tpu.memref_slice %arg9[%add3A_27, %dma_wait3A] : memref<10240x128xf32, #tpu.memory_space<vmem_shared>> -> memref<40x128xf32, #tpu.memory_space<vmem_shared>>
      %dma_wait3A_213 = arith.constant 0 : i32
      %dma_wait3A_214 = tpu.memref_slice %arg9[%add3A_27, %dma_wait3A_213] : memref<10240x128xf32, #tpu.memory_space<vmem_shared>> -> memref<40x128xf32, #tpu.memory_space<vmem_shared>>
      tpu.wait_dma2 semaphore(%run_scoped3A : memref<!tpu.dma_semaphore, #tpu.memory_space<semaphore_mem>>) src(%arg17 : memref<40x128xf32, #tpu.memory_space<vmem>>) dst(%dma_wait3A_214 : memref<40x128xf32, #tpu.memory_space<vmem_shared>>)
      tpu.yield
    }) : () -> ()
    %mul3A_28 = arith.constant 640 : i32
    %mul3A_29 = arith.muli %arg1, %mul3A_28 : i32
    %add3A_30 = arith.constant 80 : i32
    %add3A_31 = arith.addi %mul3A_29, %add3A_30 : i32
    "tpu.region"() ({
      %run_scoped3A = tpu.sem_alloc : memref<!tpu.dma_semaphore, #tpu.memory_space<semaphore_mem>>
      %dma_start3A_208 = arith.constant 0 : i32
      %dma_start3A_209 = tpu.memref_slice %arg10[%add3A_31, %dma_start3A_208] : memref<10240x16xf32, #tpu.memory_space<vmem_shared>> -> memref<40x16xf32, #tpu.memory_space<vmem_shared>>
      %dma_start3A_210 = arith.constant 0 : i32
      %dma_start3A_211 = tpu.memref_slice %arg10[%add3A_31, %dma_start3A_210] : memref<10240x16xf32, #tpu.memory_space<vmem_shared>> -> memref<40x16xf32, #tpu.memory_space<vmem_shared>>
      tpu.enqueue_dma source(%arg18 : memref<40x16xf32, #tpu.memory_space<vmem>>) target(%dma_start3A_211 : memref<40x16xf32, #tpu.memory_space<vmem_shared>>) target_semaphore(%run_scoped3A : memref<!tpu.dma_semaphore, #tpu.memory_space<semaphore_mem>>)
      %dma_wait3A = arith.constant 0 : i32
      %dma_wait3A_212 = tpu.memref_slice %arg10[%add3A_31, %dma_wait3A] : memref<10240x16xf32, #tpu.memory_space<vmem_shared>> -> memref<40x16xf32, #tpu.memory_space<vmem_shared>>
      %dma_wait3A_213 = arith.constant 0 : i32
      %dma_wait3A_214 = tpu.memref_slice %arg10[%add3A_31, %dma_wait3A_213] : memref<10240x16xf32, #tpu.memory_space<vmem_shared>> -> memref<40x16xf32, #tpu.memory_space<vmem_shared>>
      tpu.wait_dma2 semaphore(%run_scoped3A : memref<!tpu.dma_semaphore, #tpu.memory_space<semaphore_mem>>) src(%arg18 : memref<40x16xf32, #tpu.memory_space<vmem>>) dst(%dma_wait3A_214 : memref<40x16xf32, #tpu.memory_space<vmem_shared>>)
      tpu.yield
    }) : () -> ()
    %mul3A_32 = arith.constant 640 : i32
    %mul3A_33 = arith.muli %arg1, %mul3A_32 : i32
    %add3A_34 = arith.constant 120 : i32
    %add3A_35 = arith.addi %mul3A_33, %add3A_34 : i32
    "tpu.region"() ({
      %run_scoped3A = tpu.sem_alloc : memref<!tpu.dma_semaphore, #tpu.memory_space<semaphore_mem>>
      %dma_start3A_208 = arith.constant 0 : i32
      %dma_start3A_209 = tpu.memref_slice %arg9[%add3A_35, %dma_start3A_208] : memref<10240x128xf32, #tpu.memory_space<vmem_shared>> -> memref<40x128xf32, #tpu.memory_space<vmem_shared>>
      %dma_start3A_210 = arith.constant 0 : i32
      %dma_start3A_211 = tpu.memref_slice %arg9[%add3A_35, %dma_start3A_210] : memref<10240x128xf32, #tpu.memory_space<vmem_shared>> -> memref<40x128xf32, #tpu.memory_space<vmem_shared>>
      tpu.enqueue_dma source(%arg17 : memref<40x128xf32, #tpu.memory_space<vmem>>) target(%dma_start3A_211 : memref<40x128xf32, #tpu.memory_space<vmem_shared>>) target_semaphore(%run_scoped3A : memref<!tpu.dma_semaphore, #tpu.memory_space<semaphore_mem>>)
      %dma_wait3A = arith.constant 0 : i32
      %dma_wait3A_212 = tpu.memref_slice %arg9[%add3A_35, %dma_wait3A] : memref<10240x128xf32, #tpu.memory_space<vmem_shared>> -> memref<40x128xf32, #tpu.memory_space<vmem_shared>>
      %dma_wait3A_213 = arith.constant 0 : i32
      %dma_wait3A_214 = tpu.memref_slice %arg9[%add3A_35, %dma_wait3A_213] : memref<10240x128xf32, #tpu.memory_space<vmem_shared>> -> memref<40x128xf32, #tpu.memory_space<vmem_shared>>
      tpu.wait_dma2 semaphore(%run_scoped3A : memref<!tpu.dma_semaphore, #tpu.memory_space<semaphore_mem>>) src(%arg17 : memref<40x128xf32, #tpu.memory_space<vmem>>) dst(%dma_wait3A_214 : memref<40x128xf32, #tpu.memory_space<vmem_shared>>)
      tpu.yield
    }) : () -> ()
    %mul3A_36 = arith.constant 640 : i32
    %mul3A_37 = arith.muli %arg1, %mul3A_36 : i32
    %add3A_38 = arith.constant 120 : i32
    %add3A_39 = arith.addi %mul3A_37, %add3A_38 : i32
    "tpu.region"() ({
      %run_scoped3A = tpu.sem_alloc : memref<!tpu.dma_semaphore, #tpu.memory_space<semaphore_mem>>
      %dma_start3A_208 = arith.constant 0 : i32
      %dma_start3A_209 = tpu.memref_slice %arg10[%add3A_39, %dma_start3A_208] : memref<10240x16xf32, #tpu.memory_space<vmem_shared>> -> memref<40x16xf32, #tpu.memory_space<vmem_shared>>
      %dma_start3A_210 = arith.constant 0 : i32
      %dma_start3A_211 = tpu.memref_slice %arg10[%add3A_39, %dma_start3A_210] : memref<10240x16xf32, #tpu.memory_space<vmem_shared>> -> memref<40x16xf32, #tpu.memory_space<vmem_shared>>
      tpu.enqueue_dma source(%arg18 : memref<40x16xf32, #tpu.memory_space<vmem>>) target(%dma_start3A_211 : memref<40x16xf32, #tpu.memory_space<vmem_shared>>) target_semaphore(%run_scoped3A : memref<!tpu.dma_semaphore, #tpu.memory_space<semaphore_mem>>)
      %dma_wait3A = arith.constant 0 : i32
      %dma_wait3A_212 = tpu.memref_slice %arg10[%add3A_39, %dma_wait3A] : memref<10240x16xf32, #tpu.memory_space<vmem_shared>> -> memref<40x16xf32, #tpu.memory_space<vmem_shared>>
      %dma_wait3A_213 = arith.constant 0 : i32
      %dma_wait3A_214 = tpu.memref_slice %arg10[%add3A_39, %dma_wait3A_213] : memref<10240x16xf32, #tpu.memory_space<vmem_shared>> -> memref<40x16xf32, #tpu.memory_space<vmem_shared>>
      tpu.wait_dma2 semaphore(%run_scoped3A : memref<!tpu.dma_semaphore, #tpu.memory_space<semaphore_mem>>) src(%arg18 : memref<40x16xf32, #tpu.memory_space<vmem>>) dst(%dma_wait3A_214 : memref<40x16xf32, #tpu.memory_space<vmem_shared>>)
      tpu.yield
    }) : () -> ()
    %mul3A_40 = arith.constant 640 : i32
    %mul3A_41 = arith.muli %arg1, %mul3A_40 : i32
    %add3A_42 = arith.constant 160 : i32
    %add3A_43 = arith.addi %mul3A_41, %add3A_42 : i32
    "tpu.region"() ({
      %run_scoped3A = tpu.sem_alloc : memref<!tpu.dma_semaphore, #tpu.memory_space<semaphore_mem>>
      %dma_start3A_208 = arith.constant 0 : i32
      %dma_start3A_209 = tpu.memref_slice %arg9[%add3A_43, %dma_start3A_208] : memref<10240x128xf32, #tpu.memory_space<vmem_shared>> -> memref<40x128xf32, #tpu.memory_space<vmem_shared>>
      %dma_start3A_210 = arith.constant 0 : i32
      %dma_start3A_211 = tpu.memref_slice %arg9[%add3A_43, %dma_start3A_210] : memref<10240x128xf32, #tpu.memory_space<vmem_shared>> -> memref<40x128xf32, #tpu.memory_space<vmem_shared>>
      tpu.enqueue_dma source(%arg17 : memref<40x128xf32, #tpu.memory_space<vmem>>) target(%dma_start3A_211 : memref<40x128xf32, #tpu.memory_space<vmem_shared>>) target_semaphore(%run_scoped3A : memref<!tpu.dma_semaphore, #tpu.memory_space<semaphore_mem>>)
      %dma_wait3A = arith.constant 0 : i32
      %dma_wait3A_212 = tpu.memref_slice %arg9[%add3A_43, %dma_wait3A] : memref<10240x128xf32, #tpu.memory_space<vmem_shared>> -> memref<40x128xf32, #tpu.memory_space<vmem_shared>>
      %dma_wait3A_213 = arith.constant 0 : i32
      %dma_wait3A_214 = tpu.memref_slice %arg9[%add3A_43, %dma_wait3A_213] : memref<10240x128xf32, #tpu.memory_space<vmem_shared>> -> memref<40x128xf32, #tpu.memory_space<vmem_shared>>
      tpu.wait_dma2 semaphore(%run_scoped3A : memref<!tpu.dma_semaphore, #tpu.memory_space<semaphore_mem>>) src(%arg17 : memref<40x128xf32, #tpu.memory_space<vmem>>) dst(%dma_wait3A_214 : memref<40x128xf32, #tpu.memory_space<vmem_shared>>)
      tpu.yield
    }) : () -> ()
    %mul3A_44 = arith.constant 640 : i32
    %mul3A_45 = arith.muli %arg1, %mul3A_44 : i32
    %add3A_46 = arith.constant 160 : i32
    %add3A_47 = arith.addi %mul3A_45, %add3A_46 : i32
    "tpu.region"() ({
      %run_scoped3A = tpu.sem_alloc : memref<!tpu.dma_semaphore, #tpu.memory_space<semaphore_mem>>
      %dma_start3A_208 = arith.constant 0 : i32
      %dma_start3A_209 = tpu.memref_slice %arg10[%add3A_47, %dma_start3A_208] : memref<10240x16xf32, #tpu.memory_space<vmem_shared>> -> memref<40x16xf32, #tpu.memory_space<vmem_shared>>
      %dma_start3A_210 = arith.constant 0 : i32
      %dma_start3A_211 = tpu.memref_slice %arg10[%add3A_47, %dma_start3A_210] : memref<10240x16xf32, #tpu.memory_space<vmem_shared>> -> memref<40x16xf32, #tpu.memory_space<vmem_shared>>
      tpu.enqueue_dma source(%arg18 : memref<40x16xf32, #tpu.memory_space<vmem>>) target(%dma_start3A_211 : memref<40x16xf32, #tpu.memory_space<vmem_shared>>) target_semaphore(%run_scoped3A : memref<!tpu.dma_semaphore, #tpu.memory_space<semaphore_mem>>)
      %dma_wait3A = arith.constant 0 : i32
      %dma_wait3A_212 = tpu.memref_slice %arg10[%add3A_47, %dma_wait3A] : memref<10240x16xf32, #tpu.memory_space<vmem_shared>> -> memref<40x16xf32, #tpu.memory_space<vmem_shared>>
      %dma_wait3A_213 = arith.constant 0 : i32
      %dma_wait3A_214 = tpu.memref_slice %arg10[%add3A_47, %dma_wait3A_213] : memref<10240x16xf32, #tpu.memory_space<vmem_shared>> -> memref<40x16xf32, #tpu.memory_space<vmem_shared>>
      tpu.wait_dma2 semaphore(%run_scoped3A : memref<!tpu.dma_semaphore, #tpu.memory_space<semaphore_mem>>) src(%arg18 : memref<40x16xf32, #tpu.memory_space<vmem>>) dst(%dma_wait3A_214 : memref<40x16xf32, #tpu.memory_space<vmem_shared>>)
      tpu.yield
    }) : () -> ()
    %mul3A_48 = arith.constant 640 : i32
    %mul3A_49 = arith.muli %arg1, %mul3A_48 : i32
    %add3A_50 = arith.constant 200 : i32
    %add3A_51 = arith.addi %mul3A_49, %add3A_50 : i32
    "tpu.region"() ({
      %run_scoped3A = tpu.sem_alloc : memref<!tpu.dma_semaphore, #tpu.memory_space<semaphore_mem>>
      %dma_start3A_208 = arith.constant 0 : i32
      %dma_start3A_209 = tpu.memref_slice %arg9[%add3A_51, %dma_start3A_208] : memref<10240x128xf32, #tpu.memory_space<vmem_shared>> -> memref<40x128xf32, #tpu.memory_space<vmem_shared>>
      %dma_start3A_210 = arith.constant 0 : i32
      %dma_start3A_211 = tpu.memref_slice %arg9[%add3A_51, %dma_start3A_210] : memref<10240x128xf32, #tpu.memory_space<vmem_shared>> -> memref<40x128xf32, #tpu.memory_space<vmem_shared>>
      tpu.enqueue_dma source(%arg17 : memref<40x128xf32, #tpu.memory_space<vmem>>) target(%dma_start3A_211 : memref<40x128xf32, #tpu.memory_space<vmem_shared>>) target_semaphore(%run_scoped3A : memref<!tpu.dma_semaphore, #tpu.memory_space<semaphore_mem>>)
      %dma_wait3A = arith.constant 0 : i32
      %dma_wait3A_212 = tpu.memref_slice %arg9[%add3A_51, %dma_wait3A] : memref<10240x128xf32, #tpu.memory_space<vmem_shared>> -> memref<40x128xf32, #tpu.memory_space<vmem_shared>>
      %dma_wait3A_213 = arith.constant 0 : i32
      %dma_wait3A_214 = tpu.memref_slice %arg9[%add3A_51, %dma_wait3A_213] : memref<10240x128xf32, #tpu.memory_space<vmem_shared>> -> memref<40x128xf32, #tpu.memory_space<vmem_shared>>
      tpu.wait_dma2 semaphore(%run_scoped3A : memref<!tpu.dma_semaphore, #tpu.memory_space<semaphore_mem>>) src(%arg17 : memref<40x128xf32, #tpu.memory_space<vmem>>) dst(%dma_wait3A_214 : memref<40x128xf32, #tpu.memory_space<vmem_shared>>)
      tpu.yield
    }) : () -> ()
    %mul3A_52 = arith.constant 640 : i32
    %mul3A_53 = arith.muli %arg1, %mul3A_52 : i32
    %add3A_54 = arith.constant 200 : i32
    %add3A_55 = arith.addi %mul3A_53, %add3A_54 : i32
    "tpu.region"() ({
      %run_scoped3A = tpu.sem_alloc : memref<!tpu.dma_semaphore, #tpu.memory_space<semaphore_mem>>
      %dma_start3A_208 = arith.constant 0 : i32
      %dma_start3A_209 = tpu.memref_slice %arg10[%add3A_55, %dma_start3A_208] : memref<10240x16xf32, #tpu.memory_space<vmem_shared>> -> memref<40x16xf32, #tpu.memory_space<vmem_shared>>
      %dma_start3A_210 = arith.constant 0 : i32
      %dma_start3A_211 = tpu.memref_slice %arg10[%add3A_55, %dma_start3A_210] : memref<10240x16xf32, #tpu.memory_space<vmem_shared>> -> memref<40x16xf32, #tpu.memory_space<vmem_shared>>
      tpu.enqueue_dma source(%arg18 : memref<40x16xf32, #tpu.memory_space<vmem>>) target(%dma_start3A_211 : memref<40x16xf32, #tpu.memory_space<vmem_shared>>) target_semaphore(%run_scoped3A : memref<!tpu.dma_semaphore, #tpu.memory_space<semaphore_mem>>)
      %dma_wait3A = arith.constant 0 : i32
      %dma_wait3A_212 = tpu.memref_slice %arg10[%add3A_55, %dma_wait3A] : memref<10240x16xf32, #tpu.memory_space<vmem_shared>> -> memref<40x16xf32, #tpu.memory_space<vmem_shared>>
      %dma_wait3A_213 = arith.constant 0 : i32
      %dma_wait3A_214 = tpu.memref_slice %arg10[%add3A_55, %dma_wait3A_213] : memref<10240x16xf32, #tpu.memory_space<vmem_shared>> -> memref<40x16xf32, #tpu.memory_space<vmem_shared>>
      tpu.wait_dma2 semaphore(%run_scoped3A : memref<!tpu.dma_semaphore, #tpu.memory_space<semaphore_mem>>) src(%arg18 : memref<40x16xf32, #tpu.memory_space<vmem>>) dst(%dma_wait3A_214 : memref<40x16xf32, #tpu.memory_space<vmem_shared>>)
      tpu.yield
    }) : () -> ()
    %mul3A_56 = arith.constant 640 : i32
    %mul3A_57 = arith.muli %arg1, %mul3A_56 : i32
    %add3A_58 = arith.constant 240 : i32
    %add3A_59 = arith.addi %mul3A_57, %add3A_58 : i32
    "tpu.region"() ({
      %run_scoped3A = tpu.sem_alloc : memref<!tpu.dma_semaphore, #tpu.memory_space<semaphore_mem>>
      %dma_start3A_208 = arith.constant 0 : i32
      %dma_start3A_209 = tpu.memref_slice %arg9[%add3A_59, %dma_start3A_208] : memref<10240x128xf32, #tpu.memory_space<vmem_shared>> -> memref<40x128xf32, #tpu.memory_space<vmem_shared>>
      %dma_start3A_210 = arith.constant 0 : i32
      %dma_start3A_211 = tpu.memref_slice %arg9[%add3A_59, %dma_start3A_210] : memref<10240x128xf32, #tpu.memory_space<vmem_shared>> -> memref<40x128xf32, #tpu.memory_space<vmem_shared>>
      tpu.enqueue_dma source(%arg17 : memref<40x128xf32, #tpu.memory_space<vmem>>) target(%dma_start3A_211 : memref<40x128xf32, #tpu.memory_space<vmem_shared>>) target_semaphore(%run_scoped3A : memref<!tpu.dma_semaphore, #tpu.memory_space<semaphore_mem>>)
      %dma_wait3A = arith.constant 0 : i32
      %dma_wait3A_212 = tpu.memref_slice %arg9[%add3A_59, %dma_wait3A] : memref<10240x128xf32, #tpu.memory_space<vmem_shared>> -> memref<40x128xf32, #tpu.memory_space<vmem_shared>>
      %dma_wait3A_213 = arith.constant 0 : i32
      %dma_wait3A_214 = tpu.memref_slice %arg9[%add3A_59, %dma_wait3A_213] : memref<10240x128xf32, #tpu.memory_space<vmem_shared>> -> memref<40x128xf32, #tpu.memory_space<vmem_shared>>
      tpu.wait_dma2 semaphore(%run_scoped3A : memref<!tpu.dma_semaphore, #tpu.memory_space<semaphore_mem>>) src(%arg17 : memref<40x128xf32, #tpu.memory_space<vmem>>) dst(%dma_wait3A_214 : memref<40x128xf32, #tpu.memory_space<vmem_shared>>)
      tpu.yield
    }) : () -> ()
    %mul3A_60 = arith.constant 640 : i32
    %mul3A_61 = arith.muli %arg1, %mul3A_60 : i32
    %add3A_62 = arith.constant 240 : i32
    %add3A_63 = arith.addi %mul3A_61, %add3A_62 : i32
    "tpu.region"() ({
      %run_scoped3A = tpu.sem_alloc : memref<!tpu.dma_semaphore, #tpu.memory_space<semaphore_mem>>
      %dma_start3A_208 = arith.constant 0 : i32
      %dma_start3A_209 = tpu.memref_slice %arg10[%add3A_63, %dma_start3A_208] : memref<10240x16xf32, #tpu.memory_space<vmem_shared>> -> memref<40x16xf32, #tpu.memory_space<vmem_shared>>
      %dma_start3A_210 = arith.constant 0 : i32
      %dma_start3A_211 = tpu.memref_slice %arg10[%add3A_63, %dma_start3A_210] : memref<10240x16xf32, #tpu.memory_space<vmem_shared>> -> memref<40x16xf32, #tpu.memory_space<vmem_shared>>
      tpu.enqueue_dma source(%arg18 : memref<40x16xf32, #tpu.memory_space<vmem>>) target(%dma_start3A_211 : memref<40x16xf32, #tpu.memory_space<vmem_shared>>) target_semaphore(%run_scoped3A : memref<!tpu.dma_semaphore, #tpu.memory_space<semaphore_mem>>)
      %dma_wait3A = arith.constant 0 : i32
      %dma_wait3A_212 = tpu.memref_slice %arg10[%add3A_63, %dma_wait3A] : memref<10240x16xf32, #tpu.memory_space<vmem_shared>> -> memref<40x16xf32, #tpu.memory_space<vmem_shared>>
      %dma_wait3A_213 = arith.constant 0 : i32
      %dma_wait3A_214 = tpu.memref_slice %arg10[%add3A_63, %dma_wait3A_213] : memref<10240x16xf32, #tpu.memory_space<vmem_shared>> -> memref<40x16xf32, #tpu.memory_space<vmem_shared>>
      tpu.wait_dma2 semaphore(%run_scoped3A : memref<!tpu.dma_semaphore, #tpu.memory_space<semaphore_mem>>) src(%arg18 : memref<40x16xf32, #tpu.memory_space<vmem>>) dst(%dma_wait3A_214 : memref<40x16xf32, #tpu.memory_space<vmem_shared>>)
      tpu.yield
    }) : () -> ()
    %mul3A_64 = arith.constant 640 : i32
    %mul3A_65 = arith.muli %arg1, %mul3A_64 : i32
    %add3A_66 = arith.constant 280 : i32
    %add3A_67 = arith.addi %mul3A_65, %add3A_66 : i32
    "tpu.region"() ({
      %run_scoped3A = tpu.sem_alloc : memref<!tpu.dma_semaphore, #tpu.memory_space<semaphore_mem>>
      %dma_start3A_208 = arith.constant 0 : i32
      %dma_start3A_209 = tpu.memref_slice %arg9[%add3A_67, %dma_start3A_208] : memref<10240x128xf32, #tpu.memory_space<vmem_shared>> -> memref<40x128xf32, #tpu.memory_space<vmem_shared>>
      %dma_start3A_210 = arith.constant 0 : i32
      %dma_start3A_211 = tpu.memref_slice %arg9[%add3A_67, %dma_start3A_210] : memref<10240x128xf32, #tpu.memory_space<vmem_shared>> -> memref<40x128xf32, #tpu.memory_space<vmem_shared>>
      tpu.enqueue_dma source(%arg17 : memref<40x128xf32, #tpu.memory_space<vmem>>) target(%dma_start3A_211 : memref<40x128xf32, #tpu.memory_space<vmem_shared>>) target_semaphore(%run_scoped3A : memref<!tpu.dma_semaphore, #tpu.memory_space<semaphore_mem>>)
      %dma_wait3A = arith.constant 0 : i32
      %dma_wait3A_212 = tpu.memref_slice %arg9[%add3A_67, %dma_wait3A] : memref<10240x128xf32, #tpu.memory_space<vmem_shared>> -> memref<40x128xf32, #tpu.memory_space<vmem_shared>>
      %dma_wait3A_213 = arith.constant 0 : i32
      %dma_wait3A_214 = tpu.memref_slice %arg9[%add3A_67, %dma_wait3A_213] : memref<10240x128xf32, #tpu.memory_space<vmem_shared>> -> memref<40x128xf32, #tpu.memory_space<vmem_shared>>
      tpu.wait_dma2 semaphore(%run_scoped3A : memref<!tpu.dma_semaphore, #tpu.memory_space<semaphore_mem>>) src(%arg17 : memref<40x128xf32, #tpu.memory_space<vmem>>) dst(%dma_wait3A_214 : memref<40x128xf32, #tpu.memory_space<vmem_shared>>)
      tpu.yield
    }) : () -> ()
    %mul3A_68 = arith.constant 640 : i32
    %mul3A_69 = arith.muli %arg1, %mul3A_68 : i32
    %add3A_70 = arith.constant 280 : i32
    %add3A_71 = arith.addi %mul3A_69, %add3A_70 : i32
    "tpu.region"() ({
      %run_scoped3A = tpu.sem_alloc : memref<!tpu.dma_semaphore, #tpu.memory_space<semaphore_mem>>
      %dma_start3A_208 = arith.constant 0 : i32
      %dma_start3A_209 = tpu.memref_slice %arg10[%add3A_71, %dma_start3A_208] : memref<10240x16xf32, #tpu.memory_space<vmem_shared>> -> memref<40x16xf32, #tpu.memory_space<vmem_shared>>
      %dma_start3A_210 = arith.constant 0 : i32
      %dma_start3A_211 = tpu.memref_slice %arg10[%add3A_71, %dma_start3A_210] : memref<10240x16xf32, #tpu.memory_space<vmem_shared>> -> memref<40x16xf32, #tpu.memory_space<vmem_shared>>
      tpu.enqueue_dma source(%arg18 : memref<40x16xf32, #tpu.memory_space<vmem>>) target(%dma_start3A_211 : memref<40x16xf32, #tpu.memory_space<vmem_shared>>) target_semaphore(%run_scoped3A : memref<!tpu.dma_semaphore, #tpu.memory_space<semaphore_mem>>)
      %dma_wait3A = arith.constant 0 : i32
      %dma_wait3A_212 = tpu.memref_slice %arg10[%add3A_71, %dma_wait3A] : memref<10240x16xf32, #tpu.memory_space<vmem_shared>> -> memref<40x16xf32, #tpu.memory_space<vmem_shared>>
      %dma_wait3A_213 = arith.constant 0 : i32
      %dma_wait3A_214 = tpu.memref_slice %arg10[%add3A_71, %dma_wait3A_213] : memref<10240x16xf32, #tpu.memory_space<vmem_shared>> -> memref<40x16xf32, #tpu.memory_space<vmem_shared>>
      tpu.wait_dma2 semaphore(%run_scoped3A : memref<!tpu.dma_semaphore, #tpu.memory_space<semaphore_mem>>) src(%arg18 : memref<40x16xf32, #tpu.memory_space<vmem>>) dst(%dma_wait3A_214 : memref<40x16xf32, #tpu.memory_space<vmem_shared>>)
      tpu.yield
    }) : () -> ()
    %mul3A_72 = arith.constant 640 : i32
    %mul3A_73 = arith.muli %arg1, %mul3A_72 : i32
    %add3A_74 = arith.constant 320 : i32
    %add3A_75 = arith.addi %mul3A_73, %add3A_74 : i32
    "tpu.region"() ({
      %run_scoped3A = tpu.sem_alloc : memref<!tpu.dma_semaphore, #tpu.memory_space<semaphore_mem>>
      %dma_start3A_208 = arith.constant 0 : i32
      %dma_start3A_209 = tpu.memref_slice %arg9[%add3A_75, %dma_start3A_208] : memref<10240x128xf32, #tpu.memory_space<vmem_shared>> -> memref<40x128xf32, #tpu.memory_space<vmem_shared>>
      %dma_start3A_210 = arith.constant 0 : i32
      %dma_start3A_211 = tpu.memref_slice %arg9[%add3A_75, %dma_start3A_210] : memref<10240x128xf32, #tpu.memory_space<vmem_shared>> -> memref<40x128xf32, #tpu.memory_space<vmem_shared>>
      tpu.enqueue_dma source(%arg17 : memref<40x128xf32, #tpu.memory_space<vmem>>) target(%dma_start3A_211 : memref<40x128xf32, #tpu.memory_space<vmem_shared>>) target_semaphore(%run_scoped3A : memref<!tpu.dma_semaphore, #tpu.memory_space<semaphore_mem>>)
      %dma_wait3A = arith.constant 0 : i32
      %dma_wait3A_212 = tpu.memref_slice %arg9[%add3A_75, %dma_wait3A] : memref<10240x128xf32, #tpu.memory_space<vmem_shared>> -> memref<40x128xf32, #tpu.memory_space<vmem_shared>>
      %dma_wait3A_213 = arith.constant 0 : i32
      %dma_wait3A_214 = tpu.memref_slice %arg9[%add3A_75, %dma_wait3A_213] : memref<10240x128xf32, #tpu.memory_space<vmem_shared>> -> memref<40x128xf32, #tpu.memory_space<vmem_shared>>
      tpu.wait_dma2 semaphore(%run_scoped3A : memref<!tpu.dma_semaphore, #tpu.memory_space<semaphore_mem>>) src(%arg17 : memref<40x128xf32, #tpu.memory_space<vmem>>) dst(%dma_wait3A_214 : memref<40x128xf32, #tpu.memory_space<vmem_shared>>)
      tpu.yield
    }) : () -> ()
    %mul3A_76 = arith.constant 640 : i32
    %mul3A_77 = arith.muli %arg1, %mul3A_76 : i32
    %add3A_78 = arith.constant 320 : i32
    %add3A_79 = arith.addi %mul3A_77, %add3A_78 : i32
    "tpu.region"() ({
      %run_scoped3A = tpu.sem_alloc : memref<!tpu.dma_semaphore, #tpu.memory_space<semaphore_mem>>
      %dma_start3A_208 = arith.constant 0 : i32
      %dma_start3A_209 = tpu.memref_slice %arg10[%add3A_79, %dma_start3A_208] : memref<10240x16xf32, #tpu.memory_space<vmem_shared>> -> memref<40x16xf32, #tpu.memory_space<vmem_shared>>
      %dma_start3A_210 = arith.constant 0 : i32
      %dma_start3A_211 = tpu.memref_slice %arg10[%add3A_79, %dma_start3A_210] : memref<10240x16xf32, #tpu.memory_space<vmem_shared>> -> memref<40x16xf32, #tpu.memory_space<vmem_shared>>
      tpu.enqueue_dma source(%arg18 : memref<40x16xf32, #tpu.memory_space<vmem>>) target(%dma_start3A_211 : memref<40x16xf32, #tpu.memory_space<vmem_shared>>) target_semaphore(%run_scoped3A : memref<!tpu.dma_semaphore, #tpu.memory_space<semaphore_mem>>)
      %dma_wait3A = arith.constant 0 : i32
      %dma_wait3A_212 = tpu.memref_slice %arg10[%add3A_79, %dma_wait3A] : memref<10240x16xf32, #tpu.memory_space<vmem_shared>> -> memref<40x16xf32, #tpu.memory_space<vmem_shared>>
      %dma_wait3A_213 = arith.constant 0 : i32
      %dma_wait3A_214 = tpu.memref_slice %arg10[%add3A_79, %dma_wait3A_213] : memref<10240x16xf32, #tpu.memory_space<vmem_shared>> -> memref<40x16xf32, #tpu.memory_space<vmem_shared>>
      tpu.wait_dma2 semaphore(%run_scoped3A : memref<!tpu.dma_semaphore, #tpu.memory_space<semaphore_mem>>) src(%arg18 : memref<40x16xf32, #tpu.memory_space<vmem>>) dst(%dma_wait3A_214 : memref<40x16xf32, #tpu.memory_space<vmem_shared>>)
      tpu.yield
    }) : () -> ()
    %mul3A_80 = arith.constant 640 : i32
    %mul3A_81 = arith.muli %arg1, %mul3A_80 : i32
    %add3A_82 = arith.constant 360 : i32
    %add3A_83 = arith.addi %mul3A_81, %add3A_82 : i32
    "tpu.region"() ({
      %run_scoped3A = tpu.sem_alloc : memref<!tpu.dma_semaphore, #tpu.memory_space<semaphore_mem>>
      %dma_start3A_208 = arith.constant 0 : i32
      %dma_start3A_209 = tpu.memref_slice %arg9[%add3A_83, %dma_start3A_208] : memref<10240x128xf32, #tpu.memory_space<vmem_shared>> -> memref<40x128xf32, #tpu.memory_space<vmem_shared>>
      %dma_start3A_210 = arith.constant 0 : i32
      %dma_start3A_211 = tpu.memref_slice %arg9[%add3A_83, %dma_start3A_210] : memref<10240x128xf32, #tpu.memory_space<vmem_shared>> -> memref<40x128xf32, #tpu.memory_space<vmem_shared>>
      tpu.enqueue_dma source(%arg17 : memref<40x128xf32, #tpu.memory_space<vmem>>) target(%dma_start3A_211 : memref<40x128xf32, #tpu.memory_space<vmem_shared>>) target_semaphore(%run_scoped3A : memref<!tpu.dma_semaphore, #tpu.memory_space<semaphore_mem>>)
      %dma_wait3A = arith.constant 0 : i32
      %dma_wait3A_212 = tpu.memref_slice %arg9[%add3A_83, %dma_wait3A] : memref<10240x128xf32, #tpu.memory_space<vmem_shared>> -> memref<40x128xf32, #tpu.memory_space<vmem_shared>>
      %dma_wait3A_213 = arith.constant 0 : i32
      %dma_wait3A_214 = tpu.memref_slice %arg9[%add3A_83, %dma_wait3A_213] : memref<10240x128xf32, #tpu.memory_space<vmem_shared>> -> memref<40x128xf32, #tpu.memory_space<vmem_shared>>
      tpu.wait_dma2 semaphore(%run_scoped3A : memref<!tpu.dma_semaphore, #tpu.memory_space<semaphore_mem>>) src(%arg17 : memref<40x128xf32, #tpu.memory_space<vmem>>) dst(%dma_wait3A_214 : memref<40x128xf32, #tpu.memory_space<vmem_shared>>)
      tpu.yield
    }) : () -> ()
    %mul3A_84 = arith.constant 640 : i32
    %mul3A_85 = arith.muli %arg1, %mul3A_84 : i32
    %add3A_86 = arith.constant 360 : i32
    %add3A_87 = arith.addi %mul3A_85, %add3A_86 : i32
    "tpu.region"() ({
      %run_scoped3A = tpu.sem_alloc : memref<!tpu.dma_semaphore, #tpu.memory_space<semaphore_mem>>
      %dma_start3A_208 = arith.constant 0 : i32
      %dma_start3A_209 = tpu.memref_slice %arg10[%add3A_87, %dma_start3A_208] : memref<10240x16xf32, #tpu.memory_space<vmem_shared>> -> memref<40x16xf32, #tpu.memory_space<vmem_shared>>
      %dma_start3A_210 = arith.constant 0 : i32
      %dma_start3A_211 = tpu.memref_slice %arg10[%add3A_87, %dma_start3A_210] : memref<10240x16xf32, #tpu.memory_space<vmem_shared>> -> memref<40x16xf32, #tpu.memory_space<vmem_shared>>
      tpu.enqueue_dma source(%arg18 : memref<40x16xf32, #tpu.memory_space<vmem>>) target(%dma_start3A_211 : memref<40x16xf32, #tpu.memory_space<vmem_shared>>) target_semaphore(%run_scoped3A : memref<!tpu.dma_semaphore, #tpu.memory_space<semaphore_mem>>)
      %dma_wait3A = arith.constant 0 : i32
      %dma_wait3A_212 = tpu.memref_slice %arg10[%add3A_87, %dma_wait3A] : memref<10240x16xf32, #tpu.memory_space<vmem_shared>> -> memref<40x16xf32, #tpu.memory_space<vmem_shared>>
      %dma_wait3A_213 = arith.constant 0 : i32
      %dma_wait3A_214 = tpu.memref_slice %arg10[%add3A_87, %dma_wait3A_213] : memref<10240x16xf32, #tpu.memory_space<vmem_shared>> -> memref<40x16xf32, #tpu.memory_space<vmem_shared>>
      tpu.wait_dma2 semaphore(%run_scoped3A : memref<!tpu.dma_semaphore, #tpu.memory_space<semaphore_mem>>) src(%arg18 : memref<40x16xf32, #tpu.memory_space<vmem>>) dst(%dma_wait3A_214 : memref<40x16xf32, #tpu.memory_space<vmem_shared>>)
      tpu.yield
    }) : () -> ()
    %mul3A_88 = arith.constant 640 : i32
    %mul3A_89 = arith.muli %arg1, %mul3A_88 : i32
    %add3A_90 = arith.constant 400 : i32
    %add3A_91 = arith.addi %mul3A_89, %add3A_90 : i32
    "tpu.region"() ({
      %run_scoped3A = tpu.sem_alloc : memref<!tpu.dma_semaphore, #tpu.memory_space<semaphore_mem>>
      %dma_start3A_208 = arith.constant 0 : i32
      %dma_start3A_209 = tpu.memref_slice %arg9[%add3A_91, %dma_start3A_208] : memref<10240x128xf32, #tpu.memory_space<vmem_shared>> -> memref<40x128xf32, #tpu.memory_space<vmem_shared>>
      %dma_start3A_210 = arith.constant 0 : i32
      %dma_start3A_211 = tpu.memref_slice %arg9[%add3A_91, %dma_start3A_210] : memref<10240x128xf32, #tpu.memory_space<vmem_shared>> -> memref<40x128xf32, #tpu.memory_space<vmem_shared>>
      tpu.enqueue_dma source(%arg17 : memref<40x128xf32, #tpu.memory_space<vmem>>) target(%dma_start3A_211 : memref<40x128xf32, #tpu.memory_space<vmem_shared>>) target_semaphore(%run_scoped3A : memref<!tpu.dma_semaphore, #tpu.memory_space<semaphore_mem>>)
      %dma_wait3A = arith.constant 0 : i32
      %dma_wait3A_212 = tpu.memref_slice %arg9[%add3A_91, %dma_wait3A] : memref<10240x128xf32, #tpu.memory_space<vmem_shared>> -> memref<40x128xf32, #tpu.memory_space<vmem_shared>>
      %dma_wait3A_213 = arith.constant 0 : i32
      %dma_wait3A_214 = tpu.memref_slice %arg9[%add3A_91, %dma_wait3A_213] : memref<10240x128xf32, #tpu.memory_space<vmem_shared>> -> memref<40x128xf32, #tpu.memory_space<vmem_shared>>
      tpu.wait_dma2 semaphore(%run_scoped3A : memref<!tpu.dma_semaphore, #tpu.memory_space<semaphore_mem>>) src(%arg17 : memref<40x128xf32, #tpu.memory_space<vmem>>) dst(%dma_wait3A_214 : memref<40x128xf32, #tpu.memory_space<vmem_shared>>)
      tpu.yield
    }) : () -> ()
    %mul3A_92 = arith.constant 640 : i32
    %mul3A_93 = arith.muli %arg1, %mul3A_92 : i32
    %add3A_94 = arith.constant 400 : i32
    %add3A_95 = arith.addi %mul3A_93, %add3A_94 : i32
    "tpu.region"() ({
      %run_scoped3A = tpu.sem_alloc : memref<!tpu.dma_semaphore, #tpu.memory_space<semaphore_mem>>
      %dma_start3A_208 = arith.constant 0 : i32
      %dma_start3A_209 = tpu.memref_slice %arg10[%add3A_95, %dma_start3A_208] : memref<10240x16xf32, #tpu.memory_space<vmem_shared>> -> memref<40x16xf32, #tpu.memory_space<vmem_shared>>
      %dma_start3A_210 = arith.constant 0 : i32
      %dma_start3A_211 = tpu.memref_slice %arg10[%add3A_95, %dma_start3A_210] : memref<10240x16xf32, #tpu.memory_space<vmem_shared>> -> memref<40x16xf32, #tpu.memory_space<vmem_shared>>
      tpu.enqueue_dma source(%arg18 : memref<40x16xf32, #tpu.memory_space<vmem>>) target(%dma_start3A_211 : memref<40x16xf32, #tpu.memory_space<vmem_shared>>) target_semaphore(%run_scoped3A : memref<!tpu.dma_semaphore, #tpu.memory_space<semaphore_mem>>)
      %dma_wait3A = arith.constant 0 : i32
      %dma_wait3A_212 = tpu.memref_slice %arg10[%add3A_95, %dma_wait3A] : memref<10240x16xf32, #tpu.memory_space<vmem_shared>> -> memref<40x16xf32, #tpu.memory_space<vmem_shared>>
      %dma_wait3A_213 = arith.constant 0 : i32
      %dma_wait3A_214 = tpu.memref_slice %arg10[%add3A_95, %dma_wait3A_213] : memref<10240x16xf32, #tpu.memory_space<vmem_shared>> -> memref<40x16xf32, #tpu.memory_space<vmem_shared>>
      tpu.wait_dma2 semaphore(%run_scoped3A : memref<!tpu.dma_semaphore, #tpu.memory_space<semaphore_mem>>) src(%arg18 : memref<40x16xf32, #tpu.memory_space<vmem>>) dst(%dma_wait3A_214 : memref<40x16xf32, #tpu.memory_space<vmem_shared>>)
      tpu.yield
    }) : () -> ()
    %mul3A_96 = arith.constant 640 : i32
    %mul3A_97 = arith.muli %arg1, %mul3A_96 : i32
    %add3A_98 = arith.constant 440 : i32
    %add3A_99 = arith.addi %mul3A_97, %add3A_98 : i32
    "tpu.region"() ({
      %run_scoped3A = tpu.sem_alloc : memref<!tpu.dma_semaphore, #tpu.memory_space<semaphore_mem>>
      %dma_start3A_208 = arith.constant 0 : i32
      %dma_start3A_209 = tpu.memref_slice %arg9[%add3A_99, %dma_start3A_208] : memref<10240x128xf32, #tpu.memory_space<vmem_shared>> -> memref<40x128xf32, #tpu.memory_space<vmem_shared>>
      %dma_start3A_210 = arith.constant 0 : i32
      %dma_start3A_211 = tpu.memref_slice %arg9[%add3A_99, %dma_start3A_210] : memref<10240x128xf32, #tpu.memory_space<vmem_shared>> -> memref<40x128xf32, #tpu.memory_space<vmem_shared>>
      tpu.enqueue_dma source(%arg17 : memref<40x128xf32, #tpu.memory_space<vmem>>) target(%dma_start3A_211 : memref<40x128xf32, #tpu.memory_space<vmem_shared>>) target_semaphore(%run_scoped3A : memref<!tpu.dma_semaphore, #tpu.memory_space<semaphore_mem>>)
      %dma_wait3A = arith.constant 0 : i32
      %dma_wait3A_212 = tpu.memref_slice %arg9[%add3A_99, %dma_wait3A] : memref<10240x128xf32, #tpu.memory_space<vmem_shared>> -> memref<40x128xf32, #tpu.memory_space<vmem_shared>>
      %dma_wait3A_213 = arith.constant 0 : i32
      %dma_wait3A_214 = tpu.memref_slice %arg9[%add3A_99, %dma_wait3A_213] : memref<10240x128xf32, #tpu.memory_space<vmem_shared>> -> memref<40x128xf32, #tpu.memory_space<vmem_shared>>
      tpu.wait_dma2 semaphore(%run_scoped3A : memref<!tpu.dma_semaphore, #tpu.memory_space<semaphore_mem>>) src(%arg17 : memref<40x128xf32, #tpu.memory_space<vmem>>) dst(%dma_wait3A_214 : memref<40x128xf32, #tpu.memory_space<vmem_shared>>)
      tpu.yield
    }) : () -> ()
    %mul3A_100 = arith.constant 640 : i32
    %mul3A_101 = arith.muli %arg1, %mul3A_100 : i32
    %add3A_102 = arith.constant 440 : i32
    %add3A_103 = arith.addi %mul3A_101, %add3A_102 : i32
    "tpu.region"() ({
      %run_scoped3A = tpu.sem_alloc : memref<!tpu.dma_semaphore, #tpu.memory_space<semaphore_mem>>
      %dma_start3A_208 = arith.constant 0 : i32
      %dma_start3A_209 = tpu.memref_slice %arg10[%add3A_103, %dma_start3A_208] : memref<10240x16xf32, #tpu.memory_space<vmem_shared>> -> memref<40x16xf32, #tpu.memory_space<vmem_shared>>
      %dma_start3A_210 = arith.constant 0 : i32
      %dma_start3A_211 = tpu.memref_slice %arg10[%add3A_103, %dma_start3A_210] : memref<10240x16xf32, #tpu.memory_space<vmem_shared>> -> memref<40x16xf32, #tpu.memory_space<vmem_shared>>
      tpu.enqueue_dma source(%arg18 : memref<40x16xf32, #tpu.memory_space<vmem>>) target(%dma_start3A_211 : memref<40x16xf32, #tpu.memory_space<vmem_shared>>) target_semaphore(%run_scoped3A : memref<!tpu.dma_semaphore, #tpu.memory_space<semaphore_mem>>)
      %dma_wait3A = arith.constant 0 : i32
      %dma_wait3A_212 = tpu.memref_slice %arg10[%add3A_103, %dma_wait3A] : memref<10240x16xf32, #tpu.memory_space<vmem_shared>> -> memref<40x16xf32, #tpu.memory_space<vmem_shared>>
      %dma_wait3A_213 = arith.constant 0 : i32
      %dma_wait3A_214 = tpu.memref_slice %arg10[%add3A_103, %dma_wait3A_213] : memref<10240x16xf32, #tpu.memory_space<vmem_shared>> -> memref<40x16xf32, #tpu.memory_space<vmem_shared>>
      tpu.wait_dma2 semaphore(%run_scoped3A : memref<!tpu.dma_semaphore, #tpu.memory_space<semaphore_mem>>) src(%arg18 : memref<40x16xf32, #tpu.memory_space<vmem>>) dst(%dma_wait3A_214 : memref<40x16xf32, #tpu.memory_space<vmem_shared>>)
      tpu.yield
    }) : () -> ()
    %mul3A_104 = arith.constant 640 : i32
    %mul3A_105 = arith.muli %arg1, %mul3A_104 : i32
    %add3A_106 = arith.constant 480 : i32
    %add3A_107 = arith.addi %mul3A_105, %add3A_106 : i32
    "tpu.region"() ({
      %run_scoped3A = tpu.sem_alloc : memref<!tpu.dma_semaphore, #tpu.memory_space<semaphore_mem>>
      %dma_start3A_208 = arith.constant 0 : i32
      %dma_start3A_209 = tpu.memref_slice %arg9[%add3A_107, %dma_start3A_208] : memref<10240x128xf32, #tpu.memory_space<vmem_shared>> -> memref<40x128xf32, #tpu.memory_space<vmem_shared>>
      %dma_start3A_210 = arith.constant 0 : i32
      %dma_start3A_211 = tpu.memref_slice %arg9[%add3A_107, %dma_start3A_210] : memref<10240x128xf32, #tpu.memory_space<vmem_shared>> -> memref<40x128xf32, #tpu.memory_space<vmem_shared>>
      tpu.enqueue_dma source(%arg17 : memref<40x128xf32, #tpu.memory_space<vmem>>) target(%dma_start3A_211 : memref<40x128xf32, #tpu.memory_space<vmem_shared>>) target_semaphore(%run_scoped3A : memref<!tpu.dma_semaphore, #tpu.memory_space<semaphore_mem>>)
      %dma_wait3A = arith.constant 0 : i32
      %dma_wait3A_212 = tpu.memref_slice %arg9[%add3A_107, %dma_wait3A] : memref<10240x128xf32, #tpu.memory_space<vmem_shared>> -> memref<40x128xf32, #tpu.memory_space<vmem_shared>>
      %dma_wait3A_213 = arith.constant 0 : i32
      %dma_wait3A_214 = tpu.memref_slice %arg9[%add3A_107, %dma_wait3A_213] : memref<10240x128xf32, #tpu.memory_space<vmem_shared>> -> memref<40x128xf32, #tpu.memory_space<vmem_shared>>
      tpu.wait_dma2 semaphore(%run_scoped3A : memref<!tpu.dma_semaphore, #tpu.memory_space<semaphore_mem>>) src(%arg17 : memref<40x128xf32, #tpu.memory_space<vmem>>) dst(%dma_wait3A_214 : memref<40x128xf32, #tpu.memory_space<vmem_shared>>)
      tpu.yield
    }) : () -> ()
    %mul3A_108 = arith.constant 640 : i32
    %mul3A_109 = arith.muli %arg1, %mul3A_108 : i32
    %add3A_110 = arith.constant 480 : i32
    %add3A_111 = arith.addi %mul3A_109, %add3A_110 : i32
    "tpu.region"() ({
      %run_scoped3A = tpu.sem_alloc : memref<!tpu.dma_semaphore, #tpu.memory_space<semaphore_mem>>
      %dma_start3A_208 = arith.constant 0 : i32
      %dma_start3A_209 = tpu.memref_slice %arg10[%add3A_111, %dma_start3A_208] : memref<10240x16xf32, #tpu.memory_space<vmem_shared>> -> memref<40x16xf32, #tpu.memory_space<vmem_shared>>
      %dma_start3A_210 = arith.constant 0 : i32
      %dma_start3A_211 = tpu.memref_slice %arg10[%add3A_111, %dma_start3A_210] : memref<10240x16xf32, #tpu.memory_space<vmem_shared>> -> memref<40x16xf32, #tpu.memory_space<vmem_shared>>
      tpu.enqueue_dma source(%arg18 : memref<40x16xf32, #tpu.memory_space<vmem>>) target(%dma_start3A_211 : memref<40x16xf32, #tpu.memory_space<vmem_shared>>) target_semaphore(%run_scoped3A : memref<!tpu.dma_semaphore, #tpu.memory_space<semaphore_mem>>)
      %dma_wait3A = arith.constant 0 : i32
      %dma_wait3A_212 = tpu.memref_slice %arg10[%add3A_111, %dma_wait3A] : memref<10240x16xf32, #tpu.memory_space<vmem_shared>> -> memref<40x16xf32, #tpu.memory_space<vmem_shared>>
      %dma_wait3A_213 = arith.constant 0 : i32
      %dma_wait3A_214 = tpu.memref_slice %arg10[%add3A_111, %dma_wait3A_213] : memref<10240x16xf32, #tpu.memory_space<vmem_shared>> -> memref<40x16xf32, #tpu.memory_space<vmem_shared>>
      tpu.wait_dma2 semaphore(%run_scoped3A : memref<!tpu.dma_semaphore, #tpu.memory_space<semaphore_mem>>) src(%arg18 : memref<40x16xf32, #tpu.memory_space<vmem>>) dst(%dma_wait3A_214 : memref<40x16xf32, #tpu.memory_space<vmem_shared>>)
      tpu.yield
    }) : () -> ()
    %mul3A_112 = arith.constant 640 : i32
    %mul3A_113 = arith.muli %arg1, %mul3A_112 : i32
    %add3A_114 = arith.constant 520 : i32
    %add3A_115 = arith.addi %mul3A_113, %add3A_114 : i32
    "tpu.region"() ({
      %run_scoped3A = tpu.sem_alloc : memref<!tpu.dma_semaphore, #tpu.memory_space<semaphore_mem>>
      %dma_start3A_208 = arith.constant 0 : i32
      %dma_start3A_209 = tpu.memref_slice %arg9[%add3A_115, %dma_start3A_208] : memref<10240x128xf32, #tpu.memory_space<vmem_shared>> -> memref<40x128xf32, #tpu.memory_space<vmem_shared>>
      %dma_start3A_210 = arith.constant 0 : i32
      %dma_start3A_211 = tpu.memref_slice %arg9[%add3A_115, %dma_start3A_210] : memref<10240x128xf32, #tpu.memory_space<vmem_shared>> -> memref<40x128xf32, #tpu.memory_space<vmem_shared>>
      tpu.enqueue_dma source(%arg17 : memref<40x128xf32, #tpu.memory_space<vmem>>) target(%dma_start3A_211 : memref<40x128xf32, #tpu.memory_space<vmem_shared>>) target_semaphore(%run_scoped3A : memref<!tpu.dma_semaphore, #tpu.memory_space<semaphore_mem>>)
      %dma_wait3A = arith.constant 0 : i32
      %dma_wait3A_212 = tpu.memref_slice %arg9[%add3A_115, %dma_wait3A] : memref<10240x128xf32, #tpu.memory_space<vmem_shared>> -> memref<40x128xf32, #tpu.memory_space<vmem_shared>>
      %dma_wait3A_213 = arith.constant 0 : i32
      %dma_wait3A_214 = tpu.memref_slice %arg9[%add3A_115, %dma_wait3A_213] : memref<10240x128xf32, #tpu.memory_space<vmem_shared>> -> memref<40x128xf32, #tpu.memory_space<vmem_shared>>
      tpu.wait_dma2 semaphore(%run_scoped3A : memref<!tpu.dma_semaphore, #tpu.memory_space<semaphore_mem>>) src(%arg17 : memref<40x128xf32, #tpu.memory_space<vmem>>) dst(%dma_wait3A_214 : memref<40x128xf32, #tpu.memory_space<vmem_shared>>)
      tpu.yield
    }) : () -> ()
    %mul3A_116 = arith.constant 640 : i32
    %mul3A_117 = arith.muli %arg1, %mul3A_116 : i32
    %add3A_118 = arith.constant 520 : i32
    %add3A_119 = arith.addi %mul3A_117, %add3A_118 : i32
    "tpu.region"() ({
      %run_scoped3A = tpu.sem_alloc : memref<!tpu.dma_semaphore, #tpu.memory_space<semaphore_mem>>
      %dma_start3A_208 = arith.constant 0 : i32
      %dma_start3A_209 = tpu.memref_slice %arg10[%add3A_119, %dma_start3A_208] : memref<10240x16xf32, #tpu.memory_space<vmem_shared>> -> memref<40x16xf32, #tpu.memory_space<vmem_shared>>
      %dma_start3A_210 = arith.constant 0 : i32
      %dma_start3A_211 = tpu.memref_slice %arg10[%add3A_119, %dma_start3A_210] : memref<10240x16xf32, #tpu.memory_space<vmem_shared>> -> memref<40x16xf32, #tpu.memory_space<vmem_shared>>
      tpu.enqueue_dma source(%arg18 : memref<40x16xf32, #tpu.memory_space<vmem>>) target(%dma_start3A_211 : memref<40x16xf32, #tpu.memory_space<vmem_shared>>) target_semaphore(%run_scoped3A : memref<!tpu.dma_semaphore, #tpu.memory_space<semaphore_mem>>)
      %dma_wait3A = arith.constant 0 : i32
      %dma_wait3A_212 = tpu.memref_slice %arg10[%add3A_119, %dma_wait3A] : memref<10240x16xf32, #tpu.memory_space<vmem_shared>> -> memref<40x16xf32, #tpu.memory_space<vmem_shared>>
      %dma_wait3A_213 = arith.constant 0 : i32
      %dma_wait3A_214 = tpu.memref_slice %arg10[%add3A_119, %dma_wait3A_213] : memref<10240x16xf32, #tpu.memory_space<vmem_shared>> -> memref<40x16xf32, #tpu.memory_space<vmem_shared>>
      tpu.wait_dma2 semaphore(%run_scoped3A : memref<!tpu.dma_semaphore, #tpu.memory_space<semaphore_mem>>) src(%arg18 : memref<40x16xf32, #tpu.memory_space<vmem>>) dst(%dma_wait3A_214 : memref<40x16xf32, #tpu.memory_space<vmem_shared>>)
      tpu.yield
    }) : () -> ()
    %mul3A_120 = arith.constant 640 : i32
    %mul3A_121 = arith.muli %arg1, %mul3A_120 : i32
    %add3A_122 = arith.constant 560 : i32
    %add3A_123 = arith.addi %mul3A_121, %add3A_122 : i32
    "tpu.region"() ({
      %run_scoped3A = tpu.sem_alloc : memref<!tpu.dma_semaphore, #tpu.memory_space<semaphore_mem>>
      %dma_start3A_208 = arith.constant 0 : i32
      %dma_start3A_209 = tpu.memref_slice %arg9[%add3A_123, %dma_start3A_208] : memref<10240x128xf32, #tpu.memory_space<vmem_shared>> -> memref<40x128xf32, #tpu.memory_space<vmem_shared>>
      %dma_start3A_210 = arith.constant 0 : i32
      %dma_start3A_211 = tpu.memref_slice %arg9[%add3A_123, %dma_start3A_210] : memref<10240x128xf32, #tpu.memory_space<vmem_shared>> -> memref<40x128xf32, #tpu.memory_space<vmem_shared>>
      tpu.enqueue_dma source(%arg17 : memref<40x128xf32, #tpu.memory_space<vmem>>) target(%dma_start3A_211 : memref<40x128xf32, #tpu.memory_space<vmem_shared>>) target_semaphore(%run_scoped3A : memref<!tpu.dma_semaphore, #tpu.memory_space<semaphore_mem>>)
      %dma_wait3A = arith.constant 0 : i32
      %dma_wait3A_212 = tpu.memref_slice %arg9[%add3A_123, %dma_wait3A] : memref<10240x128xf32, #tpu.memory_space<vmem_shared>> -> memref<40x128xf32, #tpu.memory_space<vmem_shared>>
      %dma_wait3A_213 = arith.constant 0 : i32
      %dma_wait3A_214 = tpu.memref_slice %arg9[%add3A_123, %dma_wait3A_213] : memref<10240x128xf32, #tpu.memory_space<vmem_shared>> -> memref<40x128xf32, #tpu.memory_space<vmem_shared>>
      tpu.wait_dma2 semaphore(%run_scoped3A : memref<!tpu.dma_semaphore, #tpu.memory_space<semaphore_mem>>) src(%arg17 : memref<40x128xf32, #tpu.memory_space<vmem>>) dst(%dma_wait3A_214 : memref<40x128xf32, #tpu.memory_space<vmem_shared>>)
      tpu.yield
    }) : () -> ()
    %mul3A_124 = arith.constant 640 : i32
    %mul3A_125 = arith.muli %arg1, %mul3A_124 : i32
    %add3A_126 = arith.constant 560 : i32
    %add3A_127 = arith.addi %mul3A_125, %add3A_126 : i32
    "tpu.region"() ({
      %run_scoped3A = tpu.sem_alloc : memref<!tpu.dma_semaphore, #tpu.memory_space<semaphore_mem>>
      %dma_start3A_208 = arith.constant 0 : i32
      %dma_start3A_209 = tpu.memref_slice %arg10[%add3A_127, %dma_start3A_208] : memref<10240x16xf32, #tpu.memory_space<vmem_shared>> -> memref<40x16xf32, #tpu.memory_space<vmem_shared>>
      %dma_start3A_210 = arith.constant 0 : i32
      %dma_start3A_211 = tpu.memref_slice %arg10[%add3A_127, %dma_start3A_210] : memref<10240x16xf32, #tpu.memory_space<vmem_shared>> -> memref<40x16xf32, #tpu.memory_space<vmem_shared>>
      tpu.enqueue_dma source(%arg18 : memref<40x16xf32, #tpu.memory_space<vmem>>) target(%dma_start3A_211 : memref<40x16xf32, #tpu.memory_space<vmem_shared>>) target_semaphore(%run_scoped3A : memref<!tpu.dma_semaphore, #tpu.memory_space<semaphore_mem>>)
      %dma_wait3A = arith.constant 0 : i32
      %dma_wait3A_212 = tpu.memref_slice %arg10[%add3A_127, %dma_wait3A] : memref<10240x16xf32, #tpu.memory_space<vmem_shared>> -> memref<40x16xf32, #tpu.memory_space<vmem_shared>>
      %dma_wait3A_213 = arith.constant 0 : i32
      %dma_wait3A_214 = tpu.memref_slice %arg10[%add3A_127, %dma_wait3A_213] : memref<10240x16xf32, #tpu.memory_space<vmem_shared>> -> memref<40x16xf32, #tpu.memory_space<vmem_shared>>
      tpu.wait_dma2 semaphore(%run_scoped3A : memref<!tpu.dma_semaphore, #tpu.memory_space<semaphore_mem>>) src(%arg18 : memref<40x16xf32, #tpu.memory_space<vmem>>) dst(%dma_wait3A_214 : memref<40x16xf32, #tpu.memory_space<vmem_shared>>)
      tpu.yield
    }) : () -> ()
    %mul3A_128 = arith.constant 640 : i32
    %mul3A_129 = arith.muli %arg1, %mul3A_128 : i32
    %add3A_130 = arith.constant 600 : i32
    %add3A_131 = arith.addi %mul3A_129, %add3A_130 : i32
    "tpu.region"() ({
      %run_scoped3A = tpu.sem_alloc : memref<!tpu.dma_semaphore, #tpu.memory_space<semaphore_mem>>
      %dma_start3A_208 = arith.constant 0 : i32
      %dma_start3A_209 = tpu.memref_slice %arg9[%add3A_131, %dma_start3A_208] : memref<10240x128xf32, #tpu.memory_space<vmem_shared>> -> memref<40x128xf32, #tpu.memory_space<vmem_shared>>
      %dma_start3A_210 = arith.constant 0 : i32
      %dma_start3A_211 = tpu.memref_slice %arg9[%add3A_131, %dma_start3A_210] : memref<10240x128xf32, #tpu.memory_space<vmem_shared>> -> memref<40x128xf32, #tpu.memory_space<vmem_shared>>
      tpu.enqueue_dma source(%arg17 : memref<40x128xf32, #tpu.memory_space<vmem>>) target(%dma_start3A_211 : memref<40x128xf32, #tpu.memory_space<vmem_shared>>) target_semaphore(%run_scoped3A : memref<!tpu.dma_semaphore, #tpu.memory_space<semaphore_mem>>)
      %dma_wait3A = arith.constant 0 : i32
      %dma_wait3A_212 = tpu.memref_slice %arg9[%add3A_131, %dma_wait3A] : memref<10240x128xf32, #tpu.memory_space<vmem_shared>> -> memref<40x128xf32, #tpu.memory_space<vmem_shared>>
      %dma_wait3A_213 = arith.constant 0 : i32
      %dma_wait3A_214 = tpu.memref_slice %arg9[%add3A_131, %dma_wait3A_213] : memref<10240x128xf32, #tpu.memory_space<vmem_shared>> -> memref<40x128xf32, #tpu.memory_space<vmem_shared>>
      tpu.wait_dma2 semaphore(%run_scoped3A : memref<!tpu.dma_semaphore, #tpu.memory_space<semaphore_mem>>) src(%arg17 : memref<40x128xf32, #tpu.memory_space<vmem>>) dst(%dma_wait3A_214 : memref<40x128xf32, #tpu.memory_space<vmem_shared>>)
      tpu.yield
    }) : () -> ()
    %mul3A_132 = arith.constant 640 : i32
    %mul3A_133 = arith.muli %arg1, %mul3A_132 : i32
    %add3A_134 = arith.constant 600 : i32
    %add3A_135 = arith.addi %mul3A_133, %add3A_134 : i32
    "tpu.region"() ({
      %run_scoped3A = tpu.sem_alloc : memref<!tpu.dma_semaphore, #tpu.memory_space<semaphore_mem>>
      %dma_start3A_208 = arith.constant 0 : i32
      %dma_start3A_209 = tpu.memref_slice %arg10[%add3A_135, %dma_start3A_208] : memref<10240x16xf32, #tpu.memory_space<vmem_shared>> -> memref<40x16xf32, #tpu.memory_space<vmem_shared>>
      %dma_start3A_210 = arith.constant 0 : i32
      %dma_start3A_211 = tpu.memref_slice %arg10[%add3A_135, %dma_start3A_210] : memref<10240x16xf32, #tpu.memory_space<vmem_shared>> -> memref<40x16xf32, #tpu.memory_space<vmem_shared>>
      tpu.enqueue_dma source(%arg18 : memref<40x16xf32, #tpu.memory_space<vmem>>) target(%dma_start3A_211 : memref<40x16xf32, #tpu.memory_space<vmem_shared>>) target_semaphore(%run_scoped3A : memref<!tpu.dma_semaphore, #tpu.memory_space<semaphore_mem>>)
      %dma_wait3A = arith.constant 0 : i32
      %dma_wait3A_212 = tpu.memref_slice %arg10[%add3A_135, %dma_wait3A] : memref<10240x16xf32, #tpu.memory_space<vmem_shared>> -> memref<40x16xf32, #tpu.memory_space<vmem_shared>>
      %dma_wait3A_213 = arith.constant 0 : i32
      %dma_wait3A_214 = tpu.memref_slice %arg10[%add3A_135, %dma_wait3A_213] : memref<10240x16xf32, #tpu.memory_space<vmem_shared>> -> memref<40x16xf32, #tpu.memory_space<vmem_shared>>
      tpu.wait_dma2 semaphore(%run_scoped3A : memref<!tpu.dma_semaphore, #tpu.memory_space<semaphore_mem>>) src(%arg18 : memref<40x16xf32, #tpu.memory_space<vmem>>) dst(%dma_wait3A_214 : memref<40x16xf32, #tpu.memory_space<vmem_shared>>)
      tpu.yield
    }) : () -> ()
    %barrier3A = arith.constant 0 : index
    tpu.barrier barrier_id(%barrier3A)
    "tpu.region"() ({
      %run_scoped3A = tpu.sem_alloc : memref<!tpu.dma_semaphore, #tpu.memory_space<semaphore_mem>>
      %dma_start3A_208 = arith.constant 0 : i32
      %dma_start3A_209 = arith.constant 0 : i32
      %dma_start3A_210 = tpu.memref_slice %arg5[%add3A, %dma_start3A_208, %dma_start3A_209] : memref<32x100x50xi32, #tpu.memory_space<hbm>> -> memref<1x100x50xi32, #tpu.memory_space<hbm>>
      %dma_start3A_211 = tpu.memref_squeeze %dma_start3A_210 : memref<1x100x50xi32, #tpu.memory_space<hbm>> -> memref<100x50xi32, #tpu.memory_space<hbm>>
      %dma_start3A_212 = arith.constant 0 : i32
      %dma_start3A_213 = arith.constant 0 : i32
      %dma_start3A_214 = tpu.memref_slice %arg5[%add3A, %dma_start3A_212, %dma_start3A_213] : memref<32x100x50xi32, #tpu.memory_space<hbm>> -> memref<1x100x50xi32, #tpu.memory_space<hbm>>
      %dma_start3A_215 = tpu.memref_squeeze %dma_start3A_214 : memref<1x100x50xi32, #tpu.memory_space<hbm>> -> memref<100x50xi32, #tpu.memory_space<hbm>>
      tpu.enqueue_dma source(%dma_start3A_215 : memref<100x50xi32, #tpu.memory_space<hbm>>) target(%arg11 : memref<100x50xi32, #tpu.memory_space<vmem>>) target_semaphore(%run_scoped3A : memref<!tpu.dma_semaphore, #tpu.memory_space<semaphore_mem>>)
      %dma_wait3A = arith.constant 0 : i32
      %dma_wait3A_216 = arith.constant 0 : i32
      %dma_wait3A_217 = tpu.memref_slice %arg5[%add3A, %dma_wait3A, %dma_wait3A_216] : memref<32x100x50xi32, #tpu.memory_space<hbm>> -> memref<1x100x50xi32, #tpu.memory_space<hbm>>
      %dma_wait3A_218 = tpu.memref_squeeze %dma_wait3A_217 : memref<1x100x50xi32, #tpu.memory_space<hbm>> -> memref<100x50xi32, #tpu.memory_space<hbm>>
      %dma_wait3A_219 = arith.constant 0 : i32
      %dma_wait3A_220 = arith.constant 0 : i32
      %dma_wait3A_221 = tpu.memref_slice %arg5[%add3A, %dma_wait3A_219, %dma_wait3A_220] : memref<32x100x50xi32, #tpu.memory_space<hbm>> -> memref<1x100x50xi32, #tpu.memory_space<hbm>>
      %dma_wait3A_222 = tpu.memref_squeeze %dma_wait3A_221 : memref<1x100x50xi32, #tpu.memory_space<hbm>> -> memref<100x50xi32, #tpu.memory_space<hbm>>
      tpu.wait_dma2 semaphore(%run_scoped3A : memref<!tpu.dma_semaphore, #tpu.memory_space<semaphore_mem>>) src(%dma_wait3A_222 : memref<100x50xi32, #tpu.memory_space<hbm>>) dst(%arg11 : memref<100x50xi32, #tpu.memory_space<vmem>>)
      tpu.yield
    }) : () -> ()
    "tpu.region"() ({
      %run_scoped3A = tpu.sem_alloc : memref<!tpu.dma_semaphore, #tpu.memory_space<semaphore_mem>>
      %dma_start3A_208 = arith.constant 0 : i32
      %dma_start3A_209 = arith.constant 0 : i32
      %dma_start3A_210 = tpu.memref_slice %arg6[%add3A, %dma_start3A_208, %dma_start3A_209] : memref<32x100x50xi32, #tpu.memory_space<hbm>> -> memref<1x100x50xi32, #tpu.memory_space<hbm>>
      %dma_start3A_211 = tpu.memref_squeeze %dma_start3A_210 : memref<1x100x50xi32, #tpu.memory_space<hbm>> -> memref<100x50xi32, #tpu.memory_space<hbm>>
      %dma_start3A_212 = arith.constant 0 : i32
      %dma_start3A_213 = arith.constant 0 : i32
      %dma_start3A_214 = tpu.memref_slice %arg6[%add3A, %dma_start3A_212, %dma_start3A_213] : memref<32x100x50xi32, #tpu.memory_space<hbm>> -> memref<1x100x50xi32, #tpu.memory_space<hbm>>
      %dma_start3A_215 = tpu.memref_squeeze %dma_start3A_214 : memref<1x100x50xi32, #tpu.memory_space<hbm>> -> memref<100x50xi32, #tpu.memory_space<hbm>>
      tpu.enqueue_dma source(%dma_start3A_215 : memref<100x50xi32, #tpu.memory_space<hbm>>) target(%arg12 : memref<100x50xi32, #tpu.memory_space<vmem>>) target_semaphore(%run_scoped3A : memref<!tpu.dma_semaphore, #tpu.memory_space<semaphore_mem>>)
      %dma_wait3A = arith.constant 0 : i32
      %dma_wait3A_216 = arith.constant 0 : i32
      %dma_wait3A_217 = tpu.memref_slice %arg6[%add3A, %dma_wait3A, %dma_wait3A_216] : memref<32x100x50xi32, #tpu.memory_space<hbm>> -> memref<1x100x50xi32, #tpu.memory_space<hbm>>
      %dma_wait3A_218 = tpu.memref_squeeze %dma_wait3A_217 : memref<1x100x50xi32, #tpu.memory_space<hbm>> -> memref<100x50xi32, #tpu.memory_space<hbm>>
      %dma_wait3A_219 = arith.constant 0 : i32
      %dma_wait3A_220 = arith.constant 0 : i32
      %dma_wait3A_221 = tpu.memref_slice %arg6[%add3A, %dma_wait3A_219, %dma_wait3A_220] : memref<32x100x50xi32, #tpu.memory_space<hbm>> -> memref<1x100x50xi32, #tpu.memory_space<hbm>>
      %dma_wait3A_222 = tpu.memref_squeeze %dma_wait3A_221 : memref<1x100x50xi32, #tpu.memory_space<hbm>> -> memref<100x50xi32, #tpu.memory_space<hbm>>
      tpu.wait_dma2 semaphore(%run_scoped3A : memref<!tpu.dma_semaphore, #tpu.memory_space<semaphore_mem>>) src(%dma_wait3A_222 : memref<100x50xi32, #tpu.memory_space<hbm>>) dst(%arg12 : memref<100x50xi32, #tpu.memory_space<vmem>>)
      tpu.yield
    }) : () -> ()
    %mul3A_136 = arith.constant 5000 : i32
    %mul3A_137 = arith.muli %add3A, %mul3A_136 : i32
    %add3A_138 = arith.constant 0 : i32
    %add3A_139 = arith.addi %mul3A_137, %add3A_138 : i32
    %dma_start3A = arith.constant 0 : i32
    %dma_start3A_140 = arith.constant 0 : i32
    %dma_start3A_141 = arith.constant 0 : i32
    %dma_start3A_142 = tpu.memref_slice %arg13[%dma_start3A, %dma_start3A_140, %dma_start3A_141] : memref<2x50x16xf32, #tpu.memory_space<vmem>> -> memref<1x50x16xf32, #tpu.memory_space<vmem>>
    %dma_start3A_143 = tpu.memref_squeeze %dma_start3A_142 : memref<1x50x16xf32, #tpu.memory_space<vmem>> -> memref<50x16xf32, #tpu.memory_space<vmem>>
    %dma_start3A_144 = arith.constant 0 : i32
    %dma_start3A_145 = tpu.memref_slice %arg4[%add3A_139, %dma_start3A_144] : memref<160000x16xf32, #tpu.memory_space<hbm>> -> memref<50x16xf32, #tpu.memory_space<hbm>>
    %dma_start3A_146 = arith.constant 0 : i32
    %dma_start3A_147 = arith.constant 0 : i32
    %dma_start3A_148 = tpu.memref_slice %arg13[%dma_start3A, %dma_start3A_146, %dma_start3A_147] : memref<2x50x16xf32, #tpu.memory_space<vmem>> -> memref<1x50x16xf32, #tpu.memory_space<vmem>>
    %dma_start3A_149 = tpu.memref_squeeze %dma_start3A_148 : memref<1x50x16xf32, #tpu.memory_space<vmem>> -> memref<50x16xf32, #tpu.memory_space<vmem>>
    %dma_start3A_150 = arith.constant 0 : i32
    %dma_start3A_151 = tpu.memref_slice %arg4[%add3A_139, %dma_start3A_150] : memref<160000x16xf32, #tpu.memory_space<hbm>> -> memref<50x16xf32, #tpu.memory_space<hbm>>
    tpu.enqueue_dma source(%dma_start3A_151 : memref<50x16xf32, #tpu.memory_space<hbm>>) target(%dma_start3A_149 : memref<50x16xf32, #tpu.memory_space<vmem>>) target_semaphore(%arg19 : memref<!tpu.dma_semaphore, #tpu.memory_space<semaphore_mem>>)
    %sub3A = arith.constant 160000 : i32
    %sub3A_152 = arith.subi %sub3A, %add3A_139 : i32
    %sub3A_153 = arith.constant 50 : i32
    %sub3A_154 = arith.subi %sub3A_152, %sub3A_153 : i32
    %dma_start3A_155 = arith.constant 0 : i32
    %dma_start3A_156 = arith.constant 0 : i32
    %dma_start3A_157 = arith.constant 0 : i32
    %dma_start3A_158 = tpu.memref_slice %arg14[%dma_start3A_155, %dma_start3A_156, %dma_start3A_157] : memref<2x50x16xf32, #tpu.memory_space<vmem>> -> memref<1x50x16xf32, #tpu.memory_space<vmem>>
    %dma_start3A_159 = tpu.memref_squeeze %dma_start3A_158 : memref<1x50x16xf32, #tpu.memory_space<vmem>> -> memref<50x16xf32, #tpu.memory_space<vmem>>
    %dma_start3A_160 = arith.constant 0 : i32
    %dma_start3A_161 = tpu.memref_slice %arg4[%sub3A_154, %dma_start3A_160] : memref<160000x16xf32, #tpu.memory_space<hbm>> -> memref<50x16xf32, #tpu.memory_space<hbm>>
    %dma_start3A_162 = arith.constant 0 : i32
    %dma_start3A_163 = arith.constant 0 : i32
    %dma_start3A_164 = tpu.memref_slice %arg14[%dma_start3A_155, %dma_start3A_162, %dma_start3A_163] : memref<2x50x16xf32, #tpu.memory_space<vmem>> -> memref<1x50x16xf32, #tpu.memory_space<vmem>>
    %dma_start3A_165 = tpu.memref_squeeze %dma_start3A_164 : memref<1x50x16xf32, #tpu.memory_space<vmem>> -> memref<50x16xf32, #tpu.memory_space<vmem>>
    %dma_start3A_166 = arith.constant 0 : i32
    %dma_start3A_167 = tpu.memref_slice %arg4[%sub3A_154, %dma_start3A_166] : memref<160000x16xf32, #tpu.memory_space<hbm>> -> memref<50x16xf32, #tpu.memory_space<hbm>>
    tpu.enqueue_dma source(%dma_start3A_167 : memref<50x16xf32, #tpu.memory_space<hbm>>) target(%dma_start3A_165 : memref<50x16xf32, #tpu.memory_space<vmem>>) target_semaphore(%arg19 : memref<!tpu.dma_semaphore, #tpu.memory_space<semaphore_mem>>)
    %dma_start3A_168 = arith.constant 0 : i32
    %dma_start3A_169 = arith.constant 0 : i32
    %dma_start3A_170 = arith.constant 0 : i32
    %dma_start3A_171 = arith.constant 0 : i32
    %dma_start3A_172 = tpu.memref_slice %arg15[%dma_start3A_169, %dma_start3A_170, %dma_start3A_171] : memref<2x50x128xf32, #tpu.memory_space<vmem>> -> memref<1x50x128xf32, #tpu.memory_space<vmem>>
    %dma_start3A_173 = tpu.memref_squeeze %dma_start3A_172 : memref<1x50x128xf32, #tpu.memory_space<vmem>> -> memref<50x128xf32, #tpu.memory_space<vmem>>
    %dma_start3A_174 = arith.constant 0 : i32
    %dma_start3A_175 = tpu.memref_slice %arg11[%dma_start3A_168, %dma_start3A_174] : memref<100x50xi32, #tpu.memory_space<vmem>> -> memref<1x50xi32, #tpu.memory_space<vmem>>
    %dma_start3A_176 = tpu.memref_squeeze %dma_start3A_175 : memref<1x50xi32, #tpu.memory_space<vmem>> -> memref<50xi32, #tpu.memory_space<vmem>>
    %dma_start3A_177 = arith.constant 0 : i32
    %dma_start3A_178 = arith.constant 0 : i32
    %dma_start3A_179 = tpu.memref_slice %arg2[%dma_start3A_177, %dma_start3A_178] : memref<10000x128xf32, #tpu.memory_space<hbm>> -> memref<10000x128xf32, #tpu.memory_space<hbm>>
    tpu.enqueue_indirect_dma source(%dma_start3A_179 : memref<10000x128xf32, #tpu.memory_space<hbm>>) target(%dma_start3A_173 : memref<50x128xf32, #tpu.memory_space<vmem>>) offsets(%dma_start3A_176 : memref<50xi32, #tpu.memory_space<vmem>>) semaphore(%arg19 : memref<!tpu.dma_semaphore, #tpu.memory_space<semaphore_mem>>)
    %dma_start3A_180 = arith.constant 0 : i32
    %dma_start3A_181 = arith.constant 0 : i32
    %dma_start3A_182 = arith.constant 0 : i32
    %dma_start3A_183 = arith.constant 0 : i32
    %dma_start3A_184 = tpu.memref_slice %arg16[%dma_start3A_181, %dma_start3A_182, %dma_start3A_183] : memref<2x50x16xf32, #tpu.memory_space<vmem>> -> memref<1x50x16xf32, #tpu.memory_space<vmem>>
    %dma_start3A_185 = tpu.memref_squeeze %dma_start3A_184 : memref<1x50x16xf32, #tpu.memory_space<vmem>> -> memref<50x16xf32, #tpu.memory_space<vmem>>
    %dma_start3A_186 = arith.constant 0 : i32
    %dma_start3A_187 = tpu.memref_slice %arg11[%dma_start3A_180, %dma_start3A_186] : memref<100x50xi32, #tpu.memory_space<vmem>> -> memref<1x50xi32, #tpu.memory_space<vmem>>
    %dma_start3A_188 = tpu.memref_squeeze %dma_start3A_187 : memref<1x50xi32, #tpu.memory_space<vmem>> -> memref<50xi32, #tpu.memory_space<vmem>>
    %dma_start3A_189 = arith.constant 0 : i32
    %dma_start3A_190 = arith.constant 0 : i32
    %dma_start3A_191 = tpu.memref_slice %arg3[%dma_start3A_189, %dma_start3A_190] : memref<10000x16xf32, #tpu.memory_space<hbm>> -> memref<10000x16xf32, #tpu.memory_space<hbm>>
    tpu.enqueue_indirect_dma source(%dma_start3A_191 : memref<10000x16xf32, #tpu.memory_space<hbm>>) target(%dma_start3A_185 : memref<50x16xf32, #tpu.memory_space<vmem>>) offsets(%dma_start3A_188 : memref<50xi32, #tpu.memory_space<vmem>>) semaphore(%arg19 : memref<!tpu.dma_semaphore, #tpu.memory_space<semaphore_mem>>)
    %scan3A_192 = arith.constant 0 : i32
    %scan3A_193 = arith.constant 0 : i32
    %scan3A_194 = arith.constant 50 : i32
    %scan3A_195 = arith.addi %scan3A_193, %scan3A_194 : i32
    %scan3A_196 = arith.constant 1 : i32
    %scan3A_197 = scf.for %scan3A_208 = %scan3A_193 to %scan3A_195 step %scan3A_196 iter_args(%scan3A_209 = %scan3A_192) -> (i32)  : i32 {
      %mul3A_210 = arith.constant 2 : i32
      %mul3A_211 = arith.muli %mul3A_210, %scan3A_208 : i32
      %add3A_212 = arith.constant 0 : i32
      %add3A_213 = arith.addi %mul3A_211, %add3A_212 : i32
      %add3A_214 = arith.constant 1 : i32
      %add3A_215 = arith.addi %add3A_213, %add3A_214 : i32
      %lt3A = arith.constant 100 : i32
      %lt3A_216 = arith.cmpi slt, %add3A_215, %lt3A : i32
      %convert_element_type3A = arith.extui %lt3A_216 : i1 to i32
      %cond3A = arith.constant 0 : i32
      %cond3A_217 = arith.cmpi ne, %convert_element_type3A, %cond3A : i32
      scf.if %cond3A_217 {
        %add3A_372 = arith.constant 1 : i32
        %add3A_373 = arith.addi %add3A_213, %add3A_372 : i32
        %mul3A_374 = arith.constant 5000 : i32
        %mul3A_375 = arith.muli %add3A, %mul3A_374 : i32
        %mul3A_376 = arith.constant 50 : i32
        %mul3A_377 = arith.muli %add3A_373, %mul3A_376 : i32
        %add3A_378 = arith.addi %mul3A_375, %mul3A_377 : i32
        %dma_start3A_379 = arith.constant 1 : i32
        %dma_start3A_380 = arith.constant 0 : i32
        %dma_start3A_381 = arith.constant 0 : i32
        %dma_start3A_382 = tpu.memref_slice %arg13[%dma_start3A_379, %dma_start3A_380, %dma_start3A_381] : memref<2x50x16xf32, #tpu.memory_space<vmem>> -> memref<1x50x16xf32, #tpu.memory_space<vmem>>
        %dma_start3A_383 = tpu.memref_squeeze %dma_start3A_382 : memref<1x50x16xf32, #tpu.memory_space<vmem>> -> memref<50x16xf32, #tpu.memory_space<vmem>>
        %dma_start3A_384 = arith.constant 0 : i32
        %dma_start3A_385 = tpu.memref_slice %arg4[%add3A_378, %dma_start3A_384] : memref<160000x16xf32, #tpu.memory_space<hbm>> -> memref<50x16xf32, #tpu.memory_space<hbm>>
        %dma_start3A_386 = arith.constant 0 : i32
        %dma_start3A_387 = arith.constant 0 : i32
        %dma_start3A_388 = tpu.memref_slice %arg13[%dma_start3A_379, %dma_start3A_386, %dma_start3A_387] : memref<2x50x16xf32, #tpu.memory_space<vmem>> -> memref<1x50x16xf32, #tpu.memory_space<vmem>>
        %dma_start3A_389 = tpu.memref_squeeze %dma_start3A_388 : memref<1x50x16xf32, #tpu.memory_space<vmem>> -> memref<50x16xf32, #tpu.memory_space<vmem>>
        %dma_start3A_390 = arith.constant 0 : i32
        %dma_start3A_391 = tpu.memref_slice %arg4[%add3A_378, %dma_start3A_390] : memref<160000x16xf32, #tpu.memory_space<hbm>> -> memref<50x16xf32, #tpu.memory_space<hbm>>
        tpu.enqueue_dma source(%dma_start3A_391 : memref<50x16xf32, #tpu.memory_space<hbm>>) target(%dma_start3A_389 : memref<50x16xf32, #tpu.memory_space<vmem>>) target_semaphore(%arg20 : memref<!tpu.dma_semaphore, #tpu.memory_space<semaphore_mem>>)
        %sub3A_392 = arith.constant 160000 : i32
        %sub3A_393 = arith.subi %sub3A_392, %add3A_378 : i32
        %sub3A_394 = arith.constant 50 : i32
        %sub3A_395 = arith.subi %sub3A_393, %sub3A_394 : i32
        %dma_start3A_396 = arith.constant 1 : i32
        %dma_start3A_397 = arith.constant 0 : i32
        %dma_start3A_398 = arith.constant 0 : i32
        %dma_start3A_399 = tpu.memref_slice %arg14[%dma_start3A_396, %dma_start3A_397, %dma_start3A_398] : memref<2x50x16xf32, #tpu.memory_space<vmem>> -> memref<1x50x16xf32, #tpu.memory_space<vmem>>
        %dma_start3A_400 = tpu.memref_squeeze %dma_start3A_399 : memref<1x50x16xf32, #tpu.memory_space<vmem>> -> memref<50x16xf32, #tpu.memory_space<vmem>>
        %dma_start3A_401 = arith.constant 0 : i32
        %dma_start3A_402 = tpu.memref_slice %arg4[%sub3A_395, %dma_start3A_401] : memref<160000x16xf32, #tpu.memory_space<hbm>> -> memref<50x16xf32, #tpu.memory_space<hbm>>
        %dma_start3A_403 = arith.constant 0 : i32
        %dma_start3A_404 = arith.constant 0 : i32
        %dma_start3A_405 = tpu.memref_slice %arg14[%dma_start3A_396, %dma_start3A_403, %dma_start3A_404] : memref<2x50x16xf32, #tpu.memory_space<vmem>> -> memref<1x50x16xf32, #tpu.memory_space<vmem>>
        %dma_start3A_406 = tpu.memref_squeeze %dma_start3A_405 : memref<1x50x16xf32, #tpu.memory_space<vmem>> -> memref<50x16xf32, #tpu.memory_space<vmem>>
        %dma_start3A_407 = arith.constant 0 : i32
        %dma_start3A_408 = tpu.memref_slice %arg4[%sub3A_395, %dma_start3A_407] : memref<160000x16xf32, #tpu.memory_space<hbm>> -> memref<50x16xf32, #tpu.memory_space<hbm>>
        tpu.enqueue_dma source(%dma_start3A_408 : memref<50x16xf32, #tpu.memory_space<hbm>>) target(%dma_start3A_406 : memref<50x16xf32, #tpu.memory_space<vmem>>) target_semaphore(%arg20 : memref<!tpu.dma_semaphore, #tpu.memory_space<semaphore_mem>>)
        %dma_start3A_409 = arith.constant 1 : i32
        %dma_start3A_410 = arith.constant 0 : i32
        %dma_start3A_411 = arith.constant 0 : i32
        %dma_start3A_412 = tpu.memref_slice %arg15[%dma_start3A_409, %dma_start3A_410, %dma_start3A_411] : memref<2x50x128xf32, #tpu.memory_space<vmem>> -> memref<1x50x128xf32, #tpu.memory_space<vmem>>
        %dma_start3A_413 = tpu.memref_squeeze %dma_start3A_412 : memref<1x50x128xf32, #tpu.memory_space<vmem>> -> memref<50x128xf32, #tpu.memory_space<vmem>>
        %dma_start3A_414 = arith.constant 0 : i32
        %dma_start3A_415 = tpu.memref_slice %arg11[%add3A_373, %dma_start3A_414] : memref<100x50xi32, #tpu.memory_space<vmem>> -> memref<1x50xi32, #tpu.memory_space<vmem>>
        %dma_start3A_416 = tpu.memref_squeeze %dma_start3A_415 : memref<1x50xi32, #tpu.memory_space<vmem>> -> memref<50xi32, #tpu.memory_space<vmem>>
        %dma_start3A_417 = arith.constant 0 : i32
        %dma_start3A_418 = arith.constant 0 : i32
        %dma_start3A_419 = tpu.memref_slice %arg2[%dma_start3A_417, %dma_start3A_418] : memref<10000x128xf32, #tpu.memory_space<hbm>> -> memref<10000x128xf32, #tpu.memory_space<hbm>>
        tpu.enqueue_indirect_dma source(%dma_start3A_419 : memref<10000x128xf32, #tpu.memory_space<hbm>>) target(%dma_start3A_413 : memref<50x128xf32, #tpu.memory_space<vmem>>) offsets(%dma_start3A_416 : memref<50xi32, #tpu.memory_space<vmem>>) semaphore(%arg20 : memref<!tpu.dma_semaphore, #tpu.memory_space<semaphore_mem>>)
        %dma_start3A_420 = arith.constant 1 : i32
        %dma_start3A_421 = arith.constant 0 : i32
        %dma_start3A_422 = arith.constant 0 : i32
        %dma_start3A_423 = tpu.memref_slice %arg16[%dma_start3A_420, %dma_start3A_421, %dma_start3A_422] : memref<2x50x16xf32, #tpu.memory_space<vmem>> -> memref<1x50x16xf32, #tpu.memory_space<vmem>>
        %dma_start3A_424 = tpu.memref_squeeze %dma_start3A_423 : memref<1x50x16xf32, #tpu.memory_space<vmem>> -> memref<50x16xf32, #tpu.memory_space<vmem>>
        %dma_start3A_425 = arith.constant 0 : i32
        %dma_start3A_426 = tpu.memref_slice %arg11[%add3A_373, %dma_start3A_425] : memref<100x50xi32, #tpu.memory_space<vmem>> -> memref<1x50xi32, #tpu.memory_space<vmem>>
        %dma_start3A_427 = tpu.memref_squeeze %dma_start3A_426 : memref<1x50xi32, #tpu.memory_space<vmem>> -> memref<50xi32, #tpu.memory_space<vmem>>
        %dma_start3A_428 = arith.constant 0 : i32
        %dma_start3A_429 = arith.constant 0 : i32
        %dma_start3A_430 = tpu.memref_slice %arg3[%dma_start3A_428, %dma_start3A_429] : memref<10000x16xf32, #tpu.memory_space<hbm>> -> memref<10000x16xf32, #tpu.memory_space<hbm>>
        tpu.enqueue_indirect_dma source(%dma_start3A_430 : memref<10000x16xf32, #tpu.memory_space<hbm>>) target(%dma_start3A_424 : memref<50x16xf32, #tpu.memory_space<vmem>>) offsets(%dma_start3A_427 : memref<50xi32, #tpu.memory_space<vmem>>) semaphore(%arg20 : memref<!tpu.dma_semaphore, #tpu.memory_space<semaphore_mem>>)
      } else {
      }
      %dma_wait3A = arith.constant 0 : i32
      %dma_wait3A_218 = arith.constant 0 : i32
      %dma_wait3A_219 = arith.constant 0 : i32
      %dma_wait3A_220 = tpu.memref_slice %arg13[%dma_wait3A, %dma_wait3A_218, %dma_wait3A_219] : memref<2x50x16xf32, #tpu.memory_space<vmem>> -> memref<1x50x16xf32, #tpu.memory_space<vmem>>
      %dma_wait3A_221 = tpu.memref_squeeze %dma_wait3A_220 : memref<1x50x16xf32, #tpu.memory_space<vmem>> -> memref<50x16xf32, #tpu.memory_space<vmem>>
      %dma_wait3A_222 = arith.constant 0 : i32
      %dma_wait3A_223 = arith.constant 0 : i32
      %dma_wait3A_224 = tpu.memref_slice %arg4[%dma_wait3A_222, %dma_wait3A_223] : memref<160000x16xf32, #tpu.memory_space<hbm>> -> memref<50x16xf32, #tpu.memory_space<hbm>>
      %dma_wait3A_225 = arith.constant 0 : i32
      %dma_wait3A_226 = arith.constant 0 : i32
      %dma_wait3A_227 = tpu.memref_slice %arg13[%dma_wait3A, %dma_wait3A_225, %dma_wait3A_226] : memref<2x50x16xf32, #tpu.memory_space<vmem>> -> memref<1x50x16xf32, #tpu.memory_space<vmem>>
      %dma_wait3A_228 = tpu.memref_squeeze %dma_wait3A_227 : memref<1x50x16xf32, #tpu.memory_space<vmem>> -> memref<50x16xf32, #tpu.memory_space<vmem>>
      %dma_wait3A_229 = arith.constant 0 : i32
      %dma_wait3A_230 = arith.constant 0 : i32
      %dma_wait3A_231 = tpu.memref_slice %arg4[%dma_wait3A_229, %dma_wait3A_230] : memref<160000x16xf32, #tpu.memory_space<hbm>> -> memref<50x16xf32, #tpu.memory_space<hbm>>
      tpu.wait_dma2 semaphore(%arg19 : memref<!tpu.dma_semaphore, #tpu.memory_space<semaphore_mem>>) src(%dma_wait3A_231 : memref<50x16xf32, #tpu.memory_space<hbm>>) dst(%dma_wait3A_228 : memref<50x16xf32, #tpu.memory_space<vmem>>)
      %dma_wait3A_232 = arith.constant 0 : i32
      %dma_wait3A_233 = arith.constant 0 : i32
      %dma_wait3A_234 = arith.constant 0 : i32
      %dma_wait3A_235 = tpu.memref_slice %arg14[%dma_wait3A_232, %dma_wait3A_233, %dma_wait3A_234] : memref<2x50x16xf32, #tpu.memory_space<vmem>> -> memref<1x50x16xf32, #tpu.memory_space<vmem>>
      %dma_wait3A_236 = tpu.memref_squeeze %dma_wait3A_235 : memref<1x50x16xf32, #tpu.memory_space<vmem>> -> memref<50x16xf32, #tpu.memory_space<vmem>>
      %dma_wait3A_237 = arith.constant 0 : i32
      %dma_wait3A_238 = arith.constant 0 : i32
      %dma_wait3A_239 = tpu.memref_slice %arg4[%dma_wait3A_237, %dma_wait3A_238] : memref<160000x16xf32, #tpu.memory_space<hbm>> -> memref<50x16xf32, #tpu.memory_space<hbm>>
      %dma_wait3A_240 = arith.constant 0 : i32
      %dma_wait3A_241 = arith.constant 0 : i32
      %dma_wait3A_242 = tpu.memref_slice %arg14[%dma_wait3A_232, %dma_wait3A_240, %dma_wait3A_241] : memref<2x50x16xf32, #tpu.memory_space<vmem>> -> memref<1x50x16xf32, #tpu.memory_space<vmem>>
      %dma_wait3A_243 = tpu.memref_squeeze %dma_wait3A_242 : memref<1x50x16xf32, #tpu.memory_space<vmem>> -> memref<50x16xf32, #tpu.memory_space<vmem>>
      %dma_wait3A_244 = arith.constant 0 : i32
      %dma_wait3A_245 = arith.constant 0 : i32
      %dma_wait3A_246 = tpu.memref_slice %arg4[%dma_wait3A_244, %dma_wait3A_245] : memref<160000x16xf32, #tpu.memory_space<hbm>> -> memref<50x16xf32, #tpu.memory_space<hbm>>
      tpu.wait_dma2 semaphore(%arg19 : memref<!tpu.dma_semaphore, #tpu.memory_space<semaphore_mem>>) src(%dma_wait3A_246 : memref<50x16xf32, #tpu.memory_space<hbm>>) dst(%dma_wait3A_243 : memref<50x16xf32, #tpu.memory_space<vmem>>)
      %dma_wait3A_247 = arith.constant 0 : i32
      %dma_wait3A_248 = arith.constant 0 : i32
      %dma_wait3A_249 = arith.constant 0 : i32
      %dma_wait3A_250 = tpu.memref_slice %arg15[%dma_wait3A_247, %dma_wait3A_248, %dma_wait3A_249] : memref<2x50x128xf32, #tpu.memory_space<vmem>> -> memref<1x50x128xf32, #tpu.memory_space<vmem>>
      %dma_wait3A_251 = tpu.memref_squeeze %dma_wait3A_250 : memref<1x50x128xf32, #tpu.memory_space<vmem>> -> memref<50x128xf32, #tpu.memory_space<vmem>>
      %dma_wait3A_252 = arith.constant 0 : i32
      %dma_wait3A_253 = arith.constant 0 : i32
      %dma_wait3A_254 = tpu.memref_slice %arg2[%dma_wait3A_252, %dma_wait3A_253] : memref<10000x128xf32, #tpu.memory_space<hbm>> -> memref<50x128xf32, #tpu.memory_space<hbm>>
      %dma_wait3A_255 = arith.constant 0 : i32
      %dma_wait3A_256 = arith.constant 0 : i32
      %dma_wait3A_257 = tpu.memref_slice %arg15[%dma_wait3A_247, %dma_wait3A_255, %dma_wait3A_256] : memref<2x50x128xf32, #tpu.memory_space<vmem>> -> memref<1x50x128xf32, #tpu.memory_space<vmem>>
      %dma_wait3A_258 = tpu.memref_squeeze %dma_wait3A_257 : memref<1x50x128xf32, #tpu.memory_space<vmem>> -> memref<50x128xf32, #tpu.memory_space<vmem>>
      %dma_wait3A_259 = arith.constant 0 : i32
      %dma_wait3A_260 = arith.constant 0 : i32
      %dma_wait3A_261 = tpu.memref_slice %arg2[%dma_wait3A_259, %dma_wait3A_260] : memref<10000x128xf32, #tpu.memory_space<hbm>> -> memref<50x128xf32, #tpu.memory_space<hbm>>
      tpu.wait_dma2 semaphore(%arg19 : memref<!tpu.dma_semaphore, #tpu.memory_space<semaphore_mem>>) src(%dma_wait3A_261 : memref<50x128xf32, #tpu.memory_space<hbm>>) dst(%dma_wait3A_258 : memref<50x128xf32, #tpu.memory_space<vmem>>)
      %dma_wait3A_262 = arith.constant 0 : i32
      %dma_wait3A_263 = arith.constant 0 : i32
      %dma_wait3A_264 = arith.constant 0 : i32
      %dma_wait3A_265 = tpu.memref_slice %arg16[%dma_wait3A_262, %dma_wait3A_263, %dma_wait3A_264] : memref<2x50x16xf32, #tpu.memory_space<vmem>> -> memref<1x50x16xf32, #tpu.memory_space<vmem>>
      %dma_wait3A_266 = tpu.memref_squeeze %dma_wait3A_265 : memref<1x50x16xf32, #tpu.memory_space<vmem>> -> memref<50x16xf32, #tpu.memory_space<vmem>>
      %dma_wait3A_267 = arith.constant 0 : i32
      %dma_wait3A_268 = arith.constant 0 : i32
      %dma_wait3A_269 = tpu.memref_slice %arg3[%dma_wait3A_267, %dma_wait3A_268] : memref<10000x16xf32, #tpu.memory_space<hbm>> -> memref<50x16xf32, #tpu.memory_space<hbm>>
      %dma_wait3A_270 = arith.constant 0 : i32
      %dma_wait3A_271 = arith.constant 0 : i32
      %dma_wait3A_272 = tpu.memref_slice %arg16[%dma_wait3A_262, %dma_wait3A_270, %dma_wait3A_271] : memref<2x50x16xf32, #tpu.memory_space<vmem>> -> memref<1x50x16xf32, #tpu.memory_space<vmem>>
      %dma_wait3A_273 = tpu.memref_squeeze %dma_wait3A_272 : memref<1x50x16xf32, #tpu.memory_space<vmem>> -> memref<50x16xf32, #tpu.memory_space<vmem>>
      %dma_wait3A_274 = arith.constant 0 : i32
      %dma_wait3A_275 = arith.constant 0 : i32
      %dma_wait3A_276 = tpu.memref_slice %arg3[%dma_wait3A_274, %dma_wait3A_275] : memref<10000x16xf32, #tpu.memory_space<hbm>> -> memref<50x16xf32, #tpu.memory_space<hbm>>
      tpu.wait_dma2 semaphore(%arg19 : memref<!tpu.dma_semaphore, #tpu.memory_space<semaphore_mem>>) src(%dma_wait3A_276 : memref<50x16xf32, #tpu.memory_space<hbm>>) dst(%dma_wait3A_273 : memref<50x16xf32, #tpu.memory_space<vmem>>)
      %scan3A_277 = arith.constant 0 : i32
      %scan3A_278 = arith.constant 0 : i32
      %scan3A_279 = arith.constant 0 : i32
      %scan3A_280 = arith.constant 0 : i32
      %scan3A_281 = arith.constant 0 : i32
      %scan3A_282 = arith.constant 50 : i32
      %scan3A_283 = arith.addi %scan3A_281, %scan3A_282 : i32
      %scan3A_284 = arith.constant 1 : i32
      %scan3A_285 = scf.for %scan3A_372 = %scan3A_281 to %scan3A_283 step %scan3A_284 iter_args(%scan3A_373 = %scan3A_280) -> (i32)  : i32 {
        %get3A = arith.constant 0 : i32
        %get3A_374 = arith.constant 0 : i32
        %get3A_375 = tpu.memref_slice %arg13[%scan3A_277, %get3A, %get3A_374] : memref<2x50x16xf32, #tpu.memory_space<vmem>> -> memref<1x50x16xf32, #tpu.memory_space<vmem>>
        %get3A_376 = tpu.memref_squeeze %get3A_375 : memref<1x50x16xf32, #tpu.memory_space<vmem>> -> memref<50x16xf32, #tpu.memory_space<vmem>>
        %get3A_377 = arith.index_cast %scan3A_372 : i32 to index
        %get3A_378 = arith.constant 0 : index
        %get3A_379 = tpu.vector_load %get3A_376[%get3A_377, %get3A_378] {strides = array<i32>} : memref<50x16xf32, #tpu.memory_space<vmem>>, vector<1x16xf32>,
        %get3A_380 = vector.shape_cast %get3A_379 : vector<1x16xf32> to vector<16xf32>
        %sub3A_381 = arith.constant 49 : i32
        %sub3A_382 = arith.subi %sub3A_381, %scan3A_372 : i32
        %get3A_383 = arith.constant 0 : i32
        %get3A_384 = arith.constant 0 : i32
        %get3A_385 = tpu.memref_slice %arg14[%scan3A_278, %get3A_383, %get3A_384] : memref<2x50x16xf32, #tpu.memory_space<vmem>> -> memref<1x50x16xf32, #tpu.memory_space<vmem>>
        %get3A_386 = tpu.memref_squeeze %get3A_385 : memref<1x50x16xf32, #tpu.memory_space<vmem>> -> memref<50x16xf32, #tpu.memory_space<vmem>>
        %get3A_387 = arith.index_cast %sub3A_382 : i32 to index
        %get3A_388 = arith.constant 0 : index
        %get3A_389 = tpu.vector_load %get3A_386[%get3A_387, %get3A_388] {strides = array<i32>} : memref<50x16xf32, #tpu.memory_space<vmem>>, vector<1x16xf32>,
        %get3A_390 = vector.shape_cast %get3A_389 : vector<1x16xf32> to vector<16xf32>
        %get3A_391 = arith.constant 0 : i32
        %get3A_392 = arith.constant 0 : i32
        %get3A_393 = tpu.memref_slice %arg15[%scan3A_279, %get3A_391, %get3A_392] : memref<2x50x128xf32, #tpu.memory_space<vmem>> -> memref<1x50x128xf32, #tpu.memory_space<vmem>>
        %get3A_394 = tpu.memref_squeeze %get3A_393 : memref<1x50x128xf32, #tpu.memory_space<vmem>> -> memref<50x128xf32, #tpu.memory_space<vmem>>
        %get3A_395 = arith.index_cast %scan3A_372 : i32 to index
        %get3A_396 = arith.constant 0 : index
        %get3A_397 = tpu.vector_load %get3A_394[%get3A_395, %get3A_396] {strides = array<i32>} : memref<50x128xf32, #tpu.memory_space<vmem>>, vector<1x16xf32>,
        %get3A_398 = vector.shape_cast %get3A_397 : vector<1x16xf32> to vector<16xf32>
        %mul3A_399 = arith.mulf %get3A_398, %get3A_380 : vector<16xf32>
        %swap3A = arith.constant 0 : i32
        %swap3A_400 = arith.constant 0 : i32
        %swap3A_401 = tpu.memref_slice %arg15[%scan3A_279, %swap3A, %swap3A_400] : memref<2x50x128xf32, #tpu.memory_space<vmem>> -> memref<1x50x128xf32, #tpu.memory_space<vmem>>
        %swap3A_402 = tpu.memref_squeeze %swap3A_401 : memref<1x50x128xf32, #tpu.memory_space<vmem>> -> memref<50x128xf32, #tpu.memory_space<vmem>>
        %swap3A_403 = arith.index_cast %scan3A_372 : i32 to index
        %swap3A_404 = arith.constant 0 : index
        %swap3A_405 = tpu.vector_load %swap3A_402[%swap3A_403, %swap3A_404] {strides = array<i32>} : memref<50x128xf32, #tpu.memory_space<vmem>>, vector<1x16xf32>,
        %swap3A_406 = vector.shape_cast %swap3A_405 : vector<1x16xf32> to vector<16xf32>
        %swap3A_407 = vector.shape_cast %mul3A_399 : vector<16xf32> to vector<1x16xf32>
        tpu.vector_store %swap3A_402[%swap3A_403, %swap3A_404], %swap3A_407 {strides = array<i32>} : memref<50x128xf32, #tpu.memory_space<vmem>>, vector<1x16xf32>,
        %get3A_408 = arith.constant 0 : i32
        %get3A_409 = arith.constant 0 : i32
        %get3A_410 = tpu.memref_slice %arg15[%scan3A_279, %get3A_408, %get3A_409] : memref<2x50x128xf32, #tpu.memory_space<vmem>> -> memref<1x50x128xf32, #tpu.memory_space<vmem>>
        %get3A_411 = tpu.memref_squeeze %get3A_410 : memref<1x50x128xf32, #tpu.memory_space<vmem>> -> memref<50x128xf32, #tpu.memory_space<vmem>>
        %get3A_412 = arith.index_cast %scan3A_372 : i32 to index
        %get3A_413 = arith.constant 16 : index
        %get3A_414 = tpu.vector_load %get3A_411[%get3A_412, %get3A_413] {strides = array<i32>} : memref<50x128xf32, #tpu.memory_space<vmem>>, vector<1x16xf32>,
        %get3A_415 = vector.shape_cast %get3A_414 : vector<1x16xf32> to vector<16xf32>
        %mul3A_416 = arith.mulf %get3A_415, %get3A_380 : vector<16xf32>
        %swap3A_417 = arith.constant 0 : i32
        %swap3A_418 = arith.constant 0 : i32
        %swap3A_419 = tpu.memref_slice %arg15[%scan3A_279, %swap3A_417, %swap3A_418] : memref<2x50x128xf32, #tpu.memory_space<vmem>> -> memref<1x50x128xf32, #tpu.memory_space<vmem>>
        %swap3A_420 = tpu.memref_squeeze %swap3A_419 : memref<1x50x128xf32, #tpu.memory_space<vmem>> -> memref<50x128xf32, #tpu.memory_space<vmem>>
        %swap3A_421 = arith.index_cast %scan3A_372 : i32 to index
        %swap3A_422 = arith.constant 16 : index
        %swap3A_423 = tpu.vector_load %swap3A_420[%swap3A_421, %swap3A_422] {strides = array<i32>} : memref<50x128xf32, #tpu.memory_space<vmem>>, vector<1x16xf32>,
        %swap3A_424 = vector.shape_cast %swap3A_423 : vector<1x16xf32> to vector<16xf32>
        %swap3A_425 = vector.shape_cast %mul3A_416 : vector<16xf32> to vector<1x16xf32>
        tpu.vector_store %swap3A_420[%swap3A_421, %swap3A_422], %swap3A_425 {strides = array<i32>} : memref<50x128xf32, #tpu.memory_space<vmem>>, vector<1x16xf32>,
        %get3A_426 = arith.constant 0 : i32
        %get3A_427 = arith.constant 0 : i32
        %get3A_428 = tpu.memref_slice %arg15[%scan3A_279, %get3A_426, %get3A_427] : memref<2x50x128xf32, #tpu.memory_space<vmem>> -> memref<1x50x128xf32, #tpu.memory_space<vmem>>
        %get3A_429 = tpu.memref_squeeze %get3A_428 : memref<1x50x128xf32, #tpu.memory_space<vmem>> -> memref<50x128xf32, #tpu.memory_space<vmem>>
        %get3A_430 = arith.index_cast %scan3A_372 : i32 to index
        %get3A_431 = arith.constant 32 : index
        %get3A_432 = tpu.vector_load %get3A_429[%get3A_430, %get3A_431] {strides = array<i32>} : memref<50x128xf32, #tpu.memory_space<vmem>>, vector<1x16xf32>,
        %get3A_433 = vector.shape_cast %get3A_432 : vector<1x16xf32> to vector<16xf32>
        %mul3A_434 = arith.mulf %get3A_433, %get3A_380 : vector<16xf32>
        %swap3A_435 = arith.constant 0 : i32
        %swap3A_436 = arith.constant 0 : i32
        %swap3A_437 = tpu.memref_slice %arg15[%scan3A_279, %swap3A_435, %swap3A_436] : memref<2x50x128xf32, #tpu.memory_space<vmem>> -> memref<1x50x128xf32, #tpu.memory_space<vmem>>
        %swap3A_438 = tpu.memref_squeeze %swap3A_437 : memref<1x50x128xf32, #tpu.memory_space<vmem>> -> memref<50x128xf32, #tpu.memory_space<vmem>>
        %swap3A_439 = arith.index_cast %scan3A_372 : i32 to index
        %swap3A_440 = arith.constant 32 : index
        %swap3A_441 = tpu.vector_load %swap3A_438[%swap3A_439, %swap3A_440] {strides = array<i32>} : memref<50x128xf32, #tpu.memory_space<vmem>>, vector<1x16xf32>,
        %swap3A_442 = vector.shape_cast %swap3A_441 : vector<1x16xf32> to vector<16xf32>
        %swap3A_443 = vector.shape_cast %mul3A_434 : vector<16xf32> to vector<1x16xf32>
        tpu.vector_store %swap3A_438[%swap3A_439, %swap3A_440], %swap3A_443 {strides = array<i32>} : memref<50x128xf32, #tpu.memory_space<vmem>>, vector<1x16xf32>,
        %get3A_444 = arith.constant 0 : i32
        %get3A_445 = arith.constant 0 : i32
        %get3A_446 = tpu.memref_slice %arg15[%scan3A_279, %get3A_444, %get3A_445] : memref<2x50x128xf32, #tpu.memory_space<vmem>> -> memref<1x50x128xf32, #tpu.memory_space<vmem>>
        %get3A_447 = tpu.memref_squeeze %get3A_446 : memref<1x50x128xf32, #tpu.memory_space<vmem>> -> memref<50x128xf32, #tpu.memory_space<vmem>>
        %get3A_448 = arith.index_cast %scan3A_372 : i32 to index
        %get3A_449 = arith.constant 48 : index
        %get3A_450 = tpu.vector_load %get3A_447[%get3A_448, %get3A_449] {strides = array<i32>} : memref<50x128xf32, #tpu.memory_space<vmem>>, vector<1x16xf32>,
        %get3A_451 = vector.shape_cast %get3A_450 : vector<1x16xf32> to vector<16xf32>
        %mul3A_452 = arith.mulf %get3A_451, %get3A_380 : vector<16xf32>
        %swap3A_453 = arith.constant 0 : i32
        %swap3A_454 = arith.constant 0 : i32
        %swap3A_455 = tpu.memref_slice %arg15[%scan3A_279, %swap3A_453, %swap3A_454] : memref<2x50x128xf32, #tpu.memory_space<vmem>> -> memref<1x50x128xf32, #tpu.memory_space<vmem>>
        %swap3A_456 = tpu.memref_squeeze %swap3A_455 : memref<1x50x128xf32, #tpu.memory_space<vmem>> -> memref<50x128xf32, #tpu.memory_space<vmem>>
        %swap3A_457 = arith.index_cast %scan3A_372 : i32 to index
        %swap3A_458 = arith.constant 48 : index
        %swap3A_459 = tpu.vector_load %swap3A_456[%swap3A_457, %swap3A_458] {strides = array<i32>} : memref<50x128xf32, #tpu.memory_space<vmem>>, vector<1x16xf32>,
        %swap3A_460 = vector.shape_cast %swap3A_459 : vector<1x16xf32> to vector<16xf32>
        %swap3A_461 = vector.shape_cast %mul3A_452 : vector<16xf32> to vector<1x16xf32>
        tpu.vector_store %swap3A_456[%swap3A_457, %swap3A_458], %swap3A_461 {strides = array<i32>} : memref<50x128xf32, #tpu.memory_space<vmem>>, vector<1x16xf32>,
        %get3A_462 = arith.constant 0 : i32
        %get3A_463 = arith.constant 0 : i32
        %get3A_464 = tpu.memref_slice %arg15[%scan3A_279, %get3A_462, %get3A_463] : memref<2x50x128xf32, #tpu.memory_space<vmem>> -> memref<1x50x128xf32, #tpu.memory_space<vmem>>
        %get3A_465 = tpu.memref_squeeze %get3A_464 : memref<1x50x128xf32, #tpu.memory_space<vmem>> -> memref<50x128xf32, #tpu.memory_space<vmem>>
        %get3A_466 = arith.index_cast %scan3A_372 : i32 to index
        %get3A_467 = arith.constant 64 : index
        %get3A_468 = tpu.vector_load %get3A_465[%get3A_466, %get3A_467] {strides = array<i32>} : memref<50x128xf32, #tpu.memory_space<vmem>>, vector<1x16xf32>,
        %get3A_469 = vector.shape_cast %get3A_468 : vector<1x16xf32> to vector<16xf32>
        %mul3A_470 = arith.mulf %get3A_469, %get3A_390 : vector<16xf32>
        %swap3A_471 = arith.constant 0 : i32
        %swap3A_472 = arith.constant 0 : i32
        %swap3A_473 = tpu.memref_slice %arg15[%scan3A_279, %swap3A_471, %swap3A_472] : memref<2x50x128xf32, #tpu.memory_space<vmem>> -> memref<1x50x128xf32, #tpu.memory_space<vmem>>
        %swap3A_474 = tpu.memref_squeeze %swap3A_473 : memref<1x50x128xf32, #tpu.memory_space<vmem>> -> memref<50x128xf32, #tpu.memory_space<vmem>>
        %swap3A_475 = arith.index_cast %scan3A_372 : i32 to index
        %swap3A_476 = arith.constant 64 : index
        %swap3A_477 = tpu.vector_load %swap3A_474[%swap3A_475, %swap3A_476] {strides = array<i32>} : memref<50x128xf32, #tpu.memory_space<vmem>>, vector<1x16xf32>,
        %swap3A_478 = vector.shape_cast %swap3A_477 : vector<1x16xf32> to vector<16xf32>
        %swap3A_479 = vector.shape_cast %mul3A_470 : vector<16xf32> to vector<1x16xf32>
        tpu.vector_store %swap3A_474[%swap3A_475, %swap3A_476], %swap3A_479 {strides = array<i32>} : memref<50x128xf32, #tpu.memory_space<vmem>>, vector<1x16xf32>,
        %get3A_480 = arith.constant 0 : i32
        %get3A_481 = arith.constant 0 : i32
        %get3A_482 = tpu.memref_slice %arg15[%scan3A_279, %get3A_480, %get3A_481] : memref<2x50x128xf32, #tpu.memory_space<vmem>> -> memref<1x50x128xf32, #tpu.memory_space<vmem>>
        %get3A_483 = tpu.memref_squeeze %get3A_482 : memref<1x50x128xf32, #tpu.memory_space<vmem>> -> memref<50x128xf32, #tpu.memory_space<vmem>>
        %get3A_484 = arith.index_cast %scan3A_372 : i32 to index
        %get3A_485 = arith.constant 80 : index
        %get3A_486 = tpu.vector_load %get3A_483[%get3A_484, %get3A_485] {strides = array<i32>} : memref<50x128xf32, #tpu.memory_space<vmem>>, vector<1x16xf32>,
        %get3A_487 = vector.shape_cast %get3A_486 : vector<1x16xf32> to vector<16xf32>
        %mul3A_488 = arith.mulf %get3A_487, %get3A_390 : vector<16xf32>
        %swap3A_489 = arith.constant 0 : i32
        %swap3A_490 = arith.constant 0 : i32
        %swap3A_491 = tpu.memref_slice %arg15[%scan3A_279, %swap3A_489, %swap3A_490] : memref<2x50x128xf32, #tpu.memory_space<vmem>> -> memref<1x50x128xf32, #tpu.memory_space<vmem>>
        %swap3A_492 = tpu.memref_squeeze %swap3A_491 : memref<1x50x128xf32, #tpu.memory_space<vmem>> -> memref<50x128xf32, #tpu.memory_space<vmem>>
        %swap3A_493 = arith.index_cast %scan3A_372 : i32 to index
        %swap3A_494 = arith.constant 80 : index
        %swap3A_495 = tpu.vector_load %swap3A_492[%swap3A_493, %swap3A_494] {strides = array<i32>} : memref<50x128xf32, #tpu.memory_space<vmem>>, vector<1x16xf32>,
        %swap3A_496 = vector.shape_cast %swap3A_495 : vector<1x16xf32> to vector<16xf32>
        %swap3A_497 = vector.shape_cast %mul3A_488 : vector<16xf32> to vector<1x16xf32>
        tpu.vector_store %swap3A_492[%swap3A_493, %swap3A_494], %swap3A_497 {strides = array<i32>} : memref<50x128xf32, #tpu.memory_space<vmem>>, vector<1x16xf32>,
        %get3A_498 = arith.constant 0 : i32
        %get3A_499 = arith.constant 0 : i32
        %get3A_500 = tpu.memref_slice %arg15[%scan3A_279, %get3A_498, %get3A_499] : memref<2x50x128xf32, #tpu.memory_space<vmem>> -> memref<1x50x128xf32, #tpu.memory_space<vmem>>
        %get3A_501 = tpu.memref_squeeze %get3A_500 : memref<1x50x128xf32, #tpu.memory_space<vmem>> -> memref<50x128xf32, #tpu.memory_space<vmem>>
        %get3A_502 = arith.index_cast %scan3A_372 : i32 to index
        %get3A_503 = arith.constant 96 : index
        %get3A_504 = tpu.vector_load %get3A_501[%get3A_502, %get3A_503] {strides = array<i32>} : memref<50x128xf32, #tpu.memory_space<vmem>>, vector<1x16xf32>,
        %get3A_505 = vector.shape_cast %get3A_504 : vector<1x16xf32> to vector<16xf32>
        %mul3A_506 = arith.mulf %get3A_505, %get3A_390 : vector<16xf32>
        %swap3A_507 = arith.constant 0 : i32
        %swap3A_508 = arith.constant 0 : i32
        %swap3A_509 = tpu.memref_slice %arg15[%scan3A_279, %swap3A_507, %swap3A_508] : memref<2x50x128xf32, #tpu.memory_space<vmem>> -> memref<1x50x128xf32, #tpu.memory_space<vmem>>
        %swap3A_510 = tpu.memref_squeeze %swap3A_509 : memref<1x50x128xf32, #tpu.memory_space<vmem>> -> memref<50x128xf32, #tpu.memory_space<vmem>>
        %swap3A_511 = arith.index_cast %scan3A_372 : i32 to index
        %swap3A_512 = arith.constant 96 : index
        %swap3A_513 = tpu.vector_load %swap3A_510[%swap3A_511, %swap3A_512] {strides = array<i32>} : memref<50x128xf32, #tpu.memory_space<vmem>>, vector<1x16xf32>,
        %swap3A_514 = vector.shape_cast %swap3A_513 : vector<1x16xf32> to vector<16xf32>
        %swap3A_515 = vector.shape_cast %mul3A_506 : vector<16xf32> to vector<1x16xf32>
        tpu.vector_store %swap3A_510[%swap3A_511, %swap3A_512], %swap3A_515 {strides = array<i32>} : memref<50x128xf32, #tpu.memory_space<vmem>>, vector<1x16xf32>,
        %get3A_516 = arith.constant 0 : i32
        %get3A_517 = arith.constant 0 : i32
        %get3A_518 = tpu.memref_slice %arg15[%scan3A_279, %get3A_516, %get3A_517] : memref<2x50x128xf32, #tpu.memory_space<vmem>> -> memref<1x50x128xf32, #tpu.memory_space<vmem>>
        %get3A_519 = tpu.memref_squeeze %get3A_518 : memref<1x50x128xf32, #tpu.memory_space<vmem>> -> memref<50x128xf32, #tpu.memory_space<vmem>>
        %get3A_520 = arith.index_cast %scan3A_372 : i32 to index
        %get3A_521 = arith.constant 112 : index
        %get3A_522 = tpu.vector_load %get3A_519[%get3A_520, %get3A_521] {strides = array<i32>} : memref<50x128xf32, #tpu.memory_space<vmem>>, vector<1x16xf32>,
        %get3A_523 = vector.shape_cast %get3A_522 : vector<1x16xf32> to vector<16xf32>
        %mul3A_524 = arith.mulf %get3A_523, %get3A_390 : vector<16xf32>
        %swap3A_525 = arith.constant 0 : i32
        %swap3A_526 = arith.constant 0 : i32
        %swap3A_527 = tpu.memref_slice %arg15[%scan3A_279, %swap3A_525, %swap3A_526] : memref<2x50x128xf32, #tpu.memory_space<vmem>> -> memref<1x50x128xf32, #tpu.memory_space<vmem>>
        %swap3A_528 = tpu.memref_squeeze %swap3A_527 : memref<1x50x128xf32, #tpu.memory_space<vmem>> -> memref<50x128xf32, #tpu.memory_space<vmem>>
        %swap3A_529 = arith.index_cast %scan3A_372 : i32 to index
        %swap3A_530 = arith.constant 112 : index
        %swap3A_531 = tpu.vector_load %swap3A_528[%swap3A_529, %swap3A_530] {strides = array<i32>} : memref<50x128xf32, #tpu.memory_space<vmem>>, vector<1x16xf32>,
        %swap3A_532 = vector.shape_cast %swap3A_531 : vector<1x16xf32> to vector<16xf32>
        %swap3A_533 = vector.shape_cast %mul3A_524 : vector<16xf32> to vector<1x16xf32>
        tpu.vector_store %swap3A_528[%swap3A_529, %swap3A_530], %swap3A_533 {strides = array<i32>} : memref<50x128xf32, #tpu.memory_space<vmem>>, vector<1x16xf32>,
        %scan3A_534 = arith.constant 0 : i32
        scf.yield %scan3A_534 : i32
      }
      %scan3A_286 = arith.constant 50 : i32
      %run_scoped3A = arith.constant 0 : i32
      "tpu.region"() ({
        %run_scoped3A_372 = tpu.sem_alloc : memref<!tpu.dma_semaphore, #tpu.memory_space<semaphore_mem>>
        %dma_start3A_373 = arith.constant 0 : i32
        %dma_start3A_374 = arith.constant 0 : i32
        %dma_start3A_375 = tpu.memref_slice %arg15[%run_scoped3A, %dma_start3A_373, %dma_start3A_374] : memref<2x50x128xf32, #tpu.memory_space<vmem>> -> memref<1x50x128xf32, #tpu.memory_space<vmem>>
        %dma_start3A_376 = tpu.memref_squeeze %dma_start3A_375 : memref<1x50x128xf32, #tpu.memory_space<vmem>> -> memref<50x128xf32, #tpu.memory_space<vmem>>
        %dma_start3A_377 = arith.constant 0 : i32
        %dma_start3A_378 = tpu.memref_slice %arg12[%add3A_213, %dma_start3A_377] : memref<100x50xi32, #tpu.memory_space<vmem>> -> memref<1x50xi32, #tpu.memory_space<vmem>>
        %dma_start3A_379 = tpu.memref_squeeze %dma_start3A_378 : memref<1x50xi32, #tpu.memory_space<vmem>> -> memref<50xi32, #tpu.memory_space<vmem>>
        %dma_start3A_380 = arith.constant 0 : i32
        %dma_start3A_381 = arith.constant 0 : i32
        %dma_start3A_382 = tpu.memref_slice %arg9[%dma_start3A_380, %dma_start3A_381] : memref<10240x128xf32, #tpu.memory_space<vmem_shared>> -> memref<10240x128xf32, #tpu.memory_space<vmem_shared>>
        tpu.enqueue_indirect_dma source(%dma_start3A_376 : memref<50x128xf32, #tpu.memory_space<vmem>>) target(%dma_start3A_382 : memref<10240x128xf32, #tpu.memory_space<vmem_shared>>) offsets(%dma_start3A_379 : memref<50xi32, #tpu.memory_space<vmem>>) semaphore(%run_scoped3A_372 : memref<!tpu.dma_semaphore, #tpu.memory_space<semaphore_mem>>) {add = true}
        %dma_wait3A_383 = arith.constant 0 : i32
        %dma_wait3A_384 = arith.constant 0 : i32
        %dma_wait3A_385 = tpu.memref_slice %arg15[%run_scoped3A, %dma_wait3A_383, %dma_wait3A_384] : memref<2x50x128xf32, #tpu.memory_space<vmem>> -> memref<1x50x128xf32, #tpu.memory_space<vmem>>
        %dma_wait3A_386 = tpu.memref_squeeze %dma_wait3A_385 : memref<1x50x128xf32, #tpu.memory_space<vmem>> -> memref<50x128xf32, #tpu.memory_space<vmem>>
        %dma_wait3A_387 = arith.constant 0 : i32
        %dma_wait3A_388 = tpu.memref_slice %arg12[%add3A_213, %dma_wait3A_387] : memref<100x50xi32, #tpu.memory_space<vmem>> -> memref<1x50xi32, #tpu.memory_space<vmem>>
        %dma_wait3A_389 = tpu.memref_squeeze %dma_wait3A_388 : memref<1x50xi32, #tpu.memory_space<vmem>> -> memref<50xi32, #tpu.memory_space<vmem>>
        %dma_wait3A_390 = arith.constant 0 : i32
        %dma_wait3A_391 = arith.constant 0 : i32
        %dma_wait3A_392 = tpu.memref_slice %arg9[%dma_wait3A_390, %dma_wait3A_391] : memref<10240x128xf32, #tpu.memory_space<vmem_shared>> -> memref<10240x128xf32, #tpu.memory_space<vmem_shared>>
        tpu.wait_indirect_dma semaphore(%run_scoped3A_372 : memref<!tpu.dma_semaphore, #tpu.memory_space<semaphore_mem>>) src(%dma_wait3A_386 : memref<50x128xf32, #tpu.memory_space<vmem>>) dst(%dma_wait3A_392 : memref<10240x128xf32, #tpu.memory_space<vmem_shared>>)
        tpu.yield
      }) : () -> ()
      %run_scoped3A_287 = arith.constant 0 : i32
      "tpu.region"() ({
        %run_scoped3A_372 = tpu.sem_alloc : memref<!tpu.dma_semaphore, #tpu.memory_space<semaphore_mem>>
        %dma_start3A_373 = arith.constant 0 : i32
        %dma_start3A_374 = arith.constant 0 : i32
        %dma_start3A_375 = tpu.memref_slice %arg16[%run_scoped3A_287, %dma_start3A_373, %dma_start3A_374] : memref<2x50x16xf32, #tpu.memory_space<vmem>> -> memref<1x50x16xf32, #tpu.memory_space<vmem>>
        %dma_start3A_376 = tpu.memref_squeeze %dma_start3A_375 : memref<1x50x16xf32, #tpu.memory_space<vmem>> -> memref<50x16xf32, #tpu.memory_space<vmem>>
        %dma_start3A_377 = arith.constant 0 : i32
        %dma_start3A_378 = tpu.memref_slice %arg12[%add3A_213, %dma_start3A_377] : memref<100x50xi32, #tpu.memory_space<vmem>> -> memref<1x50xi32, #tpu.memory_space<vmem>>
        %dma_start3A_379 = tpu.memref_squeeze %dma_start3A_378 : memref<1x50xi32, #tpu.memory_space<vmem>> -> memref<50xi32, #tpu.memory_space<vmem>>
        %dma_start3A_380 = arith.constant 0 : i32
        %dma_start3A_381 = arith.constant 0 : i32
        %dma_start3A_382 = tpu.memref_slice %arg10[%dma_start3A_380, %dma_start3A_381] : memref<10240x16xf32, #tpu.memory_space<vmem_shared>> -> memref<10240x16xf32, #tpu.memory_space<vmem_shared>>
        tpu.enqueue_indirect_dma source(%dma_start3A_376 : memref<50x16xf32, #tpu.memory_space<vmem>>) target(%dma_start3A_382 : memref<10240x16xf32, #tpu.memory_space<vmem_shared>>) offsets(%dma_start3A_379 : memref<50xi32, #tpu.memory_space<vmem>>) semaphore(%run_scoped3A_372 : memref<!tpu.dma_semaphore, #tpu.memory_space<semaphore_mem>>) {add = true}
        %dma_wait3A_383 = arith.constant 0 : i32
        %dma_wait3A_384 = arith.constant 0 : i32
        %dma_wait3A_385 = tpu.memref_slice %arg16[%run_scoped3A_287, %dma_wait3A_383, %dma_wait3A_384] : memref<2x50x16xf32, #tpu.memory_space<vmem>> -> memref<1x50x16xf32, #tpu.memory_space<vmem>>
        %dma_wait3A_386 = tpu.memref_squeeze %dma_wait3A_385 : memref<1x50x16xf32, #tpu.memory_space<vmem>> -> memref<50x16xf32, #tpu.memory_space<vmem>>
        %dma_wait3A_387 = arith.constant 0 : i32
        %dma_wait3A_388 = tpu.memref_slice %arg12[%add3A_213, %dma_wait3A_387] : memref<100x50xi32, #tpu.memory_space<vmem>> -> memref<1x50xi32, #tpu.memory_space<vmem>>
        %dma_wait3A_389 = tpu.memref_squeeze %dma_wait3A_388 : memref<1x50xi32, #tpu.memory_space<vmem>> -> memref<50xi32, #tpu.memory_space<vmem>>
        %dma_wait3A_390 = arith.constant 0 : i32
        %dma_wait3A_391 = arith.constant 0 : i32
        %dma_wait3A_392 = tpu.memref_slice %arg10[%dma_wait3A_390, %dma_wait3A_391] : memref<10240x16xf32, #tpu.memory_space<vmem_shared>> -> memref<10240x16xf32, #tpu.memory_space<vmem_shared>>
        tpu.wait_indirect_dma semaphore(%run_scoped3A_372 : memref<!tpu.dma_semaphore, #tpu.memory_space<semaphore_mem>>) src(%dma_wait3A_386 : memref<50x16xf32, #tpu.memory_space<vmem>>) dst(%dma_wait3A_392 : memref<10240x16xf32, #tpu.memory_space<vmem_shared>>)
        tpu.yield
      }) : () -> ()
      %mul3A_288 = arith.constant 2 : i32
      %mul3A_289 = arith.muli %mul3A_288, %scan3A_208 : i32
      %add3A_290 = arith.constant 1 : i32
      %add3A_291 = arith.addi %mul3A_289, %add3A_290 : i32
      %add3A_292 = arith.constant 1 : i32
      %add3A_293 = arith.addi %add3A_291, %add3A_292 : i32
      %lt3A_294 = arith.constant 100 : i32
      %lt3A_295 = arith.cmpi slt, %add3A_293, %lt3A_294 : i32
      %convert_element_type3A_296 = arith.extui %lt3A_295 : i1 to i32
      %cond3A_297 = arith.constant 0 : i32
      %cond3A_298 = arith.cmpi ne, %convert_element_type3A_296, %cond3A_297 : i32
      scf.if %cond3A_298 {
        %add3A_372 = arith.constant 1 : i32
        %add3A_373 = arith.addi %add3A_291, %add3A_372 : i32
        %mul3A_374 = arith.constant 5000 : i32
        %mul3A_375 = arith.muli %add3A, %mul3A_374 : i32
        %mul3A_376 = arith.constant 50 : i32
        %mul3A_377 = arith.muli %add3A_373, %mul3A_376 : i32
        %add3A_378 = arith.addi %mul3A_375, %mul3A_377 : i32
        %dma_start3A_379 = arith.constant 0 : i32
        %dma_start3A_380 = arith.constant 0 : i32
        %dma_start3A_381 = arith.constant 0 : i32
        %dma_start3A_382 = tpu.memref_slice %arg13[%dma_start3A_379, %dma_start3A_380, %dma_start3A_381] : memref<2x50x16xf32, #tpu.memory_space<vmem>> -> memref<1x50x16xf32, #tpu.memory_space<vmem>>
        %dma_start3A_383 = tpu.memref_squeeze %dma_start3A_382 : memref<1x50x16xf32, #tpu.memory_space<vmem>> -> memref<50x16xf32, #tpu.memory_space<vmem>>
        %dma_start3A_384 = arith.constant 0 : i32
        %dma_start3A_385 = tpu.memref_slice %arg4[%add3A_378, %dma_start3A_384] : memref<160000x16xf32, #tpu.memory_space<hbm>> -> memref<50x16xf32, #tpu.memory_space<hbm>>
        %dma_start3A_386 = arith.constant 0 : i32
        %dma_start3A_387 = arith.constant 0 : i32
        %dma_start3A_388 = tpu.memref_slice %arg13[%dma_start3A_379, %dma_start3A_386, %dma_start3A_387] : memref<2x50x16xf32, #tpu.memory_space<vmem>> -> memref<1x50x16xf32, #tpu.memory_space<vmem>>
        %dma_start3A_389 = tpu.memref_squeeze %dma_start3A_388 : memref<1x50x16xf32, #tpu.memory_space<vmem>> -> memref<50x16xf32, #tpu.memory_space<vmem>>
        %dma_start3A_390 = arith.constant 0 : i32
        %dma_start3A_391 = tpu.memref_slice %arg4[%add3A_378, %dma_start3A_390] : memref<160000x16xf32, #tpu.memory_space<hbm>> -> memref<50x16xf32, #tpu.memory_space<hbm>>
        tpu.enqueue_dma source(%dma_start3A_391 : memref<50x16xf32, #tpu.memory_space<hbm>>) target(%dma_start3A_389 : memref<50x16xf32, #tpu.memory_space<vmem>>) target_semaphore(%arg19 : memref<!tpu.dma_semaphore, #tpu.memory_space<semaphore_mem>>)
        %sub3A_392 = arith.constant 160000 : i32
        %sub3A_393 = arith.subi %sub3A_392, %add3A_378 : i32
        %sub3A_394 = arith.constant 50 : i32
        %sub3A_395 = arith.subi %sub3A_393, %sub3A_394 : i32
        %dma_start3A_396 = arith.constant 0 : i32
        %dma_start3A_397 = arith.constant 0 : i32
        %dma_start3A_398 = arith.constant 0 : i32
        %dma_start3A_399 = tpu.memref_slice %arg14[%dma_start3A_396, %dma_start3A_397, %dma_start3A_398] : memref<2x50x16xf32, #tpu.memory_space<vmem>> -> memref<1x50x16xf32, #tpu.memory_space<vmem>>
        %dma_start3A_400 = tpu.memref_squeeze %dma_start3A_399 : memref<1x50x16xf32, #tpu.memory_space<vmem>> -> memref<50x16xf32, #tpu.memory_space<vmem>>
        %dma_start3A_401 = arith.constant 0 : i32
        %dma_start3A_402 = tpu.memref_slice %arg4[%sub3A_395, %dma_start3A_401] : memref<160000x16xf32, #tpu.memory_space<hbm>> -> memref<50x16xf32, #tpu.memory_space<hbm>>
        %dma_start3A_403 = arith.constant 0 : i32
        %dma_start3A_404 = arith.constant 0 : i32
        %dma_start3A_405 = tpu.memref_slice %arg14[%dma_start3A_396, %dma_start3A_403, %dma_start3A_404] : memref<2x50x16xf32, #tpu.memory_space<vmem>> -> memref<1x50x16xf32, #tpu.memory_space<vmem>>
        %dma_start3A_406 = tpu.memref_squeeze %dma_start3A_405 : memref<1x50x16xf32, #tpu.memory_space<vmem>> -> memref<50x16xf32, #tpu.memory_space<vmem>>
        %dma_start3A_407 = arith.constant 0 : i32
        %dma_start3A_408 = tpu.memref_slice %arg4[%sub3A_395, %dma_start3A_407] : memref<160000x16xf32, #tpu.memory_space<hbm>> -> memref<50x16xf32, #tpu.memory_space<hbm>>
        tpu.enqueue_dma source(%dma_start3A_408 : memref<50x16xf32, #tpu.memory_space<hbm>>) target(%dma_start3A_406 : memref<50x16xf32, #tpu.memory_space<vmem>>) target_semaphore(%arg19 : memref<!tpu.dma_semaphore, #tpu.memory_space<semaphore_mem>>)
        %dma_start3A_409 = arith.constant 0 : i32
        %dma_start3A_410 = arith.constant 0 : i32
        %dma_start3A_411 = arith.constant 0 : i32
        %dma_start3A_412 = tpu.memref_slice %arg15[%dma_start3A_409, %dma_start3A_410, %dma_start3A_411] : memref<2x50x128xf32, #tpu.memory_space<vmem>> -> memref<1x50x128xf32, #tpu.memory_space<vmem>>
        %dma_start3A_413 = tpu.memref_squeeze %dma_start3A_412 : memref<1x50x128xf32, #tpu.memory_space<vmem>> -> memref<50x128xf32, #tpu.memory_space<vmem>>
        %dma_start3A_414 = arith.constant 0 : i32
        %dma_start3A_415 = tpu.memref_slice %arg11[%add3A_373, %dma_start3A_414] : memref<100x50xi32, #tpu.memory_space<vmem>> -> memref<1x50xi32, #tpu.memory_space<vmem>>
        %dma_start3A_416 = tpu.memref_squeeze %dma_start3A_415 : memref<1x50xi32, #tpu.memory_space<vmem>> -> memref<50xi32, #tpu.memory_space<vmem>>
        %dma_start3A_417 = arith.constant 0 : i32
        %dma_start3A_418 = arith.constant 0 : i32
        %dma_start3A_419 = tpu.memref_slice %arg2[%dma_start3A_417, %dma_start3A_418] : memref<10000x128xf32, #tpu.memory_space<hbm>> -> memref<10000x128xf32, #tpu.memory_space<hbm>>
        tpu.enqueue_indirect_dma source(%dma_start3A_419 : memref<10000x128xf32, #tpu.memory_space<hbm>>) target(%dma_start3A_413 : memref<50x128xf32, #tpu.memory_space<vmem>>) offsets(%dma_start3A_416 : memref<50xi32, #tpu.memory_space<vmem>>) semaphore(%arg19 : memref<!tpu.dma_semaphore, #tpu.memory_space<semaphore_mem>>)
        %dma_start3A_420 = arith.constant 0 : i32
        %dma_start3A_421 = arith.constant 0 : i32
        %dma_start3A_422 = arith.constant 0 : i32
        %dma_start3A_423 = tpu.memref_slice %arg16[%dma_start3A_420, %dma_start3A_421, %dma_start3A_422] : memref<2x50x16xf32, #tpu.memory_space<vmem>> -> memref<1x50x16xf32, #tpu.memory_space<vmem>>
        %dma_start3A_424 = tpu.memref_squeeze %dma_start3A_423 : memref<1x50x16xf32, #tpu.memory_space<vmem>> -> memref<50x16xf32, #tpu.memory_space<vmem>>
        %dma_start3A_425 = arith.constant 0 : i32
        %dma_start3A_426 = tpu.memref_slice %arg11[%add3A_373, %dma_start3A_425] : memref<100x50xi32, #tpu.memory_space<vmem>> -> memref<1x50xi32, #tpu.memory_space<vmem>>
        %dma_start3A_427 = tpu.memref_squeeze %dma_start3A_426 : memref<1x50xi32, #tpu.memory_space<vmem>> -> memref<50xi32, #tpu.memory_space<vmem>>
        %dma_start3A_428 = arith.constant 0 : i32
        %dma_start3A_429 = arith.constant 0 : i32
        %dma_start3A_430 = tpu.memref_slice %arg3[%dma_start3A_428, %dma_start3A_429] : memref<10000x16xf32, #tpu.memory_space<hbm>> -> memref<10000x16xf32, #tpu.memory_space<hbm>>
        tpu.enqueue_indirect_dma source(%dma_start3A_430 : memref<10000x16xf32, #tpu.memory_space<hbm>>) target(%dma_start3A_424 : memref<50x16xf32, #tpu.memory_space<vmem>>) offsets(%dma_start3A_427 : memref<50xi32, #tpu.memory_space<vmem>>) semaphore(%arg19 : memref<!tpu.dma_semaphore, #tpu.memory_space<semaphore_mem>>)
      } else {
      }
      %dma_wait3A_299 = arith.constant 1 : i32
      %dma_wait3A_300 = arith.constant 0 : i32
      %dma_wait3A_301 = arith.constant 0 : i32
      %dma_wait3A_302 = tpu.memref_slice %arg13[%dma_wait3A_299, %dma_wait3A_300, %dma_wait3A_301] : memref<2x50x16xf32, #tpu.memory_space<vmem>> -> memref<1x50x16xf32, #tpu.memory_space<vmem>>
      %dma_wait3A_303 = tpu.memref_squeeze %dma_wait3A_302 : memref<1x50x16xf32, #tpu.memory_space<vmem>> -> memref<50x16xf32, #tpu.memory_space<vmem>>
      %dma_wait3A_304 = arith.constant 0 : i32
      %dma_wait3A_305 = arith.constant 0 : i32
      %dma_wait3A_306 = tpu.memref_slice %arg4[%dma_wait3A_304, %dma_wait3A_305] : memref<160000x16xf32, #tpu.memory_space<hbm>> -> memref<50x16xf32, #tpu.memory_space<hbm>>
      %dma_wait3A_307 = arith.constant 0 : i32
      %dma_wait3A_308 = arith.constant 0 : i32
      %dma_wait3A_309 = tpu.memref_slice %arg13[%dma_wait3A_299, %dma_wait3A_307, %dma_wait3A_308] : memref<2x50x16xf32, #tpu.memory_space<vmem>> -> memref<1x50x16xf32, #tpu.memory_space<vmem>>
      %dma_wait3A_310 = tpu.memref_squeeze %dma_wait3A_309 : memref<1x50x16xf32, #tpu.memory_space<vmem>> -> memref<50x16xf32, #tpu.memory_space<vmem>>
      %dma_wait3A_311 = arith.constant 0 : i32
      %dma_wait3A_312 = arith.constant 0 : i32
      %dma_wait3A_313 = tpu.memref_slice %arg4[%dma_wait3A_311, %dma_wait3A_312] : memref<160000x16xf32, #tpu.memory_space<hbm>> -> memref<50x16xf32, #tpu.memory_space<hbm>>
      tpu.wait_dma2 semaphore(%arg20 : memref<!tpu.dma_semaphore, #tpu.memory_space<semaphore_mem>>) src(%dma_wait3A_313 : memref<50x16xf32, #tpu.memory_space<hbm>>) dst(%dma_wait3A_310 : memref<50x16xf32, #tpu.memory_space<vmem>>)
      %dma_wait3A_314 = arith.constant 1 : i32
      %dma_wait3A_315 = arith.constant 0 : i32
      %dma_wait3A_316 = arith.constant 0 : i32
      %dma_wait3A_317 = tpu.memref_slice %arg14[%dma_wait3A_314, %dma_wait3A_315, %dma_wait3A_316] : memref<2x50x16xf32, #tpu.memory_space<vmem>> -> memref<1x50x16xf32, #tpu.memory_space<vmem>>
      %dma_wait3A_318 = tpu.memref_squeeze %dma_wait3A_317 : memref<1x50x16xf32, #tpu.memory_space<vmem>> -> memref<50x16xf32, #tpu.memory_space<vmem>>
      %dma_wait3A_319 = arith.constant 0 : i32
      %dma_wait3A_320 = arith.constant 0 : i32
      %dma_wait3A_321 = tpu.memref_slice %arg4[%dma_wait3A_319, %dma_wait3A_320] : memref<160000x16xf32, #tpu.memory_space<hbm>> -> memref<50x16xf32, #tpu.memory_space<hbm>>
      %dma_wait3A_322 = arith.constant 0 : i32
      %dma_wait3A_323 = arith.constant 0 : i32
      %dma_wait3A_324 = tpu.memref_slice %arg14[%dma_wait3A_314, %dma_wait3A_322, %dma_wait3A_323] : memref<2x50x16xf32, #tpu.memory_space<vmem>> -> memref<1x50x16xf32, #tpu.memory_space<vmem>>
      %dma_wait3A_325 = tpu.memref_squeeze %dma_wait3A_324 : memref<1x50x16xf32, #tpu.memory_space<vmem>> -> memref<50x16xf32, #tpu.memory_space<vmem>>
      %dma_wait3A_326 = arith.constant 0 : i32
      %dma_wait3A_327 = arith.constant 0 : i32
      %dma_wait3A_328 = tpu.memref_slice %arg4[%dma_wait3A_326, %dma_wait3A_327] : memref<160000x16xf32, #tpu.memory_space<hbm>> -> memref<50x16xf32, #tpu.memory_space<hbm>>
      tpu.wait_dma2 semaphore(%arg20 : memref<!tpu.dma_semaphore, #tpu.memory_space<semaphore_mem>>) src(%dma_wait3A_328 : memref<50x16xf32, #tpu.memory_space<hbm>>) dst(%dma_wait3A_325 : memref<50x16xf32, #tpu.memory_space<vmem>>)
      %dma_wait3A_329 = arith.constant 1 : i32
      %dma_wait3A_330 = arith.constant 0 : i32
      %dma_wait3A_331 = arith.constant 0 : i32
      %dma_wait3A_332 = tpu.memref_slice %arg15[%dma_wait3A_329, %dma_wait3A_330, %dma_wait3A_331] : memref<2x50x128xf32, #tpu.memory_space<vmem>> -> memref<1x50x128xf32, #tpu.memory_space<vmem>>
      %dma_wait3A_333 = tpu.memref_squeeze %dma_wait3A_332 : memref<1x50x128xf32, #tpu.memory_space<vmem>> -> memref<50x128xf32, #tpu.memory_space<vmem>>
      %dma_wait3A_334 = arith.constant 0 : i32
      %dma_wait3A_335 = arith.constant 0 : i32
      %dma_wait3A_336 = tpu.memref_slice %arg2[%dma_wait3A_334, %dma_wait3A_335] : memref<10000x128xf32, #tpu.memory_space<hbm>> -> memref<50x128xf32, #tpu.memory_space<hbm>>
      %dma_wait3A_337 = arith.constant 0 : i32
      %dma_wait3A_338 = arith.constant 0 : i32
      %dma_wait3A_339 = tpu.memref_slice %arg15[%dma_wait3A_329, %dma_wait3A_337, %dma_wait3A_338] : memref<2x50x128xf32, #tpu.memory_space<vmem>> -> memref<1x50x128xf32, #tpu.memory_space<vmem>>
      %dma_wait3A_340 = tpu.memref_squeeze %dma_wait3A_339 : memref<1x50x128xf32, #tpu.memory_space<vmem>> -> memref<50x128xf32, #tpu.memory_space<vmem>>
      %dma_wait3A_341 = arith.constant 0 : i32
      %dma_wait3A_342 = arith.constant 0 : i32
      %dma_wait3A_343 = tpu.memref_slice %arg2[%dma_wait3A_341, %dma_wait3A_342] : memref<10000x128xf32, #tpu.memory_space<hbm>> -> memref<50x128xf32, #tpu.memory_space<hbm>>
      tpu.wait_dma2 semaphore(%arg20 : memref<!tpu.dma_semaphore, #tpu.memory_space<semaphore_mem>>) src(%dma_wait3A_343 : memref<50x128xf32, #tpu.memory_space<hbm>>) dst(%dma_wait3A_340 : memref<50x128xf32, #tpu.memory_space<vmem>>)
      %dma_wait3A_344 = arith.constant 1 : i32
      %dma_wait3A_345 = arith.constant 0 : i32
      %dma_wait3A_346 = arith.constant 0 : i32
      %dma_wait3A_347 = tpu.memref_slice %arg16[%dma_wait3A_344, %dma_wait3A_345, %dma_wait3A_346] : memref<2x50x16xf32, #tpu.memory_space<vmem>> -> memref<1x50x16xf32, #tpu.memory_space<vmem>>
      %dma_wait3A_348 = tpu.memref_squeeze %dma_wait3A_347 : memref<1x50x16xf32, #tpu.memory_space<vmem>> -> memref<50x16xf32, #tpu.memory_space<vmem>>
      %dma_wait3A_349 = arith.constant 0 : i32
      %dma_wait3A_350 = arith.constant 0 : i32
      %dma_wait3A_351 = tpu.memref_slice %arg3[%dma_wait3A_349, %dma_wait3A_350] : memref<10000x16xf32, #tpu.memory_space<hbm>> -> memref<50x16xf32, #tpu.memory_space<hbm>>
      %dma_wait3A_352 = arith.constant 0 : i32
      %dma_wait3A_353 = arith.constant 0 : i32
      %dma_wait3A_354 = tpu.memref_slice %arg16[%dma_wait3A_344, %dma_wait3A_352, %dma_wait3A_353] : memref<2x50x16xf32, #tpu.memory_space<vmem>> -> memref<1x50x16xf32, #tpu.memory_space<vmem>>
      %dma_wait3A_355 = tpu.memref_squeeze %dma_wait3A_354 : memref<1x50x16xf32, #tpu.memory_space<vmem>> -> memref<50x16xf32, #tpu.memory_space<vmem>>
      %dma_wait3A_356 = arith.constant 0 : i32
      %dma_wait3A_357 = arith.constant 0 : i32
      %dma_wait3A_358 = tpu.memref_slice %arg3[%dma_wait3A_356, %dma_wait3A_357] : memref<10000x16xf32, #tpu.memory_space<hbm>> -> memref<50x16xf32, #tpu.memory_space<hbm>>
      tpu.wait_dma2 semaphore(%arg20 : memref<!tpu.dma_semaphore, #tpu.memory_space<semaphore_mem>>) src(%dma_wait3A_358 : memref<50x16xf32, #tpu.memory_space<hbm>>) dst(%dma_wait3A_355 : memref<50x16xf32, #tpu.memory_space<vmem>>)
      %scan3A_359 = arith.constant 1 : i32
      %scan3A_360 = arith.constant 1 : i32
      %scan3A_361 = arith.constant 1 : i32
      %scan3A_362 = arith.constant 0 : i32
      %scan3A_363 = arith.constant 0 : i32
      %scan3A_364 = arith.constant 50 : i32
      %scan3A_365 = arith.addi %scan3A_363, %scan3A_364 : i32
      %scan3A_366 = arith.constant 1 : i32
      %scan3A_367 = scf.for %scan3A_372 = %scan3A_363 to %scan3A_365 step %scan3A_366 iter_args(%scan3A_373 = %scan3A_362) -> (i32)  : i32 {
        %get3A = arith.constant 0 : i32
        %get3A_374 = arith.constant 0 : i32
        %get3A_375 = tpu.memref_slice %arg13[%scan3A_359, %get3A, %get3A_374] : memref<2x50x16xf32, #tpu.memory_space<vmem>> -> memref<1x50x16xf32, #tpu.memory_space<vmem>>
        %get3A_376 = tpu.memref_squeeze %get3A_375 : memref<1x50x16xf32, #tpu.memory_space<vmem>> -> memref<50x16xf32, #tpu.memory_space<vmem>>
        %get3A_377 = arith.index_cast %scan3A_372 : i32 to index
        %get3A_378 = arith.constant 0 : index
        %get3A_379 = tpu.vector_load %get3A_376[%get3A_377, %get3A_378] {strides = array<i32>} : memref<50x16xf32, #tpu.memory_space<vmem>>, vector<1x16xf32>,
        %get3A_380 = vector.shape_cast %get3A_379 : vector<1x16xf32> to vector<16xf32>
        %sub3A_381 = arith.constant 49 : i32
        %sub3A_382 = arith.subi %sub3A_381, %scan3A_372 : i32
        %get3A_383 = arith.constant 0 : i32
        %get3A_384 = arith.constant 0 : i32
        %get3A_385 = tpu.memref_slice %arg14[%scan3A_360, %get3A_383, %get3A_384] : memref<2x50x16xf32, #tpu.memory_space<vmem>> -> memref<1x50x16xf32, #tpu.memory_space<vmem>>
        %get3A_386 = tpu.memref_squeeze %get3A_385 : memref<1x50x16xf32, #tpu.memory_space<vmem>> -> memref<50x16xf32, #tpu.memory_space<vmem>>
        %get3A_387 = arith.index_cast %sub3A_382 : i32 to index
        %get3A_388 = arith.constant 0 : index
        %get3A_389 = tpu.vector_load %get3A_386[%get3A_387, %get3A_388] {strides = array<i32>} : memref<50x16xf32, #tpu.memory_space<vmem>>, vector<1x16xf32>,
        %get3A_390 = vector.shape_cast %get3A_389 : vector<1x16xf32> to vector<16xf32>
        %get3A_391 = arith.constant 0 : i32
        %get3A_392 = arith.constant 0 : i32
        %get3A_393 = tpu.memref_slice %arg15[%scan3A_361, %get3A_391, %get3A_392] : memref<2x50x128xf32, #tpu.memory_space<vmem>> -> memref<1x50x128xf32, #tpu.memory_space<vmem>>
        %get3A_394 = tpu.memref_squeeze %get3A_393 : memref<1x50x128xf32, #tpu.memory_space<vmem>> -> memref<50x128xf32, #tpu.memory_space<vmem>>
        %get3A_395 = arith.index_cast %scan3A_372 : i32 to index
        %get3A_396 = arith.constant 0 : index
        %get3A_397 = tpu.vector_load %get3A_394[%get3A_395, %get3A_396] {strides = array<i32>} : memref<50x128xf32, #tpu.memory_space<vmem>>, vector<1x16xf32>,
        %get3A_398 = vector.shape_cast %get3A_397 : vector<1x16xf32> to vector<16xf32>
        %mul3A_399 = arith.mulf %get3A_398, %get3A_380 : vector<16xf32>
        %swap3A = arith.constant 0 : i32
        %swap3A_400 = arith.constant 0 : i32
        %swap3A_401 = tpu.memref_slice %arg15[%scan3A_361, %swap3A, %swap3A_400] : memref<2x50x128xf32, #tpu.memory_space<vmem>> -> memref<1x50x128xf32, #tpu.memory_space<vmem>>
        %swap3A_402 = tpu.memref_squeeze %swap3A_401 : memref<1x50x128xf32, #tpu.memory_space<vmem>> -> memref<50x128xf32, #tpu.memory_space<vmem>>
        %swap3A_403 = arith.index_cast %scan3A_372 : i32 to index
        %swap3A_404 = arith.constant 0 : index
        %swap3A_405 = tpu.vector_load %swap3A_402[%swap3A_403, %swap3A_404] {strides = array<i32>} : memref<50x128xf32, #tpu.memory_space<vmem>>, vector<1x16xf32>,
        %swap3A_406 = vector.shape_cast %swap3A_405 : vector<1x16xf32> to vector<16xf32>
        %swap3A_407 = vector.shape_cast %mul3A_399 : vector<16xf32> to vector<1x16xf32>
        tpu.vector_store %swap3A_402[%swap3A_403, %swap3A_404], %swap3A_407 {strides = array<i32>} : memref<50x128xf32, #tpu.memory_space<vmem>>, vector<1x16xf32>,
        %get3A_408 = arith.constant 0 : i32
        %get3A_409 = arith.constant 0 : i32
        %get3A_410 = tpu.memref_slice %arg15[%scan3A_361, %get3A_408, %get3A_409] : memref<2x50x128xf32, #tpu.memory_space<vmem>> -> memref<1x50x128xf32, #tpu.memory_space<vmem>>
        %get3A_411 = tpu.memref_squeeze %get3A_410 : memref<1x50x128xf32, #tpu.memory_space<vmem>> -> memref<50x128xf32, #tpu.memory_space<vmem>>
        %get3A_412 = arith.index_cast %scan3A_372 : i32 to index
        %get3A_413 = arith.constant 16 : index
        %get3A_414 = tpu.vector_load %get3A_411[%get3A_412, %get3A_413] {strides = array<i32>} : memref<50x128xf32, #tpu.memory_space<vmem>>, vector<1x16xf32>,
        %get3A_415 = vector.shape_cast %get3A_414 : vector<1x16xf32> to vector<16xf32>
        %mul3A_416 = arith.mulf %get3A_415, %get3A_380 : vector<16xf32>
        %swap3A_417 = arith.constant 0 : i32
        %swap3A_418 = arith.constant 0 : i32
        %swap3A_419 = tpu.memref_slice %arg15[%scan3A_361, %swap3A_417, %swap3A_418] : memref<2x50x128xf32, #tpu.memory_space<vmem>> -> memref<1x50x128xf32, #tpu.memory_space<vmem>>
        %swap3A_420 = tpu.memref_squeeze %swap3A_419 : memref<1x50x128xf32, #tpu.memory_space<vmem>> -> memref<50x128xf32, #tpu.memory_space<vmem>>
        %swap3A_421 = arith.index_cast %scan3A_372 : i32 to index
        %swap3A_422 = arith.constant 16 : index
        %swap3A_423 = tpu.vector_load %swap3A_420[%swap3A_421, %swap3A_422] {strides = array<i32>} : memref<50x128xf32, #tpu.memory_space<vmem>>, vector<1x16xf32>,
        %swap3A_424 = vector.shape_cast %swap3A_423 : vector<1x16xf32> to vector<16xf32>
        %swap3A_425 = vector.shape_cast %mul3A_416 : vector<16xf32> to vector<1x16xf32>
        tpu.vector_store %swap3A_420[%swap3A_421, %swap3A_422], %swap3A_425 {strides = array<i32>} : memref<50x128xf32, #tpu.memory_space<vmem>>, vector<1x16xf32>,
        %get3A_426 = arith.constant 0 : i32
        %get3A_427 = arith.constant 0 : i32
        %get3A_428 = tpu.memref_slice %arg15[%scan3A_361, %get3A_426, %get3A_427] : memref<2x50x128xf32, #tpu.memory_space<vmem>> -> memref<1x50x128xf32, #tpu.memory_space<vmem>>
        %get3A_429 = tpu.memref_squeeze %get3A_428 : memref<1x50x128xf32, #tpu.memory_space<vmem>> -> memref<50x128xf32, #tpu.memory_space<vmem>>
        %get3A_430 = arith.index_cast %scan3A_372 : i32 to index
        %get3A_431 = arith.constant 32 : index
        %get3A_432 = tpu.vector_load %get3A_429[%get3A_430, %get3A_431] {strides = array<i32>} : memref<50x128xf32, #tpu.memory_space<vmem>>, vector<1x16xf32>,
        %get3A_433 = vector.shape_cast %get3A_432 : vector<1x16xf32> to vector<16xf32>
        %mul3A_434 = arith.mulf %get3A_433, %get3A_380 : vector<16xf32>
        %swap3A_435 = arith.constant 0 : i32
        %swap3A_436 = arith.constant 0 : i32
        %swap3A_437 = tpu.memref_slice %arg15[%scan3A_361, %swap3A_435, %swap3A_436] : memref<2x50x128xf32, #tpu.memory_space<vmem>> -> memref<1x50x128xf32, #tpu.memory_space<vmem>>
        %swap3A_438 = tpu.memref_squeeze %swap3A_437 : memref<1x50x128xf32, #tpu.memory_space<vmem>> -> memref<50x128xf32, #tpu.memory_space<vmem>>
        %swap3A_439 = arith.index_cast %scan3A_372 : i32 to index
        %swap3A_440 = arith.constant 32 : index
        %swap3A_441 = tpu.vector_load %swap3A_438[%swap3A_439, %swap3A_440] {strides = array<i32>} : memref<50x128xf32, #tpu.memory_space<vmem>>, vector<1x16xf32>,
        %swap3A_442 = vector.shape_cast %swap3A_441 : vector<1x16xf32> to vector<16xf32>
        %swap3A_443 = vector.shape_cast %mul3A_434 : vector<16xf32> to vector<1x16xf32>
        tpu.vector_store %swap3A_438[%swap3A_439, %swap3A_440], %swap3A_443 {strides = array<i32>} : memref<50x128xf32, #tpu.memory_space<vmem>>, vector<1x16xf32>,
        %get3A_444 = arith.constant 0 : i32
        %get3A_445 = arith.constant 0 : i32
        %get3A_446 = tpu.memref_slice %arg15[%scan3A_361, %get3A_444, %get3A_445] : memref<2x50x128xf32, #tpu.memory_space<vmem>> -> memref<1x50x128xf32, #tpu.memory_space<vmem>>
        %get3A_447 = tpu.memref_squeeze %get3A_446 : memref<1x50x128xf32, #tpu.memory_space<vmem>> -> memref<50x128xf32, #tpu.memory_space<vmem>>
        %get3A_448 = arith.index_cast %scan3A_372 : i32 to index
        %get3A_449 = arith.constant 48 : index
        %get3A_450 = tpu.vector_load %get3A_447[%get3A_448, %get3A_449] {strides = array<i32>} : memref<50x128xf32, #tpu.memory_space<vmem>>, vector<1x16xf32>,
        %get3A_451 = vector.shape_cast %get3A_450 : vector<1x16xf32> to vector<16xf32>
        %mul3A_452 = arith.mulf %get3A_451, %get3A_380 : vector<16xf32>
        %swap3A_453 = arith.constant 0 : i32
        %swap3A_454 = arith.constant 0 : i32
        %swap3A_455 = tpu.memref_slice %arg15[%scan3A_361, %swap3A_453, %swap3A_454] : memref<2x50x128xf32, #tpu.memory_space<vmem>> -> memref<1x50x128xf32, #tpu.memory_space<vmem>>
        %swap3A_456 = tpu.memref_squeeze %swap3A_455 : memref<1x50x128xf32, #tpu.memory_space<vmem>> -> memref<50x128xf32, #tpu.memory_space<vmem>>
        %swap3A_457 = arith.index_cast %scan3A_372 : i32 to index
        %swap3A_458 = arith.constant 48 : index
        %swap3A_459 = tpu.vector_load %swap3A_456[%swap3A_457, %swap3A_458] {strides = array<i32>} : memref<50x128xf32, #tpu.memory_space<vmem>>, vector<1x16xf32>,
        %swap3A_460 = vector.shape_cast %swap3A_459 : vector<1x16xf32> to vector<16xf32>
        %swap3A_461 = vector.shape_cast %mul3A_452 : vector<16xf32> to vector<1x16xf32>
        tpu.vector_store %swap3A_456[%swap3A_457, %swap3A_458], %swap3A_461 {strides = array<i32>} : memref<50x128xf32, #tpu.memory_space<vmem>>, vector<1x16xf32>,
        %get3A_462 = arith.constant 0 : i32
        %get3A_463 = arith.constant 0 : i32
        %get3A_464 = tpu.memref_slice %arg15[%scan3A_361, %get3A_462, %get3A_463] : memref<2x50x128xf32, #tpu.memory_space<vmem>> -> memref<1x50x128xf32, #tpu.memory_space<vmem>>
        %get3A_465 = tpu.memref_squeeze %get3A_464 : memref<1x50x128xf32, #tpu.memory_space<vmem>> -> memref<50x128xf32, #tpu.memory_space<vmem>>
        %get3A_466 = arith.index_cast %scan3A_372 : i32 to index
        %get3A_467 = arith.constant 64 : index
        %get3A_468 = tpu.vector_load %get3A_465[%get3A_466, %get3A_467] {strides = array<i32>} : memref<50x128xf32, #tpu.memory_space<vmem>>, vector<1x16xf32>,
        %get3A_469 = vector.shape_cast %get3A_468 : vector<1x16xf32> to vector<16xf32>
        %mul3A_470 = arith.mulf %get3A_469, %get3A_390 : vector<16xf32>
        %swap3A_471 = arith.constant 0 : i32
        %swap3A_472 = arith.constant 0 : i32
        %swap3A_473 = tpu.memref_slice %arg15[%scan3A_361, %swap3A_471, %swap3A_472] : memref<2x50x128xf32, #tpu.memory_space<vmem>> -> memref<1x50x128xf32, #tpu.memory_space<vmem>>
        %swap3A_474 = tpu.memref_squeeze %swap3A_473 : memref<1x50x128xf32, #tpu.memory_space<vmem>> -> memref<50x128xf32, #tpu.memory_space<vmem>>
        %swap3A_475 = arith.index_cast %scan3A_372 : i32 to index
        %swap3A_476 = arith.constant 64 : index
        %swap3A_477 = tpu.vector_load %swap3A_474[%swap3A_475, %swap3A_476] {strides = array<i32>} : memref<50x128xf32, #tpu.memory_space<vmem>>, vector<1x16xf32>,
        %swap3A_478 = vector.shape_cast %swap3A_477 : vector<1x16xf32> to vector<16xf32>
        %swap3A_479 = vector.shape_cast %mul3A_470 : vector<16xf32> to vector<1x16xf32>
        tpu.vector_store %swap3A_474[%swap3A_475, %swap3A_476], %swap3A_479 {strides = array<i32>} : memref<50x128xf32, #tpu.memory_space<vmem>>, vector<1x16xf32>,
        %get3A_480 = arith.constant 0 : i32
        %get3A_481 = arith.constant 0 : i32
        %get3A_482 = tpu.memref_slice %arg15[%scan3A_361, %get3A_480, %get3A_481] : memref<2x50x128xf32, #tpu.memory_space<vmem>> -> memref<1x50x128xf32, #tpu.memory_space<vmem>>
        %get3A_483 = tpu.memref_squeeze %get3A_482 : memref<1x50x128xf32, #tpu.memory_space<vmem>> -> memref<50x128xf32, #tpu.memory_space<vmem>>
        %get3A_484 = arith.index_cast %scan3A_372 : i32 to index
        %get3A_485 = arith.constant 80 : index
        %get3A_486 = tpu.vector_load %get3A_483[%get3A_484, %get3A_485] {strides = array<i32>} : memref<50x128xf32, #tpu.memory_space<vmem>>, vector<1x16xf32>,
        %get3A_487 = vector.shape_cast %get3A_486 : vector<1x16xf32> to vector<16xf32>
        %mul3A_488 = arith.mulf %get3A_487, %get3A_390 : vector<16xf32>
        %swap3A_489 = arith.constant 0 : i32
        %swap3A_490 = arith.constant 0 : i32
        %swap3A_491 = tpu.memref_slice %arg15[%scan3A_361, %swap3A_489, %swap3A_490] : memref<2x50x128xf32, #tpu.memory_space<vmem>> -> memref<1x50x128xf32, #tpu.memory_space<vmem>>
        %swap3A_492 = tpu.memref_squeeze %swap3A_491 : memref<1x50x128xf32, #tpu.memory_space<vmem>> -> memref<50x128xf32, #tpu.memory_space<vmem>>
        %swap3A_493 = arith.index_cast %scan3A_372 : i32 to index
        %swap3A_494 = arith.constant 80 : index
        %swap3A_495 = tpu.vector_load %swap3A_492[%swap3A_493, %swap3A_494] {strides = array<i32>} : memref<50x128xf32, #tpu.memory_space<vmem>>, vector<1x16xf32>,
        %swap3A_496 = vector.shape_cast %swap3A_495 : vector<1x16xf32> to vector<16xf32>
        %swap3A_497 = vector.shape_cast %mul3A_488 : vector<16xf32> to vector<1x16xf32>
        tpu.vector_store %swap3A_492[%swap3A_493, %swap3A_494], %swap3A_497 {strides = array<i32>} : memref<50x128xf32, #tpu.memory_space<vmem>>, vector<1x16xf32>,
        %get3A_498 = arith.constant 0 : i32
        %get3A_499 = arith.constant 0 : i32
        %get3A_500 = tpu.memref_slice %arg15[%scan3A_361, %get3A_498, %get3A_499] : memref<2x50x128xf32, #tpu.memory_space<vmem>> -> memref<1x50x128xf32, #tpu.memory_space<vmem>>
        %get3A_501 = tpu.memref_squeeze %get3A_500 : memref<1x50x128xf32, #tpu.memory_space<vmem>> -> memref<50x128xf32, #tpu.memory_space<vmem>>
        %get3A_502 = arith.index_cast %scan3A_372 : i32 to index
        %get3A_503 = arith.constant 96 : index
        %get3A_504 = tpu.vector_load %get3A_501[%get3A_502, %get3A_503] {strides = array<i32>} : memref<50x128xf32, #tpu.memory_space<vmem>>, vector<1x16xf32>,
        %get3A_505 = vector.shape_cast %get3A_504 : vector<1x16xf32> to vector<16xf32>
        %mul3A_506 = arith.mulf %get3A_505, %get3A_390 : vector<16xf32>
        %swap3A_507 = arith.constant 0 : i32
        %swap3A_508 = arith.constant 0 : i32
        %swap3A_509 = tpu.memref_slice %arg15[%scan3A_361, %swap3A_507, %swap3A_508] : memref<2x50x128xf32, #tpu.memory_space<vmem>> -> memref<1x50x128xf32, #tpu.memory_space<vmem>>
        %swap3A_510 = tpu.memref_squeeze %swap3A_509 : memref<1x50x128xf32, #tpu.memory_space<vmem>> -> memref<50x128xf32, #tpu.memory_space<vmem>>
        %swap3A_511 = arith.index_cast %scan3A_372 : i32 to index
        %swap3A_512 = arith.constant 96 : index
        %swap3A_513 = tpu.vector_load %swap3A_510[%swap3A_511, %swap3A_512] {strides = array<i32>} : memref<50x128xf32, #tpu.memory_space<vmem>>, vector<1x16xf32>,
        %swap3A_514 = vector.shape_cast %swap3A_513 : vector<1x16xf32> to vector<16xf32>
        %swap3A_515 = vector.shape_cast %mul3A_506 : vector<16xf32> to vector<1x16xf32>
        tpu.vector_store %swap3A_510[%swap3A_511, %swap3A_512], %swap3A_515 {strides = array<i32>} : memref<50x128xf32, #tpu.memory_space<vmem>>, vector<1x16xf32>,
        %get3A_516 = arith.constant 0 : i32
        %get3A_517 = arith.constant 0 : i32
        %get3A_518 = tpu.memref_slice %arg15[%scan3A_361, %get3A_516, %get3A_517] : memref<2x50x128xf32, #tpu.memory_space<vmem>> -> memref<1x50x128xf32, #tpu.memory_space<vmem>>
        %get3A_519 = tpu.memref_squeeze %get3A_518 : memref<1x50x128xf32, #tpu.memory_space<vmem>> -> memref<50x128xf32, #tpu.memory_space<vmem>>
        %get3A_520 = arith.index_cast %scan3A_372 : i32 to index
        %get3A_521 = arith.constant 112 : index
        %get3A_522 = tpu.vector_load %get3A_519[%get3A_520, %get3A_521] {strides = array<i32>} : memref<50x128xf32, #tpu.memory_space<vmem>>, vector<1x16xf32>,
        %get3A_523 = vector.shape_cast %get3A_522 : vector<1x16xf32> to vector<16xf32>
        %mul3A_524 = arith.mulf %get3A_523, %get3A_390 : vector<16xf32>
        %swap3A_525 = arith.constant 0 : i32
        %swap3A_526 = arith.constant 0 : i32
        %swap3A_527 = tpu.memref_slice %arg15[%scan3A_361, %swap3A_525, %swap3A_526] : memref<2x50x128xf32, #tpu.memory_space<vmem>> -> memref<1x50x128xf32, #tpu.memory_space<vmem>>
        %swap3A_528 = tpu.memref_squeeze %swap3A_527 : memref<1x50x128xf32, #tpu.memory_space<vmem>> -> memref<50x128xf32, #tpu.memory_space<vmem>>
        %swap3A_529 = arith.index_cast %scan3A_372 : i32 to index
        %swap3A_530 = arith.constant 112 : index
        %swap3A_531 = tpu.vector_load %swap3A_528[%swap3A_529, %swap3A_530] {strides = array<i32>} : memref<50x128xf32, #tpu.memory_space<vmem>>, vector<1x16xf32>,
        %swap3A_532 = vector.shape_cast %swap3A_531 : vector<1x16xf32> to vector<16xf32>
        %swap3A_533 = vector.shape_cast %mul3A_524 : vector<16xf32> to vector<1x16xf32>
        tpu.vector_store %swap3A_528[%swap3A_529, %swap3A_530], %swap3A_533 {strides = array<i32>} : memref<50x128xf32, #tpu.memory_space<vmem>>, vector<1x16xf32>,
        %scan3A_534 = arith.constant 0 : i32
        scf.yield %scan3A_534 : i32
      }
      %scan3A_368 = arith.constant 50 : i32
      %run_scoped3A_369 = arith.constant 1 : i32
      "tpu.region"() ({
        %run_scoped3A_372 = tpu.sem_alloc : memref<!tpu.dma_semaphore, #tpu.memory_space<semaphore_mem>>
        %dma_start3A_373 = arith.constant 0 : i32
        %dma_start3A_374 = arith.constant 0 : i32
        %dma_start3A_375 = tpu.memref_slice %arg15[%run_scoped3A_369, %dma_start3A_373, %dma_start3A_374] : memref<2x50x128xf32, #tpu.memory_space<vmem>> -> memref<1x50x128xf32, #tpu.memory_space<vmem>>
        %dma_start3A_376 = tpu.memref_squeeze %dma_start3A_375 : memref<1x50x128xf32, #tpu.memory_space<vmem>> -> memref<50x128xf32, #tpu.memory_space<vmem>>
        %dma_start3A_377 = arith.constant 0 : i32
        %dma_start3A_378 = tpu.memref_slice %arg12[%add3A_291, %dma_start3A_377] : memref<100x50xi32, #tpu.memory_space<vmem>> -> memref<1x50xi32, #tpu.memory_space<vmem>>
        %dma_start3A_379 = tpu.memref_squeeze %dma_start3A_378 : memref<1x50xi32, #tpu.memory_space<vmem>> -> memref<50xi32, #tpu.memory_space<vmem>>
        %dma_start3A_380 = arith.constant 0 : i32
        %dma_start3A_381 = arith.constant 0 : i32
        %dma_start3A_382 = tpu.memref_slice %arg9[%dma_start3A_380, %dma_start3A_381] : memref<10240x128xf32, #tpu.memory_space<vmem_shared>> -> memref<10240x128xf32, #tpu.memory_space<vmem_shared>>
        tpu.enqueue_indirect_dma source(%dma_start3A_376 : memref<50x128xf32, #tpu.memory_space<vmem>>) target(%dma_start3A_382 : memref<10240x128xf32, #tpu.memory_space<vmem_shared>>) offsets(%dma_start3A_379 : memref<50xi32, #tpu.memory_space<vmem>>) semaphore(%run_scoped3A_372 : memref<!tpu.dma_semaphore, #tpu.memory_space<semaphore_mem>>) {add = true}
        %dma_wait3A_383 = arith.constant 0 : i32
        %dma_wait3A_384 = arith.constant 0 : i32
        %dma_wait3A_385 = tpu.memref_slice %arg15[%run_scoped3A_369, %dma_wait3A_383, %dma_wait3A_384] : memref<2x50x128xf32, #tpu.memory_space<vmem>> -> memref<1x50x128xf32, #tpu.memory_space<vmem>>
        %dma_wait3A_386 = tpu.memref_squeeze %dma_wait3A_385 : memref<1x50x128xf32, #tpu.memory_space<vmem>> -> memref<50x128xf32, #tpu.memory_space<vmem>>
        %dma_wait3A_387 = arith.constant 0 : i32
        %dma_wait3A_388 = tpu.memref_slice %arg12[%add3A_291, %dma_wait3A_387] : memref<100x50xi32, #tpu.memory_space<vmem>> -> memref<1x50xi32, #tpu.memory_space<vmem>>
        %dma_wait3A_389 = tpu.memref_squeeze %dma_wait3A_388 : memref<1x50xi32, #tpu.memory_space<vmem>> -> memref<50xi32, #tpu.memory_space<vmem>>
        %dma_wait3A_390 = arith.constant 0 : i32
        %dma_wait3A_391 = arith.constant 0 : i32
        %dma_wait3A_392 = tpu.memref_slice %arg9[%dma_wait3A_390, %dma_wait3A_391] : memref<10240x128xf32, #tpu.memory_space<vmem_shared>> -> memref<10240x128xf32, #tpu.memory_space<vmem_shared>>
        tpu.wait_indirect_dma semaphore(%run_scoped3A_372 : memref<!tpu.dma_semaphore, #tpu.memory_space<semaphore_mem>>) src(%dma_wait3A_386 : memref<50x128xf32, #tpu.memory_space<vmem>>) dst(%dma_wait3A_392 : memref<10240x128xf32, #tpu.memory_space<vmem_shared>>)
        tpu.yield
      }) : () -> ()
      %run_scoped3A_370 = arith.constant 1 : i32
      "tpu.region"() ({
        %run_scoped3A_372 = tpu.sem_alloc : memref<!tpu.dma_semaphore, #tpu.memory_space<semaphore_mem>>
        %dma_start3A_373 = arith.constant 0 : i32
        %dma_start3A_374 = arith.constant 0 : i32
        %dma_start3A_375 = tpu.memref_slice %arg16[%run_scoped3A_370, %dma_start3A_373, %dma_start3A_374] : memref<2x50x16xf32, #tpu.memory_space<vmem>> -> memref<1x50x16xf32, #tpu.memory_space<vmem>>
        %dma_start3A_376 = tpu.memref_squeeze %dma_start3A_375 : memref<1x50x16xf32, #tpu.memory_space<vmem>> -> memref<50x16xf32, #tpu.memory_space<vmem>>
        %dma_start3A_377 = arith.constant 0 : i32
        %dma_start3A_378 = tpu.memref_slice %arg12[%add3A_291, %dma_start3A_377] : memref<100x50xi32, #tpu.memory_space<vmem>> -> memref<1x50xi32, #tpu.memory_space<vmem>>
        %dma_start3A_379 = tpu.memref_squeeze %dma_start3A_378 : memref<1x50xi32, #tpu.memory_space<vmem>> -> memref<50xi32, #tpu.memory_space<vmem>>
        %dma_start3A_380 = arith.constant 0 : i32
        %dma_start3A_381 = arith.constant 0 : i32
        %dma_start3A_382 = tpu.memref_slice %arg10[%dma_start3A_380, %dma_start3A_381] : memref<10240x16xf32, #tpu.memory_space<vmem_shared>> -> memref<10240x16xf32, #tpu.memory_space<vmem_shared>>
        tpu.enqueue_indirect_dma source(%dma_start3A_376 : memref<50x16xf32, #tpu.memory_space<vmem>>) target(%dma_start3A_382 : memref<10240x16xf32, #tpu.memory_space<vmem_shared>>) offsets(%dma_start3A_379 : memref<50xi32, #tpu.memory_space<vmem>>) semaphore(%run_scoped3A_372 : memref<!tpu.dma_semaphore, #tpu.memory_space<semaphore_mem>>) {add = true}
        %dma_wait3A_383 = arith.constant 0 : i32
        %dma_wait3A_384 = arith.constant 0 : i32
        %dma_wait3A_385 = tpu.memref_slice %arg16[%run_scoped3A_370, %dma_wait3A_383, %dma_wait3A_384] : memref<2x50x16xf32, #tpu.memory_space<vmem>> -> memref<1x50x16xf32, #tpu.memory_space<vmem>>
        %dma_wait3A_386 = tpu.memref_squeeze %dma_wait3A_385 : memref<1x50x16xf32, #tpu.memory_space<vmem>> -> memref<50x16xf32, #tpu.memory_space<vmem>>
        %dma_wait3A_387 = arith.constant 0 : i32
        %dma_wait3A_388 = tpu.memref_slice %arg12[%add3A_291, %dma_wait3A_387] : memref<100x50xi32, #tpu.memory_space<vmem>> -> memref<1x50xi32, #tpu.memory_space<vmem>>
        %dma_wait3A_389 = tpu.memref_squeeze %dma_wait3A_388 : memref<1x50xi32, #tpu.memory_space<vmem>> -> memref<50xi32, #tpu.memory_space<vmem>>
        %dma_wait3A_390 = arith.constant 0 : i32
        %dma_wait3A_391 = arith.constant 0 : i32
        %dma_wait3A_392 = tpu.memref_slice %arg10[%dma_wait3A_390, %dma_wait3A_391] : memref<10240x16xf32, #tpu.memory_space<vmem_shared>> -> memref<10240x16xf32, #tpu.memory_space<vmem_shared>>
        tpu.wait_indirect_dma semaphore(%run_scoped3A_372 : memref<!tpu.dma_semaphore, #tpu.memory_space<semaphore_mem>>) src(%dma_wait3A_386 : memref<50x16xf32, #tpu.memory_space<vmem>>) dst(%dma_wait3A_392 : memref<10240x16xf32, #tpu.memory_space<vmem_shared>>)
        tpu.yield
      }) : () -> ()
      %scan3A_371 = arith.constant 0 : i32
      scf.yield %scan3A_371 : i32
    }
    %scan3A_198 = arith.constant 50 : i32
    %barrier3A_199 = arith.constant 0 : index
    tpu.barrier barrier_id(%barrier3A_199)
    %mul3A_200 = arith.constant 640 : i32
    %mul3A_201 = arith.muli %arg1, %mul3A_200 : i32
    %mul3A_202 = arith.constant 640 : i32
    %mul3A_203 = arith.muli %arg1, %mul3A_202 : i32
    "tpu.region"() ({
      %run_scoped3A = tpu.sem_alloc : memref<!tpu.dma_semaphore, #tpu.memory_space<semaphore_mem>>
      %dma_start3A_208 = arith.constant 0 : i32
      %dma_start3A_209 = tpu.memref_slice %arg7[%arg0, %mul3A_203, %dma_start3A_208] : memref<2x10240x128xf32, #tpu.memory_space<hbm>> -> memref<1x640x128xf32, #tpu.memory_space<hbm>>
      %dma_start3A_210 = tpu.memref_squeeze %dma_start3A_209 : memref<1x640x128xf32, #tpu.memory_space<hbm>> -> memref<640x128xf32, #tpu.memory_space<hbm>>
      %dma_start3A_211 = arith.constant 0 : i32
      %dma_start3A_212 = tpu.memref_slice %arg9[%mul3A_201, %dma_start3A_211] : memref<10240x128xf32, #tpu.memory_space<vmem_shared>> -> memref<640x128xf32, #tpu.memory_space<vmem_shared>>
      tpu.enqueue_dma source(%dma_start3A_212 : memref<640x128xf32, #tpu.memory_space<vmem_shared>>) target(%dma_start3A_210 : memref<640x128xf32, #tpu.memory_space<hbm>>) target_semaphore(%run_scoped3A : memref<!tpu.dma_semaphore, #tpu.memory_space<semaphore_mem>>)
      %dma_wait3A = arith.constant 0 : i32
      %dma_wait3A_213 = tpu.memref_slice %arg7[%arg0, %mul3A_203, %dma_wait3A] : memref<2x10240x128xf32, #tpu.memory_space<hbm>> -> memref<1x640x128xf32, #tpu.memory_space<hbm>>
      %dma_wait3A_214 = tpu.memref_squeeze %dma_wait3A_213 : memref<1x640x128xf32, #tpu.memory_space<hbm>> -> memref<640x128xf32, #tpu.memory_space<hbm>>
      %dma_wait3A_215 = arith.constant 0 : i32
      %dma_wait3A_216 = tpu.memref_slice %arg9[%mul3A_201, %dma_wait3A_215] : memref<10240x128xf32, #tpu.memory_space<vmem_shared>> -> memref<640x128xf32, #tpu.memory_space<vmem_shared>>
      tpu.wait_dma2 semaphore(%run_scoped3A : memref<!tpu.dma_semaphore, #tpu.memory_space<semaphore_mem>>) src(%dma_wait3A_216 : memref<640x128xf32, #tpu.memory_space<vmem_shared>>) dst(%dma_wait3A_214 : memref<640x128xf32, #tpu.memory_space<hbm>>)
      tpu.yield
    }) : () -> ()
    %mul3A_204 = arith.constant 640 : i32
    %mul3A_205 = arith.muli %arg1, %mul3A_204 : i32
    %mul3A_206 = arith.constant 640 : i32
    %mul3A_207 = arith.muli %arg1, %mul3A_206 : i32
    "tpu.region"() ({
      %run_scoped3A = tpu.sem_alloc : memref<!tpu.dma_semaphore, #tpu.memory_space<semaphore_mem>>
      %dma_start3A_208 = arith.constant 0 : i32
      %dma_start3A_209 = tpu.memref_slice %arg8[%arg0, %mul3A_207, %dma_start3A_208] : memref<2x10240x16xf32, #tpu.memory_space<hbm>> -> memref<1x640x16xf32, #tpu.memory_space<hbm>>
      %dma_start3A_210 = tpu.memref_squeeze %dma_start3A_209 : memref<1x640x16xf32, #tpu.memory_space<hbm>> -> memref<640x16xf32, #tpu.memory_space<hbm>>
      %dma_start3A_211 = arith.constant 0 : i32
      %dma_start3A_212 = tpu.memref_slice %arg10[%mul3A_205, %dma_start3A_211] : memref<10240x16xf32, #tpu.memory_space<vmem_shared>> -> memref<640x16xf32, #tpu.memory_space<vmem_shared>>
      tpu.enqueue_dma source(%dma_start3A_212 : memref<640x16xf32, #tpu.memory_space<vmem_shared>>) target(%dma_start3A_210 : memref<640x16xf32, #tpu.memory_space<hbm>>) target_semaphore(%run_scoped3A : memref<!tpu.dma_semaphore, #tpu.memory_space<semaphore_mem>>)
      %dma_wait3A = arith.constant 0 : i32
      %dma_wait3A_213 = tpu.memref_slice %arg8[%arg0, %mul3A_207, %dma_wait3A] : memref<2x10240x16xf32, #tpu.memory_space<hbm>> -> memref<1x640x16xf32, #tpu.memory_space<hbm>>
      %dma_wait3A_214 = tpu.memref_squeeze %dma_wait3A_213 : memref<1x640x16xf32, #tpu.memory_space<hbm>> -> memref<640x16xf32, #tpu.memory_space<hbm>>
      %dma_wait3A_215 = arith.constant 0 : i32
      %dma_wait3A_216 = tpu.memref_slice %arg10[%mul3A_205, %dma_wait3A_215] : memref<10240x16xf32, #tpu.memory_space<vmem_shared>> -> memref<640x16xf32, #tpu.memory_space<vmem_shared>>
      tpu.wait_dma2 semaphore(%run_scoped3A : memref<!tpu.dma_semaphore, #tpu.memory_space<semaphore_mem>>) src(%dma_wait3A_216 : memref<640x16xf32, #tpu.memory_space<vmem_shared>>) dst(%dma_wait3A_214 : memref<640x16xf32, #tpu.memory_space<hbm>>)
      tpu.yield
    }) : () -> ()
    return
  }
}

module attributes {stable_mosaic.version = 14 : i64} {
  func.func @_tc_prep_body(%arg0: i32, %arg1: memref<2000x128xf32, #tpu.memory_space<vmem>>, %arg2: memref<1x128xf32, #tpu.memory_space<vmem>>, %arg3: memref<1x128xf32, #tpu.memory_space<vmem>>, %arg4: memref<1x128xf32, #tpu.memory_space<vmem>>, %arg5: memref<1x128xf32, #tpu.memory_space<vmem>>, %arg6: memref<128x72xf32, #tpu.memory_space<vmem>>, %arg7: memref<128x72xf32, #tpu.memory_space<vmem>>, %arg8: memref<1x8xf32, #tpu.memory_space<vmem>>, %arg9: memref<2000x128xf32, #tpu.memory_space<vmem>>, %arg10: memref<2000x16xf32, #tpu.memory_space<vmem>>, %arg11: memref<2000x8xf32, #tpu.memory_space<vmem>>) attributes {dimension_semantics = [#tpu.dimension_semantics<arbitrary>], iteration_bounds = array<i64: 5>, scalar_prefetch = 0 : i64, scratch_operands = 0 : i64, tpu.core_type = #tpu.core_type<tc>, window_params = [{transform_indices = @transform_0, window_bounds = array<i64: 2000, 128>}, {pipeline_mode = #tpu.pipeline_mode<synchronous>, transform_indices = @transform_1, window_bounds = array<i64: 1, 128>}, {pipeline_mode = #tpu.pipeline_mode<synchronous>, transform_indices = @transform_2, window_bounds = array<i64: 1, 128>}, {pipeline_mode = #tpu.pipeline_mode<synchronous>, transform_indices = @transform_3, window_bounds = array<i64: 1, 128>}, {pipeline_mode = #tpu.pipeline_mode<synchronous>, transform_indices = @transform_4, window_bounds = array<i64: 1, 128>}, {pipeline_mode = #tpu.pipeline_mode<synchronous>, transform_indices = @transform_5, window_bounds = array<i64: 128, 72>}, {pipeline_mode = #tpu.pipeline_mode<synchronous>, transform_indices = @transform_6, window_bounds = array<i64: 128, 72>}, {pipeline_mode = #tpu.pipeline_mode<synchronous>, transform_indices = @transform_7, window_bounds = array<i64: 1, 8>}, {transform_indices = @transform_8, window_bounds = array<i64: 2000, 128>}, {transform_indices = @transform_9, window_bounds = array<i64: 2000, 16>}, {transform_indices = @transform_10, window_bounds = array<i64: 2000, 8>}]} {
    %get3A = arith.constant 0 : index
    %get3A_0 = arith.constant 0 : index
    %get3A_1 = vector.load %arg1[%get3A, %get3A_0] : memref<2000x128xf32, #tpu.memory_space<vmem>>, vector<2000x128xf32>
    %reduce_sum3A = arith.constant dense<0.000000e+00> : vector<2000xf32>
    %reduce_sum3A_2 = vector.multi_reduction <add>, %get3A_1, %reduce_sum3A [1] : vector<2000x128xf32> to vector<2000xf32>
    %broadcast_in_dim3A = vector.shape_cast %reduce_sum3A_2 : vector<2000xf32> to vector<2000x1xf32>
    %div3A = arith.constant 1.280000e+02 : f32
    %div3A_3 = vector.broadcast %div3A : f32 to vector<2000x1xf32>
    %div3A_4 = arith.divf %broadcast_in_dim3A, %div3A_3 : vector<2000x1xf32>
    %sub3A = vector.broadcast %div3A_4 : vector<2000x1xf32> to vector<2000x128xf32>
    %sub3A_5 = arith.subf %get3A_1, %sub3A : vector<2000x128xf32>
    %integer_pow3A = arith.mulf %sub3A_5, %sub3A_5 : vector<2000x128xf32>
    %reduce_sum3A_6 = arith.constant dense<0.000000e+00> : vector<2000xf32>
    %reduce_sum3A_7 = vector.multi_reduction <add>, %integer_pow3A, %reduce_sum3A_6 [1] : vector<2000x128xf32> to vector<2000xf32>
    %broadcast_in_dim3A_8 = vector.shape_cast %reduce_sum3A_7 : vector<2000xf32> to vector<2000x1xf32>
    %div3A_9 = arith.constant 1.280000e+02 : f32
    %div3A_10 = vector.broadcast %div3A_9 : f32 to vector<2000x1xf32>
    %div3A_11 = arith.divf %broadcast_in_dim3A_8, %div3A_10 : vector<2000x1xf32>
    %sub3A_12 = vector.broadcast %div3A_4 : vector<2000x1xf32> to vector<2000x128xf32>
    %sub3A_13 = arith.subf %get3A_1, %sub3A_12 : vector<2000x128xf32>
    %add3A = arith.constant 9.99999974E-6 : f32
    %add3A_14 = vector.broadcast %add3A : f32 to vector<2000x1xf32>
    %add3A_15 = arith.addf %div3A_11, %add3A_14 : vector<2000x1xf32>
    %sqrt3A = math.sqrt %add3A_15 : vector<2000x1xf32>
    %div3A_16 = vector.broadcast %sqrt3A : vector<2000x1xf32> to vector<2000x128xf32>
    %div3A_17 = arith.divf %sub3A_13, %div3A_16 : vector<2000x128xf32>
    %get3A_18 = arith.constant 0 : index
    %get3A_19 = arith.constant 0 : index
    %get3A_20 = vector.load %arg2[%get3A_18, %get3A_19] : memref<1x128xf32, #tpu.memory_space<vmem>>, vector<1x128xf32>
    %mul3A = vector.broadcast %get3A_20 : vector<1x128xf32> to vector<2000x128xf32>
    %mul3A_21 = arith.mulf %div3A_17, %mul3A : vector<2000x128xf32>
    %get3A_22 = arith.constant 0 : index
    %get3A_23 = arith.constant 0 : index
    %get3A_24 = vector.load %arg3[%get3A_22, %get3A_23] : memref<1x128xf32, #tpu.memory_space<vmem>>, vector<1x128xf32>
    %add3A_25 = vector.broadcast %get3A_24 : vector<1x128xf32> to vector<2000x128xf32>
    %add3A_26 = arith.addf %mul3A_21, %add3A_25 : vector<2000x128xf32>
    %max3A = arith.constant 0.000000e+00 : f32
    %max3A_27 = vector.broadcast %max3A : f32 to vector<2000x128xf32>
    %max3A_28 = arith.maximumf %add3A_26, %max3A_27 : vector<2000x128xf32>
    %get3A_29 = arith.constant 0 : index
    %get3A_30 = arith.constant 0 : index
    %get3A_31 = vector.load %arg6[%get3A_29, %get3A_30] : memref<128x72xf32, #tpu.memory_space<vmem>>, vector<128x72xf32>
    %dot_general3A = arith.constant dense<0.000000e+00> : vector<2000x72xf32>
    %dot_general3A_32 = tpu.matmul %max3A_28, %get3A_31, %dot_general3A {dimension_numbers = #tpu.dot_dimension_numbers<[1], [0], [0], [1], [0, 0, 1, 1], [], []>, precision = #tpu.contract_precision<fp32>, transpose_lhs_hint = false} : vector<2000x128xf32>, vector<128x72xf32>, vector<2000x72xf32> -> vector<2000x72xf32>
    %reduce_sum3A_33 = arith.constant dense<0.000000e+00> : vector<2000xf32>
    %reduce_sum3A_34 = vector.multi_reduction <add>, %get3A_1, %reduce_sum3A_33 [1] : vector<2000x128xf32> to vector<2000xf32>
    %broadcast_in_dim3A_35 = vector.shape_cast %reduce_sum3A_34 : vector<2000xf32> to vector<2000x1xf32>
    %div3A_36 = arith.constant 1.280000e+02 : f32
    %div3A_37 = vector.broadcast %div3A_36 : f32 to vector<2000x1xf32>
    %div3A_38 = arith.divf %broadcast_in_dim3A_35, %div3A_37 : vector<2000x1xf32>
    %sub3A_39 = vector.broadcast %div3A_38 : vector<2000x1xf32> to vector<2000x128xf32>
    %sub3A_40 = arith.subf %get3A_1, %sub3A_39 : vector<2000x128xf32>
    %integer_pow3A_41 = arith.mulf %sub3A_40, %sub3A_40 : vector<2000x128xf32>
    %reduce_sum3A_42 = arith.constant dense<0.000000e+00> : vector<2000xf32>
    %reduce_sum3A_43 = vector.multi_reduction <add>, %integer_pow3A_41, %reduce_sum3A_42 [1] : vector<2000x128xf32> to vector<2000xf32>
    %broadcast_in_dim3A_44 = vector.shape_cast %reduce_sum3A_43 : vector<2000xf32> to vector<2000x1xf32>
    %div3A_45 = arith.constant 1.280000e+02 : f32
    %div3A_46 = vector.broadcast %div3A_45 : f32 to vector<2000x1xf32>
    %div3A_47 = arith.divf %broadcast_in_dim3A_44, %div3A_46 : vector<2000x1xf32>
    %sub3A_48 = vector.broadcast %div3A_38 : vector<2000x1xf32> to vector<2000x128xf32>
    %sub3A_49 = arith.subf %get3A_1, %sub3A_48 : vector<2000x128xf32>
    %add3A_50 = arith.constant 9.99999974E-6 : f32
    %add3A_51 = vector.broadcast %add3A_50 : f32 to vector<2000x1xf32>
    %add3A_52 = arith.addf %div3A_47, %add3A_51 : vector<2000x1xf32>
    %sqrt3A_53 = math.sqrt %add3A_52 : vector<2000x1xf32>
    %div3A_54 = vector.broadcast %sqrt3A_53 : vector<2000x1xf32> to vector<2000x128xf32>
    %div3A_55 = arith.divf %sub3A_49, %div3A_54 : vector<2000x128xf32>
    %get3A_56 = arith.constant 0 : index
    %get3A_57 = arith.constant 0 : index
    %get3A_58 = vector.load %arg4[%get3A_56, %get3A_57] : memref<1x128xf32, #tpu.memory_space<vmem>>, vector<1x128xf32>
    %mul3A_59 = vector.broadcast %get3A_58 : vector<1x128xf32> to vector<2000x128xf32>
    %mul3A_60 = arith.mulf %div3A_55, %mul3A_59 : vector<2000x128xf32>
    %get3A_61 = arith.constant 0 : index
    %get3A_62 = arith.constant 0 : index
    %get3A_63 = vector.load %arg5[%get3A_61, %get3A_62] : memref<1x128xf32, #tpu.memory_space<vmem>>, vector<1x128xf32>
    %add3A_64 = vector.broadcast %get3A_63 : vector<1x128xf32> to vector<2000x128xf32>
    %add3A_65 = arith.addf %mul3A_60, %add3A_64 : vector<2000x128xf32>
    %max3A_66 = arith.constant 0.000000e+00 : f32
    %max3A_67 = vector.broadcast %max3A_66 : f32 to vector<2000x128xf32>
    %max3A_68 = arith.maximumf %add3A_65, %max3A_67 : vector<2000x128xf32>
    %get3A_69 = arith.constant 0 : index
    %get3A_70 = arith.constant 0 : index
    %get3A_71 = vector.load %arg7[%get3A_69, %get3A_70] : memref<128x72xf32, #tpu.memory_space<vmem>>, vector<128x72xf32>
    %dot_general3A_72 = arith.constant dense<0.000000e+00> : vector<2000x72xf32>
    %dot_general3A_73 = tpu.matmul %max3A_68, %get3A_71, %dot_general3A_72 {dimension_numbers = #tpu.dot_dimension_numbers<[1], [0], [0], [1], [0, 0, 1, 1], [], []>, precision = #tpu.contract_precision<fp32>, transpose_lhs_hint = false} : vector<2000x128xf32>, vector<128x72xf32>, vector<2000x72xf32> -> vector<2000x72xf32>
    %broadcast_in_dim3A_74 = arith.constant 0.000000e+00 : f32
    %broadcast_in_dim3A_75 = vector.broadcast %broadcast_in_dim3A_74 : f32 to vector<2000x8xf32>
    %slice3A = vector.extract_strided_slice %dot_general3A_32 {offsets = [0, 0], sizes = [2000, 64], strides = [1, 1]} : vector<2000x72xf32> to vector<2000x64xf32>
    %slice3A_76 = vector.extract_strided_slice %dot_general3A_73 {offsets = [0, 0], sizes = [2000, 64], strides = [1, 1]} : vector<2000x72xf32> to vector<2000x64xf32>
    %concatenate3A = tpu.concatenate %slice3A, %slice3A_76 in 1 : vector<2000x64xf32>, vector<2000x64xf32> -> vector<2000x128xf32>
    %swap3A = arith.constant 0 : index
    %swap3A_77 = arith.constant 0 : index
    %swap3A_78 = vector.load %arg9[%swap3A, %swap3A_77] : memref<2000x128xf32, #tpu.memory_space<vmem>>, vector<2000x128xf32>
    tpu.vector_store %arg9[%swap3A, %swap3A_77], %concatenate3A {strides = array<i32>} : memref<2000x128xf32, #tpu.memory_space<vmem>>, vector<2000x128xf32>,
    %slice3A_79 = vector.extract_strided_slice %dot_general3A_32 {offsets = [0, 64], sizes = [2000, 4], strides = [1, 1]} : vector<2000x72xf32> to vector<2000x4xf32>
    %slice3A_80 = vector.extract_strided_slice %dot_general3A_73 {offsets = [0, 64], sizes = [2000, 4], strides = [1, 1]} : vector<2000x72xf32> to vector<2000x4xf32>
    %concatenate3A_81 = tpu.concatenate %slice3A_79, %slice3A_80, %broadcast_in_dim3A_75 in 1 : vector<2000x4xf32>, vector<2000x4xf32>, vector<2000x8xf32> -> vector<2000x16xf32>
    %swap3A_82 = arith.constant 0 : index
    %swap3A_83 = arith.constant 0 : index
    %swap3A_84 = vector.load %arg10[%swap3A_82, %swap3A_83] : memref<2000x16xf32, #tpu.memory_space<vmem>>, vector<2000x16xf32>
    tpu.vector_store %arg10[%swap3A_82, %swap3A_83], %concatenate3A_81 {strides = array<i32>} : memref<2000x16xf32, #tpu.memory_space<vmem>>, vector<2000x16xf32>,
    %slice3A_85 = vector.extract_strided_slice %dot_general3A_32 {offsets = [0, 68], sizes = [2000, 4], strides = [1, 1]} : vector<2000x72xf32> to vector<2000x4xf32>
    %slice3A_86 = vector.extract_strided_slice %dot_general3A_73 {offsets = [0, 68], sizes = [2000, 4], strides = [1, 1]} : vector<2000x72xf32> to vector<2000x4xf32>
    %concatenate3A_87 = tpu.concatenate %slice3A_85, %slice3A_86 in 1 : vector<2000x4xf32>, vector<2000x4xf32> -> vector<2000x8xf32>
    %get3A_88 = arith.constant 0 : index
    %get3A_89 = arith.constant 0 : index
    %get3A_90 = vector.load %arg8[%get3A_88, %get3A_89] : memref<1x8xf32, #tpu.memory_space<vmem>>, vector<1x8xf32>
    %add3A_91 = vector.broadcast %get3A_90 : vector<1x8xf32> to vector<2000x8xf32>
    %add3A_92 = arith.addf %concatenate3A_87, %add3A_91 : vector<2000x8xf32>
    %swap3A_93 = arith.constant 0 : index
    %swap3A_94 = arith.constant 0 : index
    %swap3A_95 = vector.load %arg11[%swap3A_93, %swap3A_94] : memref<2000x8xf32, #tpu.memory_space<vmem>>, vector<2000x8xf32>
    tpu.vector_store %arg11[%swap3A_93, %swap3A_94], %add3A_92 {strides = array<i32>} : memref<2000x8xf32, #tpu.memory_space<vmem>>, vector<2000x8xf32>,
    return
  }
  func.func @transform_0(%arg0: i32) -> (i32, i32) {
    %c0_i32 = arith.constant 0 : i32
    %c0_i32_0 = arith.constant 0 : i32
    return %arg0, %c0_i32 : i32, i32
  }
  func.func @transform_1(%arg0: i32) -> (i32, i32) {
    %c0_i32 = arith.constant 0 : i32
    %c0_i32_0 = arith.constant 0 : i32
    %c0_i32_1 = arith.constant 0 : i32
    return %c0_i32, %c0_i32_0 : i32, i32
  }
  func.func @transform_2(%arg0: i32) -> (i32, i32) {
    %c0_i32 = arith.constant 0 : i32
    %c0_i32_0 = arith.constant 0 : i32
    %c0_i32_1 = arith.constant 0 : i32
    return %c0_i32, %c0_i32_0 : i32, i32
  }
  func.func @transform_3(%arg0: i32) -> (i32, i32) {
    %c0_i32 = arith.constant 0 : i32
    %c0_i32_0 = arith.constant 0 : i32
    %c0_i32_1 = arith.constant 0 : i32
    return %c0_i32, %c0_i32_0 : i32, i32
  }
  func.func @transform_4(%arg0: i32) -> (i32, i32) {
    %c0_i32 = arith.constant 0 : i32
    %c0_i32_0 = arith.constant 0 : i32
    %c0_i32_1 = arith.constant 0 : i32
    return %c0_i32, %c0_i32_0 : i32, i32
  }
  func.func @transform_5(%arg0: i32) -> (i32, i32) {
    %c0_i32 = arith.constant 0 : i32
    %c0_i32_0 = arith.constant 0 : i32
    %c0_i32_1 = arith.constant 0 : i32
    return %c0_i32, %c0_i32_0 : i32, i32
  }
  func.func @transform_6(%arg0: i32) -> (i32, i32) {
    %c0_i32 = arith.constant 0 : i32
    %c0_i32_0 = arith.constant 0 : i32
    %c0_i32_1 = arith.constant 0 : i32
    return %c0_i32, %c0_i32_0 : i32, i32
  }
  func.func @transform_7(%arg0: i32) -> (i32, i32) {
    %c0_i32 = arith.constant 0 : i32
    %c0_i32_0 = arith.constant 0 : i32
    %c0_i32_1 = arith.constant 0 : i32
    return %c0_i32, %c0_i32_0 : i32, i32
  }
  func.func @transform_8(%arg0: i32) -> (i32, i32) {
    %c0_i32 = arith.constant 0 : i32
    %c0_i32_0 = arith.constant 0 : i32
    return %arg0, %c0_i32 : i32, i32
  }
  func.func @transform_9(%arg0: i32) -> (i32, i32) {
    %c0_i32 = arith.constant 0 : i32
    %c0_i32_0 = arith.constant 0 : i32
    return %arg0, %c0_i32 : i32, i32
  }
  func.func @transform_10(%arg0: i32) -> (i32, i32) {
    %c0_i32 = arith.constant 0 : i32
    %c0_i32_0 = arith.constant 0 : i32
    return %arg0, %c0_i32 : i32, i32
  }
}

module attributes {stable_mosaic.version = 14 : i64} {
  func.func @_tc_finish_body(%arg0: i32, %arg1: memref<2x2000x128xf32, #tpu.memory_space<vmem>>, %arg2: memref<2x2000x16xf32, #tpu.memory_space<vmem>>, %arg3: memref<2000x8xf32, #tpu.memory_space<vmem>>, %arg4: memref<2000x8xf32, #tpu.memory_space<vmem>>) attributes {dimension_semantics = [#tpu.dimension_semantics<arbitrary>], iteration_bounds = array<i64: 5>, scalar_prefetch = 0 : i64, scratch_operands = 0 : i64, tpu.core_type = #tpu.core_type<tc>, window_params = [{transform_indices = @transform_0, window_bounds = array<i64: 2, 2000, 128>}, {transform_indices = @transform_1, window_bounds = array<i64: 2, 2000, 16>}, {transform_indices = @transform_2, window_bounds = array<i64: 2000, 8>}, {transform_indices = @transform_3, window_bounds = array<i64: 2000, 8>}]} {
    %iota3A = tpu.iota {dimensions = array<i32: 0>} : vector<128x8xi32>
    %iota3A_0 = tpu.iota {dimensions = array<i32: 1>} : vector<128x8xi32>
    %jit3A = arith.constant 16 : i32
    %div3A = vector.broadcast %jit3A : i32 to vector<128x8xi32>
    %div3A_1 = arith.divsi %iota3A, %div3A : vector<128x8xi32>
    %sign3A = arith.constant 0 : i32
    %sign3A_2 = vector.broadcast %sign3A : i32 to vector<128x8xi32>
    %sign3A_3 = arith.cmpi sgt, %iota3A, %sign3A_2 : vector<128x8xi32>
    %sign3A_4 = arith.extui %sign3A_3 : vector<128x8xi1> to vector<128x8xi32>
    %sign3A_5 = arith.constant 0 : i32
    %sign3A_6 = vector.broadcast %sign3A_5 : i32 to vector<128x8xi32>
    %sign3A_7 = arith.cmpi slt, %iota3A, %sign3A_6 : vector<128x8xi32>
    %sign3A_8 = arith.extui %sign3A_7 : vector<128x8xi1> to vector<128x8xi32>
    %sign3A_9 = arith.subi %sign3A_4, %sign3A_8 : vector<128x8xi32>
    %sign3A_10 = arith.constant 0 : i32
    %sign3A_11 = arith.cmpi sgt, %jit3A, %sign3A_10 : i32
    %sign3A_12 = arith.extui %sign3A_11 : i1 to i32
    %sign3A_13 = arith.constant 0 : i32
    %sign3A_14 = arith.cmpi slt, %jit3A, %sign3A_13 : i32
    %sign3A_15 = arith.extui %sign3A_14 : i1 to i32
    %sign3A_16 = arith.subi %sign3A_12, %sign3A_15 : i32
    %ne3A = vector.broadcast %sign3A_16 : i32 to vector<128x8xi32>
    %ne3A_17 = arith.cmpi ne, %sign3A_9, %ne3A : vector<128x8xi32>
    %rem3A = vector.broadcast %jit3A : i32 to vector<128x8xi32>
    %rem3A_18 = arith.remsi %iota3A, %rem3A : vector<128x8xi32>
    %ne3A_19 = arith.constant 0 : i32
    %ne3A_20 = vector.broadcast %ne3A_19 : i32 to vector<128x8xi32>
    %ne3A_21 = arith.cmpi ne, %rem3A_18, %ne3A_20 : vector<128x8xi32>
    %and3A = arith.andi %ne3A_17, %ne3A_21 : vector<128x8xi1>
    %sub3A = arith.constant 1 : i32
    %sub3A_22 = vector.broadcast %sub3A : i32 to vector<128x8xi32>
    %sub3A_23 = arith.subi %div3A_1, %sub3A_22 : vector<128x8xi32>
    %select_n3A = arith.select %and3A, %sub3A_23, %div3A_1 : vector<128x8xi1>, vector<128x8xi32>
    %eq3A = arith.cmpi eq, %select_n3A, %iota3A_0 : vector<128x8xi32>
    %jit3A_24 = arith.constant 1.000000e+00 : f32
    %jit3A_25 = arith.constant 0.000000e+00 : f32
    %broadcast_in_dim3A = vector.broadcast %jit3A_24 : f32 to vector<128x8xf32>
    %broadcast_in_dim3A_26 = vector.broadcast %jit3A_25 : f32 to vector<128x8xf32>
    %select_n3A_27 = arith.select %eq3A, %broadcast_in_dim3A, %broadcast_in_dim3A_26 : vector<128x8xi1>, vector<128x8xf32>
    %get3A = arith.constant 0 : index
    %get3A_28 = arith.constant 0 : index
    %get3A_29 = arith.constant 0 : index
    %get3A_30 = vector.load %arg1[%get3A, %get3A_28, %get3A_29] : memref<2x2000x128xf32, #tpu.memory_space<vmem>>, vector<1x2000x128xf32>
    %get3A_31 = vector.shape_cast %get3A_30 : vector<1x2000x128xf32> to vector<2000x128xf32>
    %get3A_32 = arith.constant 1 : index
    %get3A_33 = arith.constant 0 : index
    %get3A_34 = arith.constant 0 : index
    %get3A_35 = vector.load %arg1[%get3A_32, %get3A_33, %get3A_34] : memref<2x2000x128xf32, #tpu.memory_space<vmem>>, vector<1x2000x128xf32>
    %get3A_36 = vector.shape_cast %get3A_35 : vector<1x2000x128xf32> to vector<2000x128xf32>
    %add3A = arith.addf %get3A_31, %get3A_36 : vector<2000x128xf32>
    %get3A_37 = arith.constant 0 : index
    %get3A_38 = arith.constant 0 : index
    %get3A_39 = arith.constant 0 : index
    %get3A_40 = vector.load %arg2[%get3A_37, %get3A_38, %get3A_39] : memref<2x2000x16xf32, #tpu.memory_space<vmem>>, vector<1x2000x16xf32>
    %get3A_41 = vector.shape_cast %get3A_40 : vector<1x2000x16xf32> to vector<2000x16xf32>
    %get3A_42 = arith.constant 1 : index
    %get3A_43 = arith.constant 0 : index
    %get3A_44 = arith.constant 0 : index
    %get3A_45 = vector.load %arg2[%get3A_42, %get3A_43, %get3A_44] : memref<2x2000x16xf32, #tpu.memory_space<vmem>>, vector<1x2000x16xf32>
    %get3A_46 = vector.shape_cast %get3A_45 : vector<1x2000x16xf32> to vector<2000x16xf32>
    %add3A_47 = arith.addf %get3A_41, %get3A_46 : vector<2000x16xf32>
    %get3A_48 = arith.constant 0 : index
    %get3A_49 = arith.constant 0 : index
    %get3A_50 = vector.load %arg3[%get3A_48, %get3A_49] : memref<2000x8xf32, #tpu.memory_space<vmem>>, vector<2000x8xf32>
    %slice3A = vector.extract_strided_slice %add3A_47 {offsets = [0, 0], sizes = [2000, 8], strides = [1, 1]} : vector<2000x16xf32> to vector<2000x8xf32>
    %add3A_51 = arith.addf %get3A_50, %slice3A : vector<2000x8xf32>
    %dot_general3A = arith.constant dense<0.000000e+00> : vector<2000x8xf32>
    %dot_general3A_52 = tpu.matmul %add3A, %select_n3A_27, %dot_general3A {dimension_numbers = #tpu.dot_dimension_numbers<[1], [0], [0], [1], [0, 0, 1, 1], [], []>, precision = #tpu.contract_precision<fp32>, transpose_lhs_hint = false} : vector<2000x128xf32>, vector<128x8xf32>, vector<2000x8xf32> -> vector<2000x8xf32>
    %add3A_53 = arith.addf %add3A_51, %dot_general3A_52 : vector<2000x8xf32>
    %swap3A = arith.constant 0 : index
    %swap3A_54 = arith.constant 0 : index
    %swap3A_55 = vector.load %arg4[%swap3A, %swap3A_54] : memref<2000x8xf32, #tpu.memory_space<vmem>>, vector<2000x8xf32>
    tpu.vector_store %arg4[%swap3A, %swap3A_54], %add3A_53 {strides = array<i32>} : memref<2000x8xf32, #tpu.memory_space<vmem>>, vector<2000x8xf32>,
    return
  }
  func.func @transform_0(%arg0: i32) -> (i32, i32, i32) {
    %c0_i32 = arith.constant 0 : i32
    %c0_i32_0 = arith.constant 0 : i32
    %c0_i32_1 = arith.constant 0 : i32
    return %c0_i32, %arg0, %c0_i32_0 : i32, i32, i32
  }
  func.func @transform_1(%arg0: i32) -> (i32, i32, i32) {
    %c0_i32 = arith.constant 0 : i32
    %c0_i32_0 = arith.constant 0 : i32
    %c0_i32_1 = arith.constant 0 : i32
    return %c0_i32, %arg0, %c0_i32_0 : i32, i32, i32
  }
  func.func @transform_2(%arg0: i32) -> (i32, i32) {
    %c0_i32 = arith.constant 0 : i32
    %c0_i32_0 = arith.constant 0 : i32
    return %arg0, %c0_i32 : i32, i32
  }
  func.func @transform_3(%arg0: i32) -> (i32, i32) {
    %c0_i32 = arith.constant 0 : i32
    %c0_i32_0 = arith.constant 0 : i32
    return %arg0, %c0_i32 : i32, i32
  }
}

</mosaic_0001>

<sc_bundles>
// kernel: kernel.5.cloned.1.call-start
scs
__scs_entry_jumppad:
0x0: {  	(pc) =	sbr.rel $0x88, $3  }
0x1: {  	(tag) =	ssettag $0x0;
	lr =	simm.s32 $0x1  }
0x2: {  	[smem:$0x3F92] =	sst lr;
	_ =	strace $0xD0000000  }
0x3: {  	_ = 	snop  }
0x4: {  	_ = 	snop  }
0x5: {  	_ = 	snop  }
0x6: {  	_ = 	snop  }
0x7: {  	_ = 	snop  }
__scs_overlays_trampoline_lowered:
0x8: {  	[smem:$0x3FA1] =	sst s0  }
0x9: {  	[smem:$0x3FA2] =	sst s1  }
0xa: {  	[smem:$0x3FA3] =	sst s2  }
0xb: {  	[smem:$0x3FA4] =	sst s3  }
0xc: {  	[smem:$0x3FA5] =	sst s4  }
0xd: {  	[smem:$0x3FA6] =	sst s5  }
0xe: {  	[smem:$0x3FA7] =	sst s6  }
0xf: {  	[smem:$0x3FA8] =	sst s7  }
0x10: {  	[smem:$0x3FA9] =	sst s8  }
0x11: {  	[smem:$0x3FAA] =	sst s9;
	s0 =	simm.s32 @!p0 $0x0  }
0x12: {  	s1 =	sld [smem:$0x3F90];
	s0 =	simm.s32 @p0 $0x1  }
0x13: {  	[smem:$0x3FAB] =	sst s0;
	s0 =	simm.s32 @!p1 $0x0  }
0x14: {  	s2 =	sld [smem:$0x3F8F];
	s0 =	simm.s32 @p1 $0x1  }
0x15: {  	[smem:$0x3FAC] =	sst s0;
	s0 =	simm.s32 @!p2 $0x0  }
0x16: {  	s3 =	sld [smem:$0x3FDB];
	s0 =	simm.s32 @p2 $0x1  }
0x17: {  	s4 =	simm.s32 $0x1BF5;
	[smem:$0x3FAE] =	sst s0  }
0x18: {  	s0 =	sld [smem:$0x3F91];
	_ =	swait.ge [sflag:s4], $0x0  }
0x19: {  	s7 =	sld [smem:$0x3F92]  }
0x1a: {  	s8 =	sadd.s32 $0xFFFFE003, lr  }
0x1b: {  	s9 =	sadd.s32 $0xFFFFFEF7, lr;
	s5 =	simm.s32 $0xFFFFFFFF;
	p2 =	slt.u32 s8, $0xFFFFF086  }
0x1c: {  	p1 =	slt.u32 s9, $0xF7A;
	s5 =	simm.s32 @!p2 $0x0  }
0x1d: {  	s5 =	simm.s32 @p1 $0x1;
	p0 =	seq.s32 s7, s2  }
0x1e: {  	s7 =	smul.u32 @!p0 $0xF7A, s2;
	p2 =	seq.s32 @!p0 s5, $0x0  }
0x1f: {  	s9 =	smul.u32 $0xF7A, s1;
	s8 =	simm.s32 @!p0 $0x1BF5;
	p2 =	por !p2, p0  }
0x20: {  	[sflag:s8] =	ssyncset.s32 @!p0 $0xFFFFF086;
	s6 =	sadd.s32 @!p0 s3, s7;
	s7 =	simm.s32 @!p0 $0x108  }
0x21: {  	s3 =	sadd.s32 s3, s9;
	s6 =	sadd.s32 @!p0 $0x88, s6;
	s7 =	simm.s32 @p2 $0x1082  }
0x22: {  	[simem:s7], [sflag:s8] =	dma.local @!p0 [hbm:s6], $0xF7A  }
0x23: {  	s9 =	sor.u32 $0xD0000000, s2;
	s6 =	simm.s32 $0x108;
	_ =	swait.ge @!p0 [sflag:s8], $0x0  }
0x24: {  	s3 =	sadd.s32 $0x88, s3;
	s6 =	simm.s32 @!p1 $0x1082;
	[sflag:s4] =	ssyncset.s32 $0xFFFFF086  }
0x25: {  	[simem:s6], [sflag:s4] =	dma.local [hbm:s3], $0xF7A  }
0x26: {  	[smem:$0x3F92] =	sst s1;
	(tag) =	ssettag s2;
	_ =	strace s9  }
0x27: {  	s1 =	sld [smem:$0x3FA2]  }
0x28: {  	s2 =	sld [smem:$0x3FA3]  }
0x29: {  	s4 =	sld [smem:$0x3FA5]  }
0x2a: {  	p0 =	seq.s32 s5, $0x0;
	s5 =	sld [smem:$0x3FA6]  }
0x2b: {  	s6 =	sld [smem:$0x3FA7]  }
0x2c: {  	s7 =	sld [smem:$0x3FA8]  }
0x2d: {  	s3 =	simm.s32 $0x108;
	s8 =	sld [smem:$0x3FA9]  }
0x2e: {  	s3 =	simm.s32 @!p0 $0x1082;
	s9 =	sld [smem:$0x3FAA]  }
0x2f: {  	lr =	sadd.s32 s0, s3;
	s0 =	sld [smem:$0x3FA1]  }
0x30: {  	s3 =	sld [smem:$0x3FA4]  }
0x31: {  	[smem:$0x3FAD] =	sst s10  }
0x32: {  	s10 =	sld [smem:$0x3FAB];
	_ =	sdelay $0x3  }
0x33: {  	p0 =	seq.s32 s10, $0x1;
	s10 =	sld [smem:$0x3FAD];
	_ =	sdelay $0x3  }
0x34: {  	[smem:$0x3FAD] =	sst s10  }
0x35: {  	s10 =	sld [smem:$0x3FAC];
	_ =	sdelay $0x3  }
0x36: {  	p1 =	seq.s32 s10, $0x1;
	s10 =	sld [smem:$0x3FAD];
	_ =	sdelay $0x3  }
0x37: {  	[smem:$0x3FAD] =	sst s10  }
0x38: {  	s10 =	sld [smem:$0x3FAE]  }
0x39: {  	_ = 	snop;
	(pc) =	sbr.ind lr, $3  }
0x3a: {  	_ = 	snop  }
0x3b: {  	_ = 	snop  }
0x3c: {  	p2 =	seq.s32 s10, $0x1;
	s10 =	sld [smem:$0x3FAD]  }
0x3d: {  	_ =	shalt  }
0x3e: {  	_ =	shalt  }
0x3f: {  	_ =	shalt  }
0x40: {  	_ =	shalt  }
0x41: {  	_ =	shalt  }
0x42: {  	_ =	shalt  }
0x43: {  	_ =	shalt  }
0x44: {  	_ =	shalt  }
0x45: {  	_ =	shalt  }
0x46: {  	_ =	shalt  }
0x47: {  	_ =	shalt  }
0x48: {  	_ =	shalt  }
0x49: {  	_ =	shalt  }
0x4a: {  	_ =	shalt  }
0x4b: {  	_ =	shalt  }
0x4c: {  	_ =	shalt  }
0x4d: {  	_ =	shalt  }
0x4e: {  	_ =	shalt  }
0x4f: {  	_ =	shalt  }
0x50: {  	_ =	shalt  }
0x51: {  	_ =	shalt  }
0x52: {  	_ =	shalt  }
0x53: {  	_ =	shalt  }
0x54: {  	_ =	shalt  }
0x55: {  	_ =	shalt  }
0x56: {  	_ =	shalt  }
0x57: {  	_ =	shalt  }
0x58: {  	_ =	shalt  }
0x59: {  	_ =	shalt  }
0x5a: {  	_ =	shalt  }
0x5b: {  	_ =	shalt  }
0x5c: {  	_ =	shalt  }
0x5d: {  	_ =	shalt  }
0x5e: {  	_ =	shalt  }
0x5f: {  	_ =	shalt  }
0x60: {  	_ =	shalt  }
0x61: {  	_ =	shalt  }
0x62: {  	_ =	shalt  }
0x63: {  	_ =	shalt  }
0x64: {  	_ =	shalt  }
0x65: {  	_ =	shalt  }
0x66: {  	_ =	shalt  }
0x67: {  	_ =	shalt  }
0x68: {  	_ =	shalt  }
0x69: {  	_ =	shalt  }
0x6a: {  	_ =	shalt  }
0x6b: {  	_ =	shalt  }
0x6c: {  	_ =	shalt  }
0x6d: {  	_ =	shalt  }
0x6e: {  	_ =	shalt  }
0x6f: {  	_ =	shalt  }
0x70: {  	_ =	shalt  }
0x71: {  	_ =	shalt  }
0x72: {  	_ =	shalt  }
0x73: {  	_ =	shalt  }
0x74: {  	_ =	shalt  }
0x75: {  	_ =	shalt  }
0x76: {  	_ =	shalt  }
0x77: {  	_ =	shalt  }
0x78: {  	_ =	shalt  }
0x79: {  	_ =	shalt  }
0x7a: {  	_ =	shalt  }
0x7b: {  	_ =	shalt  }
0x7c: {  	_ =	shalt  }
0x7d: {  	_ =	shalt  }
0x7e: {  	_ =	shalt  }
0x7f: {  	_ =	shalt  }
0x80: {  	_ =	shalt  }
0x81: {  	_ =	shalt  }
0x82: {  	_ =	shalt  }
0x83: {  	_ =	shalt  }
0x84: {  	_ =	shalt  }
0x85: {  	_ =	shalt  }
0x86: {  	_ =	shalt  }
0x87: {  	_ =	shalt  }
.Lfunc_end0:
.L_simem_size_0:
called_computation_lowered:
.L_overlay_start_0:
0x88: {  	s2 =	sld [smem:$0x3FD9]  }
0x89: {  	s3 =	sld [smem:$0x3FFE];
	_ =	sdelay $0x1  }
0x8a: {  	s1 =	srdreg.scid  }
0x8b: {  	s0 =	sand.u32 $0x1, s1  }
0x8c: {  	s16 =	sshll.u32 s0, $0xA;
	s2 =	sadd.s32 s3, s2  }
0x8d: {  	s2 =	sadd.s32 s2, s16  }
0x8e: {  	[smem:$0x3FB9] =	sst s2  }
0x8f: {  	_ = 	snop  }
0x90: {  	(tm) =	ssettm $0x1  }
0x91: {  	s17 =	sld [smem:$0x3FFB];
	_ =	sdelay $0x3  }
0x92: {  	_ =	strace s17  }
0x93: {  	s2 =	sld [smem:$0x3FFC];
	_ =	sdelay $0x3  }
0x94: {  	_ =	strace s2  }
0x95: {  	s2 =	sld [smem:$0x3FFD];
	_ =	sdelay $0x3  }
0x96: {  	_ =	strace s2  }
0x97: {  	_ =	strace $0x8FFFFFFF  }
0x98: {  	s18 =	sld [smem:$0x3FDB];
	_ =	sdelay $0x1  }
0x99: {  	s19 =	simm.s32 $_scs_section_size  }
0x9a: {  	s4 =	simm.s32 $_size__tile_overlayer_lowered;
	s5 =	simm.s32 $_tile_overlayer_lowered  }
0x9b: {  	s22 =	simm.s32 $0x1BFF;
	s21 =	sshll.u32 s5, $0x1;
	s2 =	sadd.s32 s19, s18  }
0x9c: {  	s6 =	simm.s32 $0x0;
	s20 =	sshll.u32 s4, $0x1;
	s4 =	sadd.s32 s21, s2  }
0x9d: {  	[timem:s6], [sflag:s22] =	dma.local [hbm:s4], s20  }
0x9e: {  	_ =	swait.ge [sflag:s22], s20  }
0x9f: {  	s3 =	ssub.s32 $0x0, s20;
	[sflag:s22] =	ssyncset.done $0x0  }
0xa0: {  	[sflag:s22] =	ssyncadd.s32 s3;
	_ =	sdelay $0x1  }
0xa1: {  	s23 =	simm.s32 $0x1B8B  }
0xa2: {  	_ =	swait.ge [sflag:s23], $0x1  }
0xa3: {  	[sflag:s23] =	ssyncset.done $0x0  }
0xa4: {  	s25 =	simm.s32 $0x1B8E;
	s24 =	sld [smem:$0x3FFE];
	[sflag:s23] =	ssyncadd.s32 $0xFFFFFFFF  }
0xa5: {  	s26 =	simm.s32 $execute0_lowered;
	[smem:$0x3FD2] =	sst s25  }
0xa6: {  	s4 =	sshll.u32 s26, $0x1;
	_ =	strace $0x80000046;
	[dreg:$0x1] =	wrdreg $0xFFFFFFFF  }
0xa7: {  	s28 =	simm.s32 $_size_execute0_lowered;
	s2 =	sadd.s32 s2, s4;
	[dreg:$0x0] =	wrdreg $0x0  }
0xa8: {  	s4 =	sshll.u32 s28, $0x1;
	[dreg:$0x2] =	wrdreg s2  }
0xa9: {  	[dreg:$0x3] =	wrdreg s4  }
0xaa: {  	[dreg:$0x4] =	wrdreg $0xC0  }
0xab: {  	_ =	task [dreg:s6], $0x5FFFF  }
0xac: {  	[dreg:$0x1] =	wrdreg $0xFFFFFFFF  }
0xad: {  	[dreg:$0x0] =	wrdreg $0x60  }
0xae: {  	[dreg:$0x2] =	wrdreg s24  }
0xaf: {  	[dreg:$0x3] =	wrdreg $0x0  }
0xb0: {  	[dreg:$0x4] =	wrdreg $0x140000  }
0xb1: {  	[dreg:$0x5] =	wrdreg $0x9  }
0xb2: {  	_ =	task.clear_ibuf [dreg:s6], $0x6FFFF;
	_ =	strace $0x90000046  }
0xb3: {  	s29 =	simm.s32 $0x9;
	_ =	strace $0x80000048  }
0xb4: {  	_ =	swait.ge [sflag:s29], $0x1  }
0xb5: {  	[sflag:s29] =	ssyncadd.s32 $0xFFFFFFFF  }
0xb6: {  	_ =	strace $0x90000048  }
0xb7: {  	_ =	sfence  }
0xb8: {  	s30 =	sld [smem:$0x0];
	_ =	sdelay $0x2  }
0xb9: {  	s31 =	sshll.u32 s1, $0xD;
	s1 =	sshrl.u32 s1, $0x2  }
0xba: {  	s3 =	sand.u32 $0x4000, s31;
	s1 =	sadd.s32 s1, s30  }
0xbb: {  	s0 =	sor.u32 s3, s0;
	s1 =	sshll.u32 s1, $0x11  }
0xbc: {  	s0 =	sor.u32 s1, s0  }
0xbd: {  	s0 =	sadd.s32 $0x8F2B, s0  }
0xbe: {  	[sflag:s0] =	ssyncadd.remote.s32 $0x1  }
0xbf: {  	_ =	sfence.sel $0xFFFF  }
0xc0: {  	[dreg:$0x0] =	wrdreg $0xFFFFFFFF;
	(pc) =	sbr.abs _section_cstart, $3  }
0xc1: {  	[dreg:$0x1] =	wrdreg $0xFFFFFFFF  }
0xc2: {  	_ =	task.clear_ibuf [dreg:s6], $0x2FFFF;
	_ =	strace $0x9FFFFFFF  }
0xc3: {  	(tm) =	ssettm $0x7FFFFFFF  }
tec
execute0_lowered:
.L_overlay_start_1:
0x0: {  	(tag) =	ssettag $0x1  }
0x1: {  	s8 =	rddreg [dreg:$0x0]  }
0x2: {  	s0 =	srdreg.scid;
	s2 =	rddreg [dreg:$0x1]  }
0x3: {  	s13 =	stileid.u32;
	s3 =	rddreg [dreg:$0x2]  }
0x4: {  	s4 =	simm.s32 $0x0;
	s28 =	simm.s32 $0x1EC80;
	s29 =	simm.s32 $0x16800  }
0x5: {  	s30 =	simm.s32 $0x32;
	s31 =	simm.s32 $0x1A040;
	s14 =	smul.u32 $0x14000, s13  }
0x6: {  	s1 =	sand.u32 $0x1, s0;
	s21 =	sshll.u32 s13, $0x1;
	s15 =	smul.u32 $0x2800, s13  }
0x7: {  	[smem:$0x7FF] =	sst s4;
	s5 =	sadd.s32 $0x1600, s8;
	s13 =	smul.u32 $0x280, s13  }
0x8: {  	s6 =	sadd.s32 $0x28800, s8;
	s0 =	sor.u32 s1, s21;
	s7 =	smul.u32 $0x140000, s1  }
0x9: {  	_ =	strace $0x80000047;
	s12 =	smul.u32 $0x28000, s1;
	s24 =	ssub.s32 $0x2, s1  }
0xa: {  	s9 =	smul.u32 $0x2BC, s0;
	s16 =	sshrl.u32 s24, $0x1;
	s26 =	sor.u32 $0x28, s13  }
0xb: {  	s17 =	sor.u32 $0x50, s13;
	s20 =	sor.u32 $0x78, s13;
	s11 =	sadd.s32 s14, s7  }
0xc: {  	s7 =	sadd.s32 $0x29E800, s8;
	s23 =	sadd.s32 s15, s12;
	s12 =	ssub.s32 s24, s16  }
0xd: {  	s16 =	sshll.u32 s26, $0x4;
	s18 =	sshll.u32 s17, $0x7;
	s21 =	sshll.u32 s20, $0x7  }
0xe: {  	s10 =	sadd.s32 s9, s8;
	s22 =	sshrl.u32 s11, $0x3;
	s25 =	sshrl.u32 s23, $0x3  }
0xf: {  	s9 =	sadd.s32 s15, s3;
	s15 =	sshll.u32 s26, $0x7;
	s1 =	sadd.s32 s22, s8  }
0x10: {  	s11 =	sadd.s32 s25, s8;
	s8 =	sadd.s32 s14, s2;
	s14 =	sadd.s32 s15, s2  }
0x11: {  	s15 =	sshll.u32 s17, $0x4;
	s22 =	sadd.s32 $0xA0, s13;
	s25 =	sadd.s32 $0xC8, s13  }
0x12: {  	[dreg:$0x4] =	wrdreg s14;
	s14 =	sadd.s32 s16, s3;
	s19 =	sadd.s32 s15, s3  }
0x13: {  	s15 =	sadd.s32 s21, s2;
	s23 =	sshll.u32 s22, $0x7;
	s24 =	sshll.u32 s22, $0x4  }
0x14: {  	s26 =	sshll.u32 s25, $0x7;
	s16 =	sadd.s32 $0xF0, s13;
	[dreg:$0x5] =	wrdreg s14  }
0x15: {  	s21 =	sadd.s32 $0x140, s13;
	s14 =	sadd.s32 s18, s2;
	[dreg:$0x7] =	wrdreg s19  }
0x16: {  	[dreg:$0x8] =	wrdreg s15;
	s15 =	sshll.u32 s25, $0x4;
	s17 =	sshll.u32 s16, $0x7  }
0x17: {  	s18 =	sadd.s32 $0x118, s13;
	s22 =	sshll.u32 s21, $0x7;
	[dreg:$0x6] =	wrdreg s14  }
0x18: {  	s14 =	sshll.u32 s20, $0x4;
	s15 =	sadd.s32 s15, s3;
	s19 =	sshll.u32 s18, $0x7  }
0x19: {  	s20 =	sshll.u32 s18, $0x4;
	s14 =	sadd.s32 s14, s3;
	[dreg:$0xd] =	wrdreg s15  }
0x1a: {  	s15 =	sadd.s32 s17, s2;
	s17 =	sadd.s32 $0x1B8, s13;
	[dreg:$0x9] =	wrdreg s14  }
0x1b: {  	s14 =	sadd.s32 s23, s2;
	[dreg:$0xe] =	wrdreg s15;
	s15 =	sshll.u32 s21, $0x4  }
0x1c: {  	s18 =	sshll.u32 s17, $0x7;
	[dreg:$0xa] =	wrdreg s14;
	s14 =	sadd.s32 s24, s3  }
0x1d: {  	s23 =	sadd.s32 s15, s3;
	s24 =	sadd.s32 $0x168, s13;
	[dreg:$0xb] =	wrdreg s14  }
0x1e: {  	s14 =	sadd.s32 s26, s2;
	[dreg:$0x13] =	wrdreg s23;
	s25 =	sshll.u32 s24, $0x7  }
0x1f: {  	s26 =	sadd.s32 $0x190, s13;
	[dreg:$0xc] =	wrdreg s14;
	s14 =	sshll.u32 s16, $0x4  }
0x20: {  	s15 =	sadd.s32 s25, s2;
	s16 =	sshll.u32 s26, $0x4;
	s25 =	sadd.s32 $0x230, s13  }
0x21: {  	s14 =	sadd.s32 s14, s3;
	[dreg:$0x14] =	wrdreg s15;
	s15 =	sshll.u32 s26, $0x7  }
0x22: {  	s26 =	sshll.u32 s25, $0x7;
	[dreg:$0xf] =	wrdreg s14;
	s14 =	sadd.s32 s19, s2  }
0x23: {  	[dreg:$0x10] =	wrdreg s14;
	s14 =	sadd.s32 s20, s3;
	s20 =	sadd.s32 $0x1E0, s13  }
0x24: {  	[dreg:$0x11] =	wrdreg s14;
	s14 =	sadd.s32 s22, s2;
	s21 =	sshll.u32 s20, $0x7  }
0x25: {  	s22 =	sadd.s32 $0x208, s13;
	[dreg:$0x12] =	wrdreg s14;
	s14 =	sshll.u32 s24, $0x4  }
0x26: {  	s13 =	sadd.s32 $0x258, s13;
	s23 =	sshll.u32 s22, $0x7;
	s14 =	sadd.s32 s14, s3  }
0x27: {  	s24 =	sshll.u32 s22, $0x4;
	[dreg:$0x15] =	wrdreg s14;
	s14 =	sadd.s32 s15, s2  }
0x28: {  	s15 =	sshll.u32 s17, $0x4;
	[dreg:$0x16] =	wrdreg s14;
	s14 =	sadd.s32 s16, s3  }
0x29: {  	s17 =	smul.u32 $0xFFFEC780, s0;
	s19 =	sadd.s32 s15, s3;
	[dreg:$0x17] =	wrdreg s14  }
0x2a: {  	s15 =	sadd.s32 s21, s2;
	s16 =	sshll.u32 s13, $0x7;
	[dreg:$0x19] =	wrdreg s19  }
0x2b: {  	s13 =	sshll.u32 s13, $0x4;
	s14 =	sadd.s32 s18, s2;
	[dreg:$0x1a] =	wrdreg s15  }
0x2c: {  	s15 =	sshll.u32 s25, $0x4;
	s13 =	sadd.s32 s13, s3;
	[dreg:$0x18] =	wrdreg s14  }
0x2d: {  	s18 =	smul.u32 $0x2710, s0;
	s25 =	sadd.s32 $0x38800, s11;
	[smem:$0x7F6] =	sst s13  }
0x2e: {  	s21 =	sadd.s32 $0x270CE0, s17;
	s15 =	sadd.s32 s15, s3;
	[smem:$0x7FC] =	sst s25  }
0x2f: {  	s14 =	sshll.u32 s20, $0x4;
	s20 =	sadd.s32 $0x2D800, s10;
	[dreg:$0x1f] =	wrdreg s15  }
0x30: {  	s19 =	smul.u32 $0x1388, s0;
	s10 =	sadd.s32 $0x33000, s10;
	[smem:$0x7F7] =	sst s20  }
0x31: {  	s11 =	simm.s32 $0x1B940;
	s14 =	sadd.s32 s14, s3;
	[smem:$0x7F8] =	sst s10  }
0x32: {  	s25 =	simm.s32 $0x1D880;
	s22 =	sadd.s32 s7, s18;
	[dreg:$0x1b] =	wrdreg s14  }
0x33: {  	s13 =	simm.s32 $0x1;
	s14 =	sadd.s32 s23, s2;
	[smem:$0x7F9] =	sst s22  }
0x34: {  	s23 =	sshrl.u32 s21, $0x3;
	[dreg:$0x1c] =	wrdreg s14;
	s14 =	sadd.s32 s24, s3  }
0x35: {  	s10 =	simm.s32 $0x19D20;
	s0 =	sadd.s32 s7, s23;
	[dreg:$0x1d] =	wrdreg s14  }
0x36: {  	s15 =	simm.s32 $0x0;
	s24 =	sadd.s32 $0x42800, s1;
	[smem:$0x7FA] =	sst s0  }
0x37: {  	s1 =	simm.s32 $0x1D240;
	s14 =	sadd.s32 s26, s2;
	[smem:$0x7FB] =	sst s24  }
0x38: {  	s26 =	smax.u32 s12, $0x1;
	s0 =	simm.s32 $0x196E0;
	[dreg:$0x1e] =	wrdreg s14  }
0x39: {  	s12 =	simm.s32 $0x1D560;
	s14 =	sadd.s32 s16, s2;
	[smem:$0x7FD] =	sst s26  }
0x3a: {  	v0 =	vimm.f32 $0.0e+00;
	s26 =	simm.s32 $0x3;
	[smem:$0x7F5] =	sst s14;
	s14 =	simm.s32 $0x2  }
.LBB2_1:
0x3b: {  	s16 =	simm.s32 $0x1D8C0  }
0x3c: {  	[tilespmem:s16+$0xFFFFFFD0] =	vst v0  }
0x3d: {  	[tilespmem:s16+$0xFFFFFFE0] =	vst v0  }
0x3e: {  	[tilespmem:s16+$0xFFFFFFF0] =	vst v0  }
0x3f: {  	[tilespmem:s16+$0x0] =	vst v0  }
0x40: {  	[tilespmem:s16+$0x10] =	vst v0  }
0x41: {  	[tilespmem:s16+$0x20] =	vst v0  }
0x42: {  	[tilespmem:s16+$0x30] =	vst v0  }
0x43: {  	s18 =	simm.s32 $0x0;
	s17 =	simm.s32 $0x40;
	[tilespmem:s16+$0xFFFFFFC0] =	vst v0  }
.LBB2_2:
0x44: {  	p0 =	sne.s32 s17, $0x9C0;
	[tilespmem:s18+$0x1EC80] =	vst v0;
	s16 =	sadd.s32 $0x80, s16  }
0x45: {  	[tilespmem:s16+$0xFFFFFFD0] =	vst v0  }
0x46: {  	[tilespmem:s16+$0xFFFFFFE0] =	vst v0  }
0x47: {  	[tilespmem:s16+$0xFFFFFFF0] =	vst v0  }
.Ltmp0:
0x48: {  	[tilespmem:s16+$0x0] =	vst v0;
	(pc) =	sbr.rel @p0 .LBB2_2-.Ltmp0, $4  }
0x49: {  	[tilespmem:s16+$0x10] =	vst v0  }
0x4a: {  	[tilespmem:s16+$0x20] =	vst v0  }
0x4b: {  	[tilespmem:s16+$0x30] =	vst v0  }
0x4c: {  	s18 =	sshra.s32 s17, $0x2;
	s17 =	sadd.s32 $0x40, s17;
	[tilespmem:s16+$0xFFFFFFC0] =	vst v0  }
0x4d: {  	[tilespmem:s18+$0x1EC80] =	vst v0  }
0x4e: {  	[spmem:s8] =	stream.linear.scatter [tilespmem:s25], [sflag:$0x3], $0x1400, $0x38;
	[tilespmem:$0x1EF00] =	vst v63  }
0x4f: {  	_ =	swait.ge [sflag:s26], $0x1400  }
0x50: {  	[sflag:s26] =	ssyncset.done $0x0  }
0x51: {  	[sflag:s26] =	ssyncadd.s32 $0xFFFFEC00  }
0x52: {  	[spmem:s9] =	stream.linear.scatter [tilespmem:s28], [sflag:$0x3], $0x280, $0x38;
	[tilespmem:$0x1EF00] =	vst v63  }
0x53: {  	_ =	swait.ge [sflag:s26], $0x280  }
0x54: {  	[sflag:s26] =	ssyncset.done $0x0  }
0x55: {  	s16 =	rddreg [dreg:$0x4];
	[sflag:s26] =	ssyncadd.s32 $0xFFFFFD80  }
0x56: {  	[spmem:s16] =	stream.linear.scatter [tilespmem:s25], [sflag:$0x3], $0x1400, $0x38;
	[tilespmem:$0x1EF00] =	vst v63  }
0x57: {  	_ =	swait.ge [sflag:s26], $0x1400  }
0x58: {  	[sflag:s26] =	ssyncset.done $0x0  }
0x59: {  	s17 =	rddreg [dreg:$0x5];
	[sflag:s26] =	ssyncadd.s32 $0xFFFFEC00  }
0x5a: {  	[spmem:s17] =	stream.linear.scatter [tilespmem:s28], [sflag:$0x3], $0x280, $0x38;
	[tilespmem:$0x1EF00] =	vst v63  }
0x5b: {  	_ =	swait.ge [sflag:s26], $0x280  }
0x5c: {  	[sflag:s26] =	ssyncset.done $0x0  }
0x5d: {  	s18 =	rddreg [dreg:$0x6];
	[sflag:s26] =	ssyncadd.s32 $0xFFFFFD80  }
0x5e: {  	[spmem:s18] =	stream.linear.scatter [tilespmem:s25], [sflag:$0x3], $0x1400, $0x38;
	[tilespmem:$0x1EF00] =	vst v63  }
0x5f: {  	_ =	swait.ge [sflag:s26], $0x1400  }
0x60: {  	[sflag:s26] =	ssyncset.done $0x0  }
0x61: {  	s20 =	rddreg [dreg:$0x7];
	[sflag:s26] =	ssyncadd.s32 $0xFFFFEC00  }
0x62: {  	[spmem:s20] =	stream.linear.scatter [tilespmem:s28], [sflag:$0x3], $0x280, $0x38;
	[tilespmem:$0x1EF00] =	vst v63  }
0x63: {  	_ =	swait.ge [sflag:s26], $0x280  }
0x64: {  	[sflag:s26] =	ssyncset.done $0x0  }
0x65: {  	s21 =	rddreg [dreg:$0x8];
	[sflag:s26] =	ssyncadd.s32 $0xFFFFFD80  }
0x66: {  	[spmem:s21] =	stream.linear.scatter [tilespmem:s25], [sflag:$0x3], $0x1400, $0x38;
	[tilespmem:$0x1EF00] =	vst v63  }
0x67: {  	_ =	swait.ge [sflag:s26], $0x1400  }
0x68: {  	[sflag:s26] =	ssyncset.done $0x0  }
0x69: {  	s22 =	rddreg [dreg:$0x9];
	[sflag:s26] =	ssyncadd.s32 $0xFFFFEC00  }
0x6a: {  	[spmem:s22] =	stream.linear.scatter [tilespmem:s28], [sflag:$0x3], $0x280, $0x38;
	[tilespmem:$0x1EF00] =	vst v63  }
0x6b: {  	_ =	swait.ge [sflag:s26], $0x280  }
0x6c: {  	[sflag:s26] =	ssyncset.done $0x0  }
0x6d: {  	s23 =	rddreg [dreg:$0xa];
	[sflag:s26] =	ssyncadd.s32 $0xFFFFFD80  }
0x6e: {  	[spmem:s23] =	stream.linear.scatter [tilespmem:s25], [sflag:$0x3], $0x1400, $0x38;
	[tilespmem:$0x1EF00] =	vst v63  }
0x6f: {  	_ =	swait.ge [sflag:s26], $0x1400  }
0x70: {  	[sflag:s26] =	ssyncset.done $0x0  }
0x71: {  	s24 =	rddreg [dreg:$0xb];
	[sflag:s26] =	ssyncadd.s32 $0xFFFFEC00  }
0x72: {  	[spmem:s24] =	stream.linear.scatter [tilespmem:s28], [sflag:$0x3], $0x280, $0x38;
	[tilespmem:$0x1EF00] =	vst v63  }
0x73: {  	_ =	swait.ge [sflag:s26], $0x280  }
0x74: {  	[sflag:s26] =	ssyncset.done $0x0  }
0x75: {  	s17 =	rddreg [dreg:$0xc];
	[sflag:s26] =	ssyncadd.s32 $0xFFFFFD80  }
0x76: {  	[spmem:s17] =	stream.linear.scatter [tilespmem:s25], [sflag:$0x3], $0x1400, $0x38;
	[tilespmem:$0x1EF00] =	vst v63  }
0x77: {  	_ =	swait.ge [sflag:s26], $0x1400  }
0x78: {  	[sflag:s26] =	ssyncset.done $0x0  }
0x79: {  	s18 =	rddreg [dreg:$0xd];
	[sflag:s26] =	ssyncadd.s32 $0xFFFFEC00  }
0x7a: {  	[spmem:s18] =	stream.linear.scatter [tilespmem:s28], [sflag:$0x3], $0x280, $0x38;
	[tilespmem:$0x1EF00] =	vst v63  }
0x7b: {  	_ =	swait.ge [sflag:s26], $0x280  }
0x7c: {  	[sflag:s26] =	ssyncset.done $0x0  }
0x7d: {  	s20 =	rddreg [dreg:$0xe];
	[sflag:s26] =	ssyncadd.s32 $0xFFFFFD80  }
0x7e: {  	[spmem:s20] =	stream.linear.scatter [tilespmem:s25], [sflag:$0x3], $0x1400, $0x38;
	[tilespmem:$0x1EF00] =	vst v63  }
0x7f: {  	_ =	swait.ge [sflag:s26], $0x1400  }
0x80: {  	[sflag:s26] =	ssyncset.done $0x0  }
0x81: {  	s21 =	rddreg [dreg:$0xf];
	[sflag:s26] =	ssyncadd.s32 $0xFFFFEC00  }
0x82: {  	[spmem:s21] =	stream.linear.scatter [tilespmem:s28], [sflag:$0x3], $0x280, $0x38;
	[tilespmem:$0x1EF00] =	vst v63  }
0x83: {  	_ =	swait.ge [sflag:s26], $0x280  }
0x84: {  	[sflag:s26] =	ssyncset.done $0x0  }
0x85: {  	s22 =	rddreg [dreg:$0x10];
	[sflag:s26] =	ssyncadd.s32 $0xFFFFFD80  }
0x86: {  	[spmem:s22] =	stream.linear.scatter [tilespmem:s25], [sflag:$0x3], $0x1400, $0x38;
	[tilespmem:$0x1EF00] =	vst v63  }
0x87: {  	_ =	swait.ge [sflag:s26], $0x1400  }
0x88: {  	[sflag:s26] =	ssyncset.done $0x0  }
0x89: {  	s23 =	rddreg [dreg:$0x11];
	[sflag:s26] =	ssyncadd.s32 $0xFFFFEC00  }
0x8a: {  	[spmem:s23] =	stream.linear.scatter [tilespmem:s28], [sflag:$0x3], $0x280, $0x38;
	[tilespmem:$0x1EF00] =	vst v63  }
0x8b: {  	_ =	swait.ge [sflag:s26], $0x280  }
0x8c: {  	[sflag:s26] =	ssyncset.done $0x0  }
0x8d: {  	s24 =	rddreg [dreg:$0x12];
	[sflag:s26] =	ssyncadd.s32 $0xFFFFFD80  }
0x8e: {  	[spmem:s24] =	stream.linear.scatter [tilespmem:s25], [sflag:$0x3], $0x1400, $0x38;
	[tilespmem:$0x1EF00] =	vst v63  }
0x8f: {  	_ =	swait.ge [sflag:s26], $0x1400  }
0x90: {  	[sflag:s26] =	ssyncset.done $0x0  }
0x91: {  	s17 =	rddreg [dreg:$0x13];
	[sflag:s26] =	ssyncadd.s32 $0xFFFFEC00  }
0x92: {  	[spmem:s17] =	stream.linear.scatter [tilespmem:s28], [sflag:$0x3], $0x280, $0x38;
	[tilespmem:$0x1EF00] =	vst v63  }
0x93: {  	_ =	swait.ge [sflag:s26], $0x280  }
0x94: {  	[sflag:s26] =	ssyncset.done $0x0  }
0x95: {  	s18 =	rddreg [dreg:$0x14];
	[sflag:s26] =	ssyncadd.s32 $0xFFFFFD80  }
0x96: {  	[spmem:s18] =	stream.linear.scatter [tilespmem:s25], [sflag:$0x3], $0x1400, $0x38;
	[tilespmem:$0x1EF00] =	vst v63  }
0x97: {  	_ =	swait.ge [sflag:s26], $0x1400  }
0x98: {  	[sflag:s26] =	ssyncset.done $0x0  }
0x99: {  	s20 =	rddreg [dreg:$0x15];
	[sflag:s26] =	ssyncadd.s32 $0xFFFFEC00  }
0x9a: {  	[spmem:s20] =	stream.linear.scatter [tilespmem:s28], [sflag:$0x3], $0x280, $0x38;
	[tilespmem:$0x1EF00] =	vst v63  }
0x9b: {  	_ =	swait.ge [sflag:s26], $0x280  }
0x9c: {  	[sflag:s26] =	ssyncset.done $0x0  }
0x9d: {  	s21 =	rddreg [dreg:$0x16];
	[sflag:s26] =	ssyncadd.s32 $0xFFFFFD80  }
0x9e: {  	[spmem:s21] =	stream.linear.scatter [tilespmem:s25], [sflag:$0x3], $0x1400, $0x38;
	[tilespmem:$0x1EF00] =	vst v63  }
0x9f: {  	_ =	swait.ge [sflag:s26], $0x1400  }
0xa0: {  	[sflag:s26] =	ssyncset.done $0x0  }
0xa1: {  	s22 =	rddreg [dreg:$0x17];
	[sflag:s26] =	ssyncadd.s32 $0xFFFFEC00  }
0xa2: {  	[spmem:s22] =	stream.linear.scatter [tilespmem:s28], [sflag:$0x3], $0x280, $0x38;
	[tilespmem:$0x1EF00] =	vst v63  }
0xa3: {  	_ =	swait.ge [sflag:s26], $0x280  }
0xa4: {  	[sflag:s26] =	ssyncset.done $0x0  }
0xa5: {  	s23 =	rddreg [dreg:$0x18];
	[sflag:s26] =	ssyncadd.s32 $0xFFFFFD80  }
0xa6: {  	[spmem:s23] =	stream.linear.scatter [tilespmem:s25], [sflag:$0x3], $0x1400, $0x38;
	[tilespmem:$0x1EF00] =	vst v63  }
0xa7: {  	_ =	swait.ge [sflag:s26], $0x1400  }
0xa8: {  	[sflag:s26] =	ssyncset.done $0x0  }
0xa9: {  	s24 =	rddreg [dreg:$0x19];
	[sflag:s26] =	ssyncadd.s32 $0xFFFFEC00  }
0xaa: {  	[spmem:s24] =	stream.linear.scatter [tilespmem:s28], [sflag:$0x3], $0x280, $0x38;
	[tilespmem:$0x1EF00] =	vst v63  }
0xab: {  	_ =	swait.ge [sflag:s26], $0x280  }
0xac: {  	[sflag:s26] =	ssyncset.done $0x0  }
0xad: {  	s17 =	rddreg [dreg:$0x1a];
	[sflag:s26] =	ssyncadd.s32 $0xFFFFFD80  }
0xae: {  	[spmem:s17] =	stream.linear.scatter [tilespmem:s25], [sflag:$0x3], $0x1400, $0x38;
	[tilespmem:$0x1EF00] =	vst v63  }
0xaf: {  	_ =	swait.ge [sflag:s26], $0x1400  }
0xb0: {  	[sflag:s26] =	ssyncset.done $0x0  }
0xb1: {  	s18 =	rddreg [dreg:$0x1b];
	[sflag:s26] =	ssyncadd.s32 $0xFFFFEC00  }
0xb2: {  	[spmem:s18] =	stream.linear.scatter [tilespmem:s28], [sflag:$0x3], $0x280, $0x38;
	[tilespmem:$0x1EF00] =	vst v63  }
0xb3: {  	_ =	swait.ge [sflag:s26], $0x280  }
0xb4: {  	[sflag:s26] =	ssyncset.done $0x0  }
0xb5: {  	s20 =	rddreg [dreg:$0x1c];
	[sflag:s26] =	ssyncadd.s32 $0xFFFFFD80  }
0xb6: {  	[spmem:s20] =	stream.linear.scatter [tilespmem:s25], [sflag:$0x3], $0x1400, $0x38;
	[tilespmem:$0x1EF00] =	vst v63  }
0xb7: {  	_ =	swait.ge [sflag:s26], $0x1400  }
0xb8: {  	[sflag:s26] =	ssyncset.done $0x0  }
0xb9: {  	s21 =	rddreg [dreg:$0x1d];
	[sflag:s26] =	ssyncadd.s32 $0xFFFFEC00  }
0xba: {  	[spmem:s21] =	stream.linear.scatter [tilespmem:s28], [sflag:$0x3], $0x280, $0x38;
	[tilespmem:$0x1EF00] =	vst v63  }
0xbb: {  	_ =	swait.ge [sflag:s26], $0x280  }
0xbc: {  	[sflag:s26] =	ssyncset.done $0x0  }
0xbd: {  	s22 =	rddreg [dreg:$0x1e];
	[sflag:s26] =	ssyncadd.s32 $0xFFFFFD80  }
0xbe: {  	[spmem:s22] =	stream.linear.scatter [tilespmem:s25], [sflag:$0x3], $0x1400, $0x38;
	[tilespmem:$0x1EF00] =	vst v63  }
0xbf: {  	_ =	swait.ge [sflag:s26], $0x1400  }
0xc0: {  	[sflag:s26] =	ssyncset.done $0x0  }
0xc1: {  	s23 =	rddreg [dreg:$0x1f];
	[sflag:s26] =	ssyncadd.s32 $0xFFFFEC00  }
0xc2: {  	[spmem:s23] =	stream.linear.scatter [tilespmem:s28], [sflag:$0x3], $0x280, $0x38;
	[tilespmem:$0x1EF00] =	vst v63  }
0xc3: {  	_ =	swait.ge [sflag:s26], $0x280  }
0xc4: {  	s24 =	sld [smem:$0x7F5]  }
0xc5: {  	[sflag:s26] =	ssyncset.done $0x0  }
0xc6: {  	[sflag:s26] =	ssyncadd.s32 $0xFFFFFD80  }
0xc7: {  	[spmem:s24] =	stream.linear.scatter [tilespmem:s25], [sflag:$0x3], $0x1400, $0x38;
	[tilespmem:$0x1EF00] =	vst v63  }
0xc8: {  	_ =	swait.ge [sflag:s26], $0x1400  }
0xc9: {  	s17 =	sld [smem:$0x7F6]  }
0xca: {  	[sflag:s26] =	ssyncset.done $0x0  }
0xcb: {  	[sflag:s26] =	ssyncadd.s32 $0xFFFFEC00  }
0xcc: {  	[spmem:s17] =	stream.linear.scatter [tilespmem:s28], [sflag:$0x3], $0x280, $0x38;
	[tilespmem:$0x1EF00] =	vst v63  }
0xcd: {  	_ =	swait.ge [sflag:s26], $0x280  }
0xce: {  	[sflag:s26] =	ssyncset.done $0x0  }
0xcf: {  	[sflag:s26] =	ssyncadd.s32 $0xFFFFFD80  }
0xd0: {  	[bflag:$0x0] =	sbarrier.arrive $0xFFFF  }
0xd1: {  	s17 =	sld [smem:$0x7F7];
	_ =	sdelay $0x1  }
0xd2: {  	s16 =	simm.s32 $0x0  }
0xd3: {  	[tilespmem:s29], [sflag:$0x3] =	stream.linear.gather [hbm4b:s17+s16], $0x15E0, $0x38;
	[tilespmem:$0x1EF00] =	vst v63  }
0xd4: {  	_ =	swait.ge [sflag:s26], $0x15E0  }
0xd5: {  	s18 =	sld [smem:$0x7F8]  }
0xd6: {  	[sflag:s26] =	ssyncset.done $0x0  }
0xd7: {  	s20 =	simm.s32 $0x17DE0;
	[sflag:s26] =	ssyncadd.s32 $0xFFFFEA20  }
0xd8: {  	[tilespmem:s20], [sflag:$0x3] =	stream.linear.gather [hbm4b:s18+s16], $0x15E0, $0x38;
	[tilespmem:$0x1EF00] =	vst v63  }
0xd9: {  	_ =	swait.ge [sflag:s26], $0x15E0  }
0xda: {  	s21 =	sld [smem:$0x7F9]  }
0xdb: {  	[sflag:s26] =	ssyncset.done $0x0  }
0xdc: {  	s22 =	simm.s32 $0x193C0;
	s23 =	sld [smem:$0x7FA];
	[sflag:s26] =	ssyncadd.s32 $0xFFFFEA20  }
0xdd: {  	[tilespmem:s22], [sflag:$0x1] =	stream.linear.gather [hbm4b:s21+s16], $0x320, $0x38;
	[tilespmem:$0x1EF00] =	vst v63  }
0xde: {  	s24 =	simm.s32 $0x19A00  }
0xdf: {  	[tilespmem:s24], [sflag:$0x1] =	stream.linear.gather [hbm4b:s23+s16], $0x320, $0x38;
	[tilespmem:$0x1EF00] =	vst v63  }
0xe0: {  	_ = 	snop  }
0xe1: {  	[tilespmem:s31], [sflag:$0x1] =	stream.indirect.gather [hbm4b:s5+s30], $0x80, s29, s30, $0xb8;
	[tilespmem:$0x1EF00] =	vst v63  }
0xe2: {  	_ = 	snop  }
0xe3: {  	[tilespmem:s1], [sflag:$0x1] =	stream.indirect.gather [hbm4b:s6+s30], $0x10, s29, s30, $0xb8;
	[tilespmem:$0x1EF00] =	vst v63  }
.LBB2_4:
0xe4: {  	s17 =	sshllo.u32 s16, $0x1  }
0xe5: {  	s18 =	smul.u32 $0x32, s17;
	_ =	sdelay $0x1  }
0xe6: {  	s18 =	sadd.s32 s19, s18  }
0xe7: {  	s20 =	sshll.u32 s18, $0x1;
	s18 =	sshll.u32 s18, $0x4  }
0xe8: {  	s20 =	sand.u32 $0x1FFFFFFC, s20;
	s18 =	ssub.s32 $0x270CE0, s18  }
0xe9: {  	s17 =	smul.u32 $0xE0, s17;
	s20 =	sadd.s32 s7, s20;
	s18 =	sshrl.u32 s18, $0x3  }
0xea: {  	[tilespmem:s0], [sflag:$0x2] =	stream.linear.gather [hbm4b:s20+s4], $0x320, $0x38;
	[tilespmem:$0x1EF00] =	vst v63  }
0xeb: {  	s17 =	sshra.s32 s17, $0x2;
	s18 =	sadd.s32 s7, s18  }
0xec: {  	[tilespmem:s10], [sflag:$0x2] =	stream.linear.gather [hbm4b:s18+s4], $0x320, $0x38;
	[tilespmem:$0x1EF00] =	vst v63  }
0xed: {  	s24 =	sadd.s32 $0x16800, s17  }
0xee: {  	[tilespmem:s11], [sflag:$0x2] =	stream.indirect.gather [hbm4b:s5+s30], $0x80, s24, s30, $0xb8;
	[tilespmem:$0x1EF00] =	vst v63  }
0xef: {  	_ = 	snop  }
0xf0: {  	[tilespmem:s12], [sflag:$0x2] =	stream.indirect.gather [hbm4b:s6+s30], $0x10, s24, s30, $0xb8;
	[tilespmem:$0x1EF00] =	vst v63  }
0xf1: {  	_ =	swait.ge [sflag:s13], $0x320  }
0xf2: {  	[sflag:s13] =	ssyncset.done $0x0  }
0xf3: {  	[sflag:s13] =	ssyncadd.s32 $0xFFFFFCE0  }
0xf4: {  	_ =	swait.ge [sflag:s13], $0x320  }
0xf5: {  	[sflag:s13] =	ssyncset.done $0x0  }
0xf6: {  	[sflag:s13] =	ssyncadd.s32 $0xFFFFFCE0  }
0xf7: {  	_ =	swait.ge [sflag:s13], $0x1900  }
0xf8: {  	[sflag:s13] =	ssyncset.done $0x0  }
0xf9: {  	[sflag:s13] =	ssyncadd.s32 $0xFFFFE700  }
0xfa: {  	_ =	swait.ge [sflag:s13], $0x320  }
0xfb: {  	[sflag:s13] =	ssyncset.done $0x0  }
0xfc: {  	s18 =	simm.s32 $0x1A080;
	[sflag:s13] =	ssyncadd.s32 $0xFFFFFCE0  }
0xfd: {  	v1 =	vld [tilespmem:s18+$0xFFFFFFF0]  }
0xfe: {  	v2 =	vld [tilespmem:s18+$0x30]  }
0xff: {  	v3 =	vld [tilespmem:s18+$0xFFFFFFD0]  }
0x100: {  	s20 =	simm.s32 $0x193C0;
	v4 =	vld [tilespmem:s18+$0xFFFFFFC0]  }
0x101: {  	v5 =	vld [tilespmem:s20+$0x0]  }
0x102: {  	v6 =	vld [tilespmem:s18+$0xFFFFFFE0]  }
0x103: {  	v7 =	vld [tilespmem:s18+$0x10]  }
0x104: {  	s21 =	simm.s32 $0x310;
	v8 =	vld [tilespmem:s18+$0x0]  }
0x105: {  	v9 =	vld [tilespmem:s21+$0x19A00]  }
0x106: {  	v10 =	vld [tilespmem:s18+$0x20];
	v4 =	vmul.f32 v4, v5  }
0x107: {  	v1 =	vmul.f32 v1, v5  }
0x108: {  	v6 =	vmul.f32 v6, v5;
	[tilespmem:s18+$0xFFFFFFC0] =	vst v4  }
0x109: {  	v3 =	vmul.f32 v3, v5;
	[tilespmem:s18+$0xFFFFFFF0] =	vst v1  }
0x10a: {  	[tilespmem:s18+$0xFFFFFFE0] =	vst v6;
	v1 =	vmul.f32 v8, v9;
	v4 =	vmul.f32 v2, v9  }
0x10b: {  	s22 =	simm.s32 $0xC00;
	s23 =	simm.s32 $0x1A100;
	s21 =	sshll.u32 s16, $0x1;
	[tilespmem:s18+$0xFFFFFFD0] =	vst v3;
	v3 =	vmul.f32 v7, v9;
	v2 =	vmul.f32 v10, v9  }
.LBB2_5:
0x10c: {  	p0 =	sne.s32 s22, $0x0  }
0x10d: {  	v5 =	vld [tilespmem:s23+$0xFFFFFFF0];
	[tilespmem:s18+$0x30] =	vst v4;
	s20 =	sadd.s32 $0x10, s20;
	s24 =	smov.u32 s22;
	s22 =	sadd.s32 $0xFFFFFFC0, s22  }
0x10e: {  	v4 =	vld [tilespmem:s23+$0x30];
	[tilespmem:s18+$0x0] =	vst v1  }
0x10f: {  	v1 =	vld [tilespmem:s23+$0xFFFFFFD0];
	[tilespmem:s18+$0x10] =	vst v3  }
0x110: {  	v3 =	vld [tilespmem:s23+$0xFFFFFFC0];
	[tilespmem:s18+$0x20] =	vst v2;
	s18 =	smov.u32 s23  }
0x111: {  	v2 =	vld [tilespmem:s20+$0x0]  }
0x112: {  	v6 =	vld [tilespmem:s23+$0xFFFFFFE0]  }
0x113: {  	v7 =	vld [tilespmem:s23+$0x10]  }
0x114: {  	s24 =	sshra.s32 s24, $0x2;
	v8 =	vld [tilespmem:s23+$0x0]  }
0x115: {  	v9 =	vld [tilespmem:s24+$0x19A00]  }
0x116: {  	v3 =	vmul.f32 v3, v2;
	v10 =	vmul.f32 v1, v2;
	v11 =	vld [tilespmem:s23+$0x20]  }
.Ltmp1:
0x117: {  	v1 =	vmul.f32 v6, v2;
	v2 =	vmul.f32 v5, v2;
	(pc) =	sbr.rel @p0 .LBB2_5-.Ltmp1, $4  }
0x118: {  	[tilespmem:s23+$0xFFFFFFC0] =	vst v3  }
0x119: {  	[tilespmem:s23+$0xFFFFFFF0] =	vst v2  }
0x11a: {  	[tilespmem:s23+$0xFFFFFFE0] =	vst v1;
	v1 =	vmul.f32 v8, v9;
	v4 =	vmul.f32 v4, v9  }
0x11b: {  	v3 =	vmul.f32 v7, v9;
	s23 =	sadd.s32 $0x80, s23;
	[tilespmem:s18+$0xFFFFFFD0] =	vst v10;
	v2 =	vmul.f32 v11, v9  }
0x11c: {  	[tilespmem:s18+$0x30] =	vst v4;
	s20 =	smul.u32 $0x1C0, s16  }
0x11d: {  	[tilespmem:s18+$0x0] =	vst v1  }
0x11e: {  	p0 =	seq.s32 s16, $0x31;
	[tilespmem:s18+$0x10] =	vst v3;
	s20 =	sshra.s32 s20, $0x2  }
0x11f: {  	[tilespmem:s18+$0x20] =	vst v2;
	s23 =	sadd.s32 $0x17DE0, s20;
	s20 =	sadd.s32 @!p0 $0x2, s21  }
0x120: {  	[spmem:s2] =	stream.indirect.scatter.add.f32 [tilespmem:s31], [sflag:$0x3], $0x80, s23, s30, $0xb8;
	[tilespmem:$0x1EF00] =	vst v63  }
0x121: {  	s21 =	smul.u32 @!p0 $0x32, s20  }
0x122: {  	_ =	swait.ge [sflag:s26], $0x1900  }
0x123: {  	[sflag:s26] =	ssyncset.done $0x0;
	s18 =	sadd.s32 @!p0 s19, s21  }
0x124: {  	s22 =	simm.s32 @!p0 $0x0;
	[sflag:s26] =	ssyncadd.s32 $0xFFFFE700;
	s21 =	sshll.u32 @!p0 s18, $0x1  }
0x125: {  	[spmem:s3] =	stream.indirect.scatter.add.f32 [tilespmem:s1], [sflag:$0x3], $0x10, s23, s30, $0xb8;
	[tilespmem:$0x1EF00] =	vst v63  }
0x126: {  	s18 =	sshll.u32 @!p0 s18, $0x4;
	s21 =	sand.u32 @!p0 $0x1FFFFFF8, s21;
	_ =	swait.ge [sflag:s26], $0x320  }
0x127: {  	s23 =	simm.s32 @!p0 $0x193C0;
	s18 =	ssub.s32 @!p0 $0x270CE0, s18;
	[sflag:s26] =	ssyncset.done $0x0  }
0x128: {  	s21 =	sadd.s32 @!p0 s7, s21;
	s18 =	sshrl.u32 @!p0 s18, $0x3;
	[sflag:s26] =	ssyncadd.s32 $0xFFFFFCE0  }
0x129: {  	[tilespmem:s23], [sflag:$0x1] =	stream.linear.gather @!p0 [hbm4b:s21+s22], $0x320, $0x38;
	[tilespmem:$0x1EF00] =	vst v63  }
0x12a: {  	s20 =	smul.u32 @!p0 $0xE0, s20;
	s18 =	sadd.s32 @!p0 s7, s18;
	s21 =	simm.s32 @!p0 $0x19A00  }
0x12b: {  	[tilespmem:s21], [sflag:$0x1] =	stream.linear.gather @!p0 [hbm4b:s18+s22], $0x320, $0x38;
	[tilespmem:$0x1EF00] =	vst v63  }
0x12c: {  	s18 =	sshra.s32 @!p0 s20, $0x2  }
0x12d: {  	s20 =	simm.s32 @!p0 $0x32;
	s21 =	simm.s32 @!p0 $0x1A040;
	s18 =	sadd.s32 @!p0 $0x16800, s18  }
0x12e: {  	[tilespmem:s21], [sflag:$0x1] =	stream.indirect.gather @!p0 [hbm4b:s5+s20], $0x80, s18, s20, $0xb8;
	[tilespmem:$0x1EF00] =	vst v63  }
0x12f: {  	s21 =	simm.s32 @!p0 $0x1D240  }
0x130: {  	[tilespmem:s21], [sflag:$0x1] =	stream.indirect.gather @!p0 [hbm4b:s6+s20], $0x10, s18, s20, $0xb8;
	[tilespmem:$0x1EF00] =	vst v63  }
0x131: {  	_ =	swait.ge [sflag:s14], $0x320  }
0x132: {  	[sflag:s14] =	ssyncset.done $0x0  }
0x133: {  	[sflag:s14] =	ssyncadd.s32 $0xFFFFFCE0  }
0x134: {  	_ =	swait.ge [sflag:s14], $0x320  }
0x135: {  	[sflag:s14] =	ssyncset.done $0x0  }
0x136: {  	[sflag:s14] =	ssyncadd.s32 $0xFFFFFCE0  }
0x137: {  	_ =	swait.ge [sflag:s14], $0x1900  }
0x138: {  	[sflag:s14] =	ssyncset.done $0x0  }
0x139: {  	[sflag:s14] =	ssyncadd.s32 $0xFFFFE700  }
0x13a: {  	_ =	swait.ge [sflag:s14], $0x320  }
0x13b: {  	[sflag:s14] =	ssyncset.done $0x0  }
0x13c: {  	s18 =	simm.s32 $0x1B9B0;
	[sflag:s14] =	ssyncadd.s32 $0xFFFFFCE0  }
0x13d: {  	v2 =	vld [tilespmem:s18+$0xFFFFFFF0]  }
0x13e: {  	v1 =	vld [tilespmem:s18+$0xFFFFFFC0]  }
0x13f: {  	v3 =	vld [tilespmem:s18+$0xFFFFFFA0]  }
0x140: {  	s20 =	simm.s32 $0x196E0;
	v4 =	vld [tilespmem:s18+$0xFFFFFF90]  }
0x141: {  	v5 =	vld [tilespmem:s20+$0x0]  }
0x142: {  	v6 =	vld [tilespmem:s18+$0xFFFFFFB0]  }
0x143: {  	v7 =	vld [tilespmem:s18+$0x0]  }
0x144: {  	s24 =	simm.s32 $0x630;
	v8 =	vld [tilespmem:s18+$0xFFFFFFD0]  }
0x145: {  	v9 =	vld [tilespmem:s24+$0x19A00]  }
0x146: {  	v10 =	vld [tilespmem:s18+$0xFFFFFFE0];
	v4 =	vmul.f32 v4, v5  }
0x147: {  	v1 =	vmul.f32 v1, v5  }
0x148: {  	v6 =	vmul.f32 v6, v5;
	[tilespmem:s18+$0xFFFFFF90] =	vst v4  }
0x149: {  	v3 =	vmul.f32 v3, v5;
	[tilespmem:s18+$0xFFFFFFC0] =	vst v1  }
0x14a: {  	v2 =	vmul.f32 v2, v9;
	[tilespmem:s18+$0xFFFFFFB0] =	vst v6;
	v1 =	vmul.f32 v8, v9  }
0x14b: {  	s22 =	simm.s32 $0x1BA30;
	s21 =	simm.s32 $0x1880;
	v4 =	vmul.f32 v7, v9;
	[tilespmem:s18+$0xFFFFFFA0] =	vst v3;
	v3 =	vmul.f32 v10, v9  }
.LBB2_7:
0x14c: {  	p0 =	sne.s32 s21, $0xC80  }
0x14d: {  	v5 =	vld [tilespmem:s22+$0xFFFFFFF0];
	[tilespmem:s18+$0x0] =	vst v4;
	s20 =	sadd.s32 $0x10, s20;
	s23 =	smov.u32 s21;
	s21 =	sadd.s32 $0xFFFFFFC0, s21  }
0x14e: {  	v4 =	vld [tilespmem:s22+$0xFFFFFFC0];
	[tilespmem:s18+$0xFFFFFFD0] =	vst v1  }
0x14f: {  	v1 =	vld [tilespmem:s22+$0xFFFFFFA0];
	[tilespmem:s18+$0xFFFFFFE0] =	vst v3  }
0x150: {  	v3 =	vld [tilespmem:s22+$0xFFFFFF90];
	[tilespmem:s18+$0xFFFFFFF0] =	vst v2;
	s18 =	smov.u32 s22  }
0x151: {  	v2 =	vld [tilespmem:s20+$0x0]  }
0x152: {  	v6 =	vld [tilespmem:s22+$0xFFFFFFB0]  }
0x153: {  	v7 =	vld [tilespmem:s22+$0x0]  }
0x154: {  	s23 =	sshra.s32 s23, $0x2;
	v8 =	vld [tilespmem:s22+$0xFFFFFFD0]  }
0x155: {  	v9 =	vld [tilespmem:s23+$0x19A00]  }
0x156: {  	v3 =	vmul.f32 v3, v2;
	v10 =	vmul.f32 v1, v2;
	v11 =	vld [tilespmem:s22+$0xFFFFFFE0]  }
.Ltmp2:
0x157: {  	v1 =	vmul.f32 v6, v2;
	v2 =	vmul.f32 v4, v2;
	(pc) =	sbr.rel @p0 .LBB2_7-.Ltmp2, $4  }
0x158: {  	[tilespmem:s22+$0xFFFFFF90] =	vst v3  }
0x159: {  	[tilespmem:s22+$0xFFFFFFC0] =	vst v2  }
0x15a: {  	[tilespmem:s22+$0xFFFFFFB0] =	vst v1;
	v1 =	vmul.f32 v8, v9;
	v4 =	vmul.f32 v7, v9  }
0x15b: {  	v2 =	vmul.f32 v5, v9;
	s22 =	sadd.s32 $0x80, s22;
	[tilespmem:s18+$0xFFFFFFA0] =	vst v10;
	v3 =	vmul.f32 v11, v9  }
0x15c: {  	[tilespmem:s18+$0x0] =	vst v4  }
0x15d: {  	[tilespmem:s18+$0xFFFFFFD0] =	vst v1  }
0x15e: {  	[tilespmem:s18+$0xFFFFFFE0] =	vst v3  }
0x15f: {  	s17 =	sadd.s32 $0x17DE0, s17;
	[tilespmem:s18+$0xFFFFFFF0] =	vst v2  }
0x160: {  	[spmem:s2] =	stream.indirect.scatter.add.f32 [tilespmem:s11], [sflag:$0x3], $0x80, s17, s30, $0xb8;
	[tilespmem:$0x1EF00] =	vst v63  }
0x161: {  	s16 =	sadd.s32 $0x1, s16;
	_ =	swait.ge [sflag:s26], $0x1900  }
0x162: {  	p0 =	sne.s32 s16, $0x32;
	[sflag:s26] =	ssyncset.done $0x0  }
.Ltmp3:
0x163: {  	[sflag:s26] =	ssyncadd.s32 $0xFFFFE700;
	(pc) =	sbr.rel @p0 .LBB2_4-.Ltmp3, $4  }
0x164: {  	[spmem:s3] =	stream.indirect.scatter.add.f32 [tilespmem:s12], [sflag:$0x3], $0x10, s17, s30, $0xb8;
	[tilespmem:$0x1EF00] =	vst v63  }
0x165: {  	_ =	swait.ge [sflag:s26], $0x320  }
0x166: {  	[sflag:s26] =	ssyncset.done $0x0  }
0x167: {  	[sflag:s26] =	ssyncadd.s32 $0xFFFFFCE0  }
0x168: {  	[bflag:$0x0] =	sbarrier.arrive $0xFFFF  }
0x169: {  	s16 =	stileid.u32;
	s18 =	sld [smem:$0x7FB]  }
0x16a: {  	s16 =	sshll.u32 s16, $0x6  }
0x16b: {  	s17 =	sshrl.u32 s8, $0x3;
	s16 =	sor.u32 $0x1C03, s16  }
0x16c: {  	[hbm:s18], [sflag:s16] =	dma.local [spmem:s17], $0x2800  }
0x16d: {  	_ =	swait.ge [sflag:s26], $0x2800  }
0x16e: {  	s23 =	sld [smem:$0x7FC]  }
0x16f: {  	[sflag:s26] =	ssyncset.done $0x0  }
0x170: {  	s22 =	sshrl.u32 s9, $0x3;
	[sflag:s26] =	ssyncadd.s32 $0xFFFFD800  }
0x171: {  	[hbm:s23], [sflag:s16] =	dma.local [spmem:s22], $0x500  }
0x172: {  	_ =	swait.ge [sflag:s26], $0x500  }
0x173: {  	s24 =	sld [smem:$0x7FD];
	_ =	sdelay $0x1  }
0x174: {  	s15 =	sadd.s32 $0x1, s15  }
0x175: {  	p0 =	sne.s32 s15, s24  }
.Ltmp4:
0x176: {  	_ = 	snop;
	(pc) =	sbr.rel @p0 .LBB2_1-.Ltmp4, $3  }
0x177: {  	_ =	sdelay $0x1  }
0x178: {  	[sflag:s26] =	ssyncset.done $0x0  }
0x179: {  	[sflag:s26] =	ssyncadd.s32 $0xFFFFFB00  }
0x17a: {  	_ =	sfence.sel $0x180000  }
0x17b: {  	[bflag:$0x0] =	sbarrier.arrive $0xFFFF  }
0x17c: {  	_ =	strace $0x90000047  }
0x17d: {  	s0 =	stileid.u32;
	[bflag:$0x2] =	sbarrier.arrive $0xFFFF  }
0x17e: {  	p0 =	sne.s32 s0, $0x0;
	s0 =	rddreg [dreg:$0x3]  }
0x17f: {  	s0 =	sadd.s32 @!p0 $0x100000, s0  }
0x180: {  	[sflag:s0] =	ssyncadd.tile.s32 @!p0 $0x1;
	_ =	shalt  }
.Lfunc_end2:
_tile_overlayer_lowered:
.L_overlay_start_2:
0x181: {  	(tag) =	ssettag $0x2  }
0x182: {  	s0 =	rddreg [dreg:$0x0];
	s2 =	stileid.u32  }
0x183: {  	s1 =	rddreg [dreg:$0x1];
	p0 =	sne.s32 s2, $0x0  }
0x184: {  	s3 =	rddreg [dreg:$0x2];
	[bflag:$0x3] =	sbarrier.arrive $0xFFFF;
	s2 =	simm.s32 @!p0 $0x1C03  }
0x185: {  	[timem:s3], [sflag:s2] =	dma.local @!p0 [hbm:s0], s1  }
0x186: {  	s0 =	simm.s32 @!p0 $0x3  }
0x187: {  	_ =	swait.ge @!p0 [sflag:s0], s1  }
0x188: {  	s1 =	ssub.s32 @!p0 $0x0, s1;
	[sflag:s0] =	ssyncset.done @!p0 $0x0  }
0x189: {  	[sflag:s0] =	ssyncadd.s32 @!p0 s1  }
0x18a: {  	[bflag:$0x3] =	sbarrier.arrive $0xFFFF  }
0x18b: {  	_ =	shalt  }

</sc_bundles>
